<compile_context>
chip_gen: v7x
topology: tpu7x:2x2x1
jax: 0.10.2.dev20260603
libtpu: 0.0.44.dev20260713+nightly
codegen_flags: <defaults>
</compile_context>

<pallas_src>
import functools

import jax
import jax.numpy as jnp
from jax import lax
from jax.experimental import pallas as pl
from jax.experimental.pallas import tpu as pltpu
from jax.experimental.pallas import tpu_sc as plsc

N_FIELDS = 26
EMBED_DIM = 16
BATCH = 4096
FIELD_DIM = 4000
TOTAL = FIELD_DIM * N_FIELDS

NC, NS, L = 2, 16, 16
TAB_PER_SC = N_FIELDS // NC


def _sc_body(
    wt_hbm, xt_hbm, out_hbm, vrow_v, xrows_v, orow_v, sp_x, vsem, xsems, osems
):
    c = lax.axis_index("c")
    t = lax.axis_index("s")

    pltpu.sync_copy(xt_hbm.at[t], sp_x.at[t])

    @pl.when(t < N_FIELDS - NS)
    def _stage_rest():
        pltpu.sync_copy(xt_hbm.at[t + NS], sp_x.at[t + NS])

    plsc.subcore_barrier()

    @pl.loop(0, TAB_PER_SC)
    def _tab(j):
        i = j * NC + c
        vcp = pltpu.async_copy(wt_hbm.at[i, t, :], vrow_v, vsem)
        for p in range(2):
            pltpu.async_copy(sp_x.at[p], xrows_v[p], xsems[p])

        @pl.when(j > 0)
        def _drain_tail():
            for p in range(2):
                pltpu.make_async_copy(
                    orow_v.at[p], out_hbm.at[i, p, t, :], osems[p]
                ).wait()

        vcp.wait()

        @pl.loop(0, N_FIELDS, step=2)
        def _field2(f0):
            for p in range(2):
                f = f0 + p
                pltpu.make_async_copy(
                    sp_x.at[f], xrows_v[p], xsems[p]
                ).wait()

                @pl.when(f0 > 0)
                def _drain_prev():
                    pltpu.make_async_copy(
                        orow_v.at[p], out_hbm.at[i, f, t, :], osems[p]
                    ).wait()

                offv = jnp.full((L,), f * FIELD_DIM, jnp.int32)

                @plsc.parallel_loop(0, L, unroll=4)
                def _gatherq(q):
                    for r in range(8):
                        vi = xrows_v[p][q, pl.ds(r * L, L)]
                        lo = (vi & jnp.int32(0xFFFF)) + offv
                        hi = lax.shift_right_logical(vi, jnp.int32(16)) + offv
                        b0 = q * 16 * L + r * 2 * L
                        orow_v[p, pl.ds(b0, L)] = plsc.load_gather(vrow_v, [lo])
                        orow_v[p, pl.ds(b0 + L, L)] = plsc.load_gather(vrow_v, [hi])

                @pl.when(f + 2 < N_FIELDS)
                def _next_idx():
                    pltpu.async_copy(sp_x.at[f + 2], xrows_v[p], xsems[p])

                pltpu.async_copy(orow_v.at[p], out_hbm.at[i, f, t, :], osems[p])

    for p in range(2):
        pltpu.make_async_copy(
            orow_v.at[p], out_hbm.at[0, p, t, :], osems[p]
        ).wait()


@functools.lru_cache(maxsize=1)
def _build_call():
    mesh = plsc.VectorSubcoreMesh(
        core_axis_name="c", subcore_axis_name="s", num_cores=NC, num_subcores=NS
    )
    return pl.kernel(
        _sc_body,
        out_type=jax.ShapeDtypeStruct(
            (N_FIELDS, N_FIELDS, EMBED_DIM, BATCH), jnp.float32
        ),
        mesh=mesh,
        scratch_types=[
            pltpu.VMEM((TOTAL,), jnp.float32),
            [pltpu.VMEM((L, 2 * L * 4), jnp.int32)] * 2,
            pltpu.VMEM((2, BATCH), jnp.float32),
            pltpu.VMEM_SHARED((N_FIELDS, L, 2 * L * 4), jnp.int32),
            pltpu.SemaphoreType.DMA,
            [pltpu.SemaphoreType.DMA] * 2,
            [pltpu.SemaphoreType.DMA] * 2,
        ],
        compiler_params=pltpu.CompilerParams(
            use_tc_tiling_on_sc=True, needs_layout_passes=False
        ),
    )


def kernel(x, W):
    wt = jnp.transpose(W, (0, 2, 1))
    xi = jnp.transpose(x, (1, 0)).reshape(N_FIELDS, BATCH // (2 * L), 2, L)
    xs = (xi[:, :, 0, :] | (xi[:, :, 1, :] << 16)).reshape(N_FIELDS, L, 2 * L * 4)
    out = _build_call()(wt, xs)
    return jnp.transpose(out, (0, 3, 1, 2))

# --- scband reference (transcript-rebuilt; emitter-appended) ---
"""Pipeline reference for scband-field-aware-embedding-50053548868029 (READ-ONLY COPY).

The authoritative reference and input builder live on the scoring server;
editing this copy changes nothing except your own understanding.
"""

import jax, jax.numpy as jnp
import numpy as np

FIELD_DIMS = [4000] * 26
EMBED_DIM = 16
BATCH = 4096
N_FIELDS = len(FIELD_DIMS)
TOTAL = sum(FIELD_DIMS)
OFFSETS = np.array((0, *np.cumsum(FIELD_DIMS)[:-1]), dtype=np.int32)


def setup_inputs(seed: int = 0) -> dict:
    key = jax.random.key(seed)
    kx, kw = jax.random.split(key)
    x = jax.random.randint(kx, (BATCH, N_FIELDS), 0, 4000, dtype=jnp.int32)
    # xavier_uniform bound for each [TOTAL, EMBED_DIM] table
    bound = float(np.sqrt(6.0 / (TOTAL + EMBED_DIM)))
    W = jax.random.uniform(kw, (N_FIELDS, TOTAL, EMBED_DIM), minval=-bound, maxval=bound, dtype=jnp.float32)
    return {"x": x, "W": W}


def reference(x, W):
    # x: [B, n_fields] int; W: [n_fields, total_dims, embed_dim] stacked field-aware tables
    offsets = jnp.asarray(OFFSETS, dtype=x.dtype)
    xo = x + offsets[None, :]  # global indices into the concatenated vocab
    # one full lookup per field-aware table, as in the torch ModuleList
    field_embs = [jnp.take(W[i], xo, axis=0) for i in range(N_FIELDS)]  # each [B, n_fields, embed_dim]
    # torch module returns a python list; stack for a single array output
    return jnp.stack(field_embs, axis=0)  # [n_fields, B, n_fields, embed_dim]

if __name__ == "__main__":
    import jax
    _d = setup_inputs()
    print(jax.jit(kernel)(*tuple(_d.values())))

</pallas_src>

<mosaic_0001>
#map = affine_map<(d0, d1) -> (0, 0, 0)>
#map1 = affine_map<(d0, d1) -> (0, 0, 0, 0)>
module attributes {stable_mosaic.version = 14 : i64} {
  func.func @_sc_body(%arg0: i32, %arg1: i32, %arg2: memref<26x16x104000xf32, #tpu.memory_space<hbm>>, %arg3: memref<26x16x128xi32, #tpu.memory_space<hbm>>, %arg4: memref<26x26x16x4096xf32, #tpu.memory_space<hbm>>, %arg5: memref<104000xf32, #tpu.memory_space<vmem>>, %arg6: memref<16x128xi32, #tpu.memory_space<vmem>>, %arg7: memref<16x128xi32, #tpu.memory_space<vmem>>, %arg8: memref<2x4096xf32, #tpu.memory_space<vmem>>, %arg9: memref<26x16x128xi32, #tpu.memory_space<vmem_shared>>, %arg10: memref<!tpu.dma_semaphore, #tpu.memory_space<semaphore_mem>>, %arg11: memref<!tpu.dma_semaphore, #tpu.memory_space<semaphore_mem>>, %arg12: memref<!tpu.dma_semaphore, #tpu.memory_space<semaphore_mem>>, %arg13: memref<!tpu.dma_semaphore, #tpu.memory_space<semaphore_mem>>, %arg14: memref<!tpu.dma_semaphore, #tpu.memory_space<semaphore_mem>>) attributes {dimension_semantics = [#tpu.dimension_semantics<core_parallel>, #tpu.dimension_semantics<subcore_parallel>], iteration_bounds = array<i64: 2, 16>, scalar_prefetch = 0 : i64, scratch_operands = 10 : i64, tpu.core_type = #tpu.core_type<sc_vector_subcore>, window_params = [{transform_indices = #map}, {transform_indices = #map}, {transform_indices = #map1}]} {
    "tpu.region"() ({
      %run_scoped3A = tpu.sem_alloc : memref<!tpu.dma_semaphore, #tpu.memory_space<semaphore_mem>>
      %dma_start3A = arith.constant 0 : i32
      %dma_start3A_35 = arith.constant 0 : i32
      %dma_start3A_36 = tpu.memref_slice %arg9[%arg1, %dma_start3A, %dma_start3A_35] : memref<26x16x128xi32, #tpu.memory_space<vmem_shared>> -> memref<1x16x128xi32, #tpu.memory_space<vmem_shared>>
      %dma_start3A_37 = tpu.memref_squeeze %dma_start3A_36 : memref<1x16x128xi32, #tpu.memory_space<vmem_shared>> -> memref<16x128xi32, #tpu.memory_space<vmem_shared>>
      %dma_start3A_38 = arith.constant 0 : i32
      %dma_start3A_39 = arith.constant 0 : i32
      %dma_start3A_40 = tpu.memref_slice %arg3[%arg1, %dma_start3A_38, %dma_start3A_39] : memref<26x16x128xi32, #tpu.memory_space<hbm>> -> memref<1x16x128xi32, #tpu.memory_space<hbm>>
      %dma_start3A_41 = tpu.memref_squeeze %dma_start3A_40 : memref<1x16x128xi32, #tpu.memory_space<hbm>> -> memref<16x128xi32, #tpu.memory_space<hbm>>
      tpu.enqueue_dma source(%dma_start3A_41 : memref<16x128xi32, #tpu.memory_space<hbm>>) target(%dma_start3A_37 : memref<16x128xi32, #tpu.memory_space<vmem_shared>>) target_semaphore(%run_scoped3A : memref<!tpu.dma_semaphore, #tpu.memory_space<semaphore_mem>>)
      %dma_wait3A_42 = arith.constant 0 : i32
      %dma_wait3A_43 = arith.constant 0 : i32
      %dma_wait3A_44 = tpu.memref_slice %arg9[%arg1, %dma_wait3A_42, %dma_wait3A_43] : memref<26x16x128xi32, #tpu.memory_space<vmem_shared>> -> memref<1x16x128xi32, #tpu.memory_space<vmem_shared>>
      %dma_wait3A_45 = tpu.memref_squeeze %dma_wait3A_44 : memref<1x16x128xi32, #tpu.memory_space<vmem_shared>> -> memref<16x128xi32, #tpu.memory_space<vmem_shared>>
      %dma_wait3A_46 = arith.constant 0 : i32
      %dma_wait3A_47 = arith.constant 0 : i32
      %dma_wait3A_48 = tpu.memref_slice %arg3[%arg1, %dma_wait3A_46, %dma_wait3A_47] : memref<26x16x128xi32, #tpu.memory_space<hbm>> -> memref<1x16x128xi32, #tpu.memory_space<hbm>>
      %dma_wait3A_49 = tpu.memref_squeeze %dma_wait3A_48 : memref<1x16x128xi32, #tpu.memory_space<hbm>> -> memref<16x128xi32, #tpu.memory_space<hbm>>
      tpu.wait_dma2 semaphore(%run_scoped3A : memref<!tpu.dma_semaphore, #tpu.memory_space<semaphore_mem>>) src(%dma_wait3A_49 : memref<16x128xi32, #tpu.memory_space<hbm>>) dst(%dma_wait3A_45 : memref<16x128xi32, #tpu.memory_space<vmem_shared>>)
      tpu.yield
    }) : () -> ()
    %lt3A = arith.constant 10 : i32
    %lt3A_0 = arith.cmpi slt, %arg1, %lt3A : i32
    %convert_element_type3A = arith.extui %lt3A_0 : i1 to i32
    %cond3A = arith.constant 0 : i32
    %cond3A_1 = arith.cmpi ne, %convert_element_type3A, %cond3A : i32
    scf.if %cond3A_1 {
      %add3A = arith.constant 16 : i32
      %add3A_35 = arith.addi %arg1, %add3A : i32
      %add3A_36 = arith.constant 16 : i32
      %add3A_37 = arith.addi %arg1, %add3A_36 : i32
      "tpu.region"() ({
        %run_scoped3A = tpu.sem_alloc : memref<!tpu.dma_semaphore, #tpu.memory_space<semaphore_mem>>
        %dma_start3A = arith.constant 0 : i32
        %dma_start3A_38 = arith.constant 0 : i32
        %dma_start3A_39 = tpu.memref_slice %arg9[%add3A_37, %dma_start3A, %dma_start3A_38] : memref<26x16x128xi32, #tpu.memory_space<vmem_shared>> -> memref<1x16x128xi32, #tpu.memory_space<vmem_shared>>
        %dma_start3A_40 = tpu.memref_squeeze %dma_start3A_39 : memref<1x16x128xi32, #tpu.memory_space<vmem_shared>> -> memref<16x128xi32, #tpu.memory_space<vmem_shared>>
        %dma_start3A_41 = arith.constant 0 : i32
        %dma_start3A_42 = arith.constant 0 : i32
        %dma_start3A_43 = tpu.memref_slice %arg3[%add3A_35, %dma_start3A_41, %dma_start3A_42] : memref<26x16x128xi32, #tpu.memory_space<hbm>> -> memref<1x16x128xi32, #tpu.memory_space<hbm>>
        %dma_start3A_44 = tpu.memref_squeeze %dma_start3A_43 : memref<1x16x128xi32, #tpu.memory_space<hbm>> -> memref<16x128xi32, #tpu.memory_space<hbm>>
        tpu.enqueue_dma source(%dma_start3A_44 : memref<16x128xi32, #tpu.memory_space<hbm>>) target(%dma_start3A_40 : memref<16x128xi32, #tpu.memory_space<vmem_shared>>) target_semaphore(%run_scoped3A : memref<!tpu.dma_semaphore, #tpu.memory_space<semaphore_mem>>)
        %dma_wait3A_45 = arith.constant 0 : i32
        %dma_wait3A_46 = arith.constant 0 : i32
        %dma_wait3A_47 = tpu.memref_slice %arg9[%add3A_37, %dma_wait3A_45, %dma_wait3A_46] : memref<26x16x128xi32, #tpu.memory_space<vmem_shared>> -> memref<1x16x128xi32, #tpu.memory_space<vmem_shared>>
        %dma_wait3A_48 = tpu.memref_squeeze %dma_wait3A_47 : memref<1x16x128xi32, #tpu.memory_space<vmem_shared>> -> memref<16x128xi32, #tpu.memory_space<vmem_shared>>
        %dma_wait3A_49 = arith.constant 0 : i32
        %dma_wait3A_50 = arith.constant 0 : i32
        %dma_wait3A_51 = tpu.memref_slice %arg3[%add3A_35, %dma_wait3A_49, %dma_wait3A_50] : memref<26x16x128xi32, #tpu.memory_space<hbm>> -> memref<1x16x128xi32, #tpu.memory_space<hbm>>
        %dma_wait3A_52 = tpu.memref_squeeze %dma_wait3A_51 : memref<1x16x128xi32, #tpu.memory_space<hbm>> -> memref<16x128xi32, #tpu.memory_space<hbm>>
        tpu.wait_dma2 semaphore(%run_scoped3A : memref<!tpu.dma_semaphore, #tpu.memory_space<semaphore_mem>>) src(%dma_wait3A_52 : memref<16x128xi32, #tpu.memory_space<hbm>>) dst(%dma_wait3A_48 : memref<16x128xi32, #tpu.memory_space<vmem_shared>>)
        tpu.yield
      }) : () -> ()
    } else {
    }
    %barrier3A = arith.constant 0 : index
    tpu.barrier barrier_id(%barrier3A)
    %scan3A = arith.constant 0 : i32
    %scan3A_2 = arith.constant 13 : i32
    %scan3A_3 = arith.addi %scan3A, %scan3A_2 : i32
    %scan3A_4 = arith.constant 1 : i32
    scf.for %scan3A_35 = %scan3A to %scan3A_3 step %scan3A_4  : i32 {
      %mul3A = arith.constant 1 : i32
      %mul3A_36 = arith.muli %scan3A_35, %mul3A : i32
      %add3A = arith.constant 0 : i32
      %add3A_37 = arith.addi %add3A, %mul3A_36 : i32
      %mul3A_38 = arith.constant 2 : i32
      %mul3A_39 = arith.muli %add3A_37, %mul3A_38 : i32
      %add3A_40 = arith.addi %mul3A_39, %arg0 : i32
      %dma_start3A = arith.constant 0 : i32
      %dma_start3A_41 = tpu.memref_slice %arg2[%add3A_40, %arg1, %dma_start3A] : memref<26x16x104000xf32, #tpu.memory_space<hbm>> -> memref<1x1x104000xf32, #tpu.memory_space<hbm>>
      %dma_start3A_42 = tpu.memref_squeeze %dma_start3A_41 : memref<1x1x104000xf32, #tpu.memory_space<hbm>> -> memref<104000xf32, #tpu.memory_space<hbm>>
      %dma_start3A_43 = arith.constant 0 : i32
      %dma_start3A_44 = tpu.memref_slice %arg2[%add3A_40, %arg1, %dma_start3A_43] : memref<26x16x104000xf32, #tpu.memory_space<hbm>> -> memref<1x1x104000xf32, #tpu.memory_space<hbm>>
      %dma_start3A_45 = tpu.memref_squeeze %dma_start3A_44 : memref<1x1x104000xf32, #tpu.memory_space<hbm>> -> memref<104000xf32, #tpu.memory_space<hbm>>
      tpu.enqueue_dma source(%dma_start3A_45 : memref<104000xf32, #tpu.memory_space<hbm>>) target(%arg5 : memref<104000xf32, #tpu.memory_space<vmem>>) target_semaphore(%arg10 : memref<!tpu.dma_semaphore, #tpu.memory_space<semaphore_mem>>)
      %dma_start3A_46 = arith.constant 0 : i32
      %dma_start3A_47 = arith.constant 0 : i32
      %dma_start3A_48 = arith.constant 0 : i32
      %dma_start3A_49 = tpu.memref_slice %arg9[%dma_start3A_46, %dma_start3A_47, %dma_start3A_48] : memref<26x16x128xi32, #tpu.memory_space<vmem_shared>> -> memref<1x16x128xi32, #tpu.memory_space<vmem_shared>>
      %dma_start3A_50 = tpu.memref_squeeze %dma_start3A_49 : memref<1x16x128xi32, #tpu.memory_space<vmem_shared>> -> memref<16x128xi32, #tpu.memory_space<vmem_shared>>
      %dma_start3A_51 = arith.constant 0 : i32
      %dma_start3A_52 = arith.constant 0 : i32
      %dma_start3A_53 = tpu.memref_slice %arg9[%dma_start3A_46, %dma_start3A_51, %dma_start3A_52] : memref<26x16x128xi32, #tpu.memory_space<vmem_shared>> -> memref<1x16x128xi32, #tpu.memory_space<vmem_shared>>
      %dma_start3A_54 = tpu.memref_squeeze %dma_start3A_53 : memref<1x16x128xi32, #tpu.memory_space<vmem_shared>> -> memref<16x128xi32, #tpu.memory_space<vmem_shared>>
      tpu.enqueue_dma source(%dma_start3A_54 : memref<16x128xi32, #tpu.memory_space<vmem_shared>>) target(%arg6 : memref<16x128xi32, #tpu.memory_space<vmem>>) target_semaphore(%arg11 : memref<!tpu.dma_semaphore, #tpu.memory_space<semaphore_mem>>)
      %dma_start3A_55 = arith.constant 1 : i32
      %dma_start3A_56 = arith.constant 0 : i32
      %dma_start3A_57 = arith.constant 0 : i32
      %dma_start3A_58 = tpu.memref_slice %arg9[%dma_start3A_55, %dma_start3A_56, %dma_start3A_57] : memref<26x16x128xi32, #tpu.memory_space<vmem_shared>> -> memref<1x16x128xi32, #tpu.memory_space<vmem_shared>>
      %dma_start3A_59 = tpu.memref_squeeze %dma_start3A_58 : memref<1x16x128xi32, #tpu.memory_space<vmem_shared>> -> memref<16x128xi32, #tpu.memory_space<vmem_shared>>
      %dma_start3A_60 = arith.constant 0 : i32
      %dma_start3A_61 = arith.constant 0 : i32
      %dma_start3A_62 = tpu.memref_slice %arg9[%dma_start3A_55, %dma_start3A_60, %dma_start3A_61] : memref<26x16x128xi32, #tpu.memory_space<vmem_shared>> -> memref<1x16x128xi32, #tpu.memory_space<vmem_shared>>
      %dma_start3A_63 = tpu.memref_squeeze %dma_start3A_62 : memref<1x16x128xi32, #tpu.memory_space<vmem_shared>> -> memref<16x128xi32, #tpu.memory_space<vmem_shared>>
      tpu.enqueue_dma source(%dma_start3A_63 : memref<16x128xi32, #tpu.memory_space<vmem_shared>>) target(%arg7 : memref<16x128xi32, #tpu.memory_space<vmem>>) target_semaphore(%arg12 : memref<!tpu.dma_semaphore, #tpu.memory_space<semaphore_mem>>)
      %gt3A = arith.constant 0 : i32
      %gt3A_64 = arith.cmpi sgt, %add3A_37, %gt3A : i32
      %convert_element_type3A_65 = arith.extui %gt3A_64 : i1 to i32
      %cond3A_66 = arith.constant 0 : i32
      %cond3A_67 = arith.cmpi ne, %convert_element_type3A_65, %cond3A_66 : i32
      scf.if %cond3A_67 {
        %dma_wait3A_79 = arith.constant 0 : i32
        %dma_wait3A_80 = arith.constant 0 : i32
        %dma_wait3A_81 = arith.constant 0 : i32
        %dma_wait3A_82 = tpu.memref_slice %arg8[%dma_wait3A_79, %dma_wait3A_81] : memref<2x4096xf32, #tpu.memory_space<vmem>> -> memref<1x4096xf32, #tpu.memory_space<vmem>>
        %dma_wait3A_83 = tpu.memref_squeeze %dma_wait3A_82 : memref<1x4096xf32, #tpu.memory_space<vmem>> -> memref<4096xf32, #tpu.memory_space<vmem>>
        %dma_wait3A_84 = arith.constant 0 : i32
        %dma_wait3A_85 = tpu.memref_slice %arg4[%add3A_40, %dma_wait3A_80, %arg1, %dma_wait3A_84] : memref<26x26x16x4096xf32, #tpu.memory_space<hbm>> -> memref<1x1x1x4096xf32, #tpu.memory_space<hbm>>
        %dma_wait3A_86 = tpu.memref_squeeze %dma_wait3A_85 : memref<1x1x1x4096xf32, #tpu.memory_space<hbm>> -> memref<4096xf32, #tpu.memory_space<hbm>>
        %dma_wait3A_87 = arith.constant 0 : i32
        %dma_wait3A_88 = tpu.memref_slice %arg4[%add3A_40, %dma_wait3A_80, %arg1, %dma_wait3A_87] : memref<26x26x16x4096xf32, #tpu.memory_space<hbm>> -> memref<1x1x1x4096xf32, #tpu.memory_space<hbm>>
        %dma_wait3A_89 = tpu.memref_squeeze %dma_wait3A_88 : memref<1x1x1x4096xf32, #tpu.memory_space<hbm>> -> memref<4096xf32, #tpu.memory_space<hbm>>
        %dma_wait3A_90 = arith.constant 0 : i32
        %dma_wait3A_91 = tpu.memref_slice %arg8[%dma_wait3A_79, %dma_wait3A_90] : memref<2x4096xf32, #tpu.memory_space<vmem>> -> memref<1x4096xf32, #tpu.memory_space<vmem>>
        %dma_wait3A_92 = tpu.memref_squeeze %dma_wait3A_91 : memref<1x4096xf32, #tpu.memory_space<vmem>> -> memref<4096xf32, #tpu.memory_space<vmem>>
        tpu.wait_dma2 semaphore(%arg13 : memref<!tpu.dma_semaphore, #tpu.memory_space<semaphore_mem>>) src(%dma_wait3A_92 : memref<4096xf32, #tpu.memory_space<vmem>>) dst(%dma_wait3A_89 : memref<4096xf32, #tpu.memory_space<hbm>>)
        %dma_wait3A_93 = arith.constant 1 : i32
        %dma_wait3A_94 = arith.constant 1 : i32
        %dma_wait3A_95 = arith.constant 0 : i32
        %dma_wait3A_96 = tpu.memref_slice %arg8[%dma_wait3A_93, %dma_wait3A_95] : memref<2x4096xf32, #tpu.memory_space<vmem>> -> memref<1x4096xf32, #tpu.memory_space<vmem>>
        %dma_wait3A_97 = tpu.memref_squeeze %dma_wait3A_96 : memref<1x4096xf32, #tpu.memory_space<vmem>> -> memref<4096xf32, #tpu.memory_space<vmem>>
        %dma_wait3A_98 = arith.constant 0 : i32
        %dma_wait3A_99 = tpu.memref_slice %arg4[%add3A_40, %dma_wait3A_94, %arg1, %dma_wait3A_98] : memref<26x26x16x4096xf32, #tpu.memory_space<hbm>> -> memref<1x1x1x4096xf32, #tpu.memory_space<hbm>>
        %dma_wait3A_100 = tpu.memref_squeeze %dma_wait3A_99 : memref<1x1x1x4096xf32, #tpu.memory_space<hbm>> -> memref<4096xf32, #tpu.memory_space<hbm>>
        %dma_wait3A_101 = arith.constant 0 : i32
        %dma_wait3A_102 = tpu.memref_slice %arg4[%add3A_40, %dma_wait3A_94, %arg1, %dma_wait3A_101] : memref<26x26x16x4096xf32, #tpu.memory_space<hbm>> -> memref<1x1x1x4096xf32, #tpu.memory_space<hbm>>
        %dma_wait3A_103 = tpu.memref_squeeze %dma_wait3A_102 : memref<1x1x1x4096xf32, #tpu.memory_space<hbm>> -> memref<4096xf32, #tpu.memory_space<hbm>>
        %dma_wait3A_104 = arith.constant 0 : i32
        %dma_wait3A_105 = tpu.memref_slice %arg8[%dma_wait3A_93, %dma_wait3A_104] : memref<2x4096xf32, #tpu.memory_space<vmem>> -> memref<1x4096xf32, #tpu.memory_space<vmem>>
        %dma_wait3A_106 = tpu.memref_squeeze %dma_wait3A_105 : memref<1x4096xf32, #tpu.memory_space<vmem>> -> memref<4096xf32, #tpu.memory_space<vmem>>
        tpu.wait_dma2 semaphore(%arg14 : memref<!tpu.dma_semaphore, #tpu.memory_space<semaphore_mem>>) src(%dma_wait3A_106 : memref<4096xf32, #tpu.memory_space<vmem>>) dst(%dma_wait3A_103 : memref<4096xf32, #tpu.memory_space<hbm>>)
      } else {
      }
      %dma_wait3A_68 = arith.constant 0 : i32
      %dma_wait3A_69 = tpu.memref_slice %arg2[%add3A_40, %arg1, %dma_wait3A_68] : memref<26x16x104000xf32, #tpu.memory_space<hbm>> -> memref<1x1x104000xf32, #tpu.memory_space<hbm>>
      %dma_wait3A_70 = tpu.memref_squeeze %dma_wait3A_69 : memref<1x1x104000xf32, #tpu.memory_space<hbm>> -> memref<104000xf32, #tpu.memory_space<hbm>>
      %dma_wait3A_71 = arith.constant 0 : i32
      %dma_wait3A_72 = tpu.memref_slice %arg2[%add3A_40, %arg1, %dma_wait3A_71] : memref<26x16x104000xf32, #tpu.memory_space<hbm>> -> memref<1x1x104000xf32, #tpu.memory_space<hbm>>
      %dma_wait3A_73 = tpu.memref_squeeze %dma_wait3A_72 : memref<1x1x104000xf32, #tpu.memory_space<hbm>> -> memref<104000xf32, #tpu.memory_space<hbm>>
      tpu.wait_dma2 semaphore(%arg10 : memref<!tpu.dma_semaphore, #tpu.memory_space<semaphore_mem>>) src(%dma_wait3A_73 : memref<104000xf32, #tpu.memory_space<hbm>>) dst(%arg5 : memref<104000xf32, #tpu.memory_space<vmem>>)
      %scan3A_74 = arith.constant 0 : i32
      %scan3A_75 = arith.constant 13 : i32
      %scan3A_76 = arith.addi %scan3A_74, %scan3A_75 : i32
      %scan3A_77 = arith.constant 1 : i32
      scf.for %scan3A_79 = %scan3A_74 to %scan3A_76 step %scan3A_77  : i32 {
        %mul3A_80 = arith.constant 2 : i32
        %mul3A_81 = arith.muli %scan3A_79, %mul3A_80 : i32
        %add3A_82 = arith.constant 0 : i32
        %add3A_83 = arith.addi %add3A_82, %mul3A_81 : i32
        %add3A_84 = arith.constant 0 : i32
        %add3A_85 = arith.addi %add3A_83, %add3A_84 : i32
        %dma_wait3A_86 = arith.constant 0 : i32
        %dma_wait3A_87 = arith.constant 0 : i32
        %dma_wait3A_88 = tpu.memref_slice %arg9[%add3A_85, %dma_wait3A_86, %dma_wait3A_87] : memref<26x16x128xi32, #tpu.memory_space<vmem_shared>> -> memref<1x16x128xi32, #tpu.memory_space<vmem_shared>>
        %dma_wait3A_89 = tpu.memref_squeeze %dma_wait3A_88 : memref<1x16x128xi32, #tpu.memory_space<vmem_shared>> -> memref<16x128xi32, #tpu.memory_space<vmem_shared>>
        %dma_wait3A_90 = arith.constant 0 : i32
        %dma_wait3A_91 = arith.constant 0 : i32
        %dma_wait3A_92 = tpu.memref_slice %arg9[%add3A_85, %dma_wait3A_90, %dma_wait3A_91] : memref<26x16x128xi32, #tpu.memory_space<vmem_shared>> -> memref<1x16x128xi32, #tpu.memory_space<vmem_shared>>
        %dma_wait3A_93 = tpu.memref_squeeze %dma_wait3A_92 : memref<1x16x128xi32, #tpu.memory_space<vmem_shared>> -> memref<16x128xi32, #tpu.memory_space<vmem_shared>>
        tpu.wait_dma2 semaphore(%arg11 : memref<!tpu.dma_semaphore, #tpu.memory_space<semaphore_mem>>) src(%dma_wait3A_93 : memref<16x128xi32, #tpu.memory_space<vmem_shared>>) dst(%arg6 : memref<16x128xi32, #tpu.memory_space<vmem>>)
        %gt3A_94 = arith.constant 0 : i32
        %gt3A_95 = arith.cmpi sgt, %add3A_83, %gt3A_94 : i32
        %convert_element_type3A_96 = arith.extui %gt3A_95 : i1 to i32
        %cond3A_97 = arith.constant 0 : i32
        %cond3A_98 = arith.cmpi ne, %convert_element_type3A_96, %cond3A_97 : i32
        scf.if %cond3A_98 {
          %dma_wait3A_164 = arith.constant 0 : i32
          %dma_wait3A_165 = arith.constant 0 : i32
          %dma_wait3A_166 = tpu.memref_slice %arg8[%dma_wait3A_164, %dma_wait3A_165] : memref<2x4096xf32, #tpu.memory_space<vmem>> -> memref<1x4096xf32, #tpu.memory_space<vmem>>
          %dma_wait3A_167 = tpu.memref_squeeze %dma_wait3A_166 : memref<1x4096xf32, #tpu.memory_space<vmem>> -> memref<4096xf32, #tpu.memory_space<vmem>>
          %dma_wait3A_168 = arith.constant 0 : i32
          %dma_wait3A_169 = tpu.memref_slice %arg4[%add3A_40, %add3A_85, %arg1, %dma_wait3A_168] : memref<26x26x16x4096xf32, #tpu.memory_space<hbm>> -> memref<1x1x1x4096xf32, #tpu.memory_space<hbm>>
          %dma_wait3A_170 = tpu.memref_squeeze %dma_wait3A_169 : memref<1x1x1x4096xf32, #tpu.memory_space<hbm>> -> memref<4096xf32, #tpu.memory_space<hbm>>
          %dma_wait3A_171 = arith.constant 0 : i32
          %dma_wait3A_172 = tpu.memref_slice %arg4[%add3A_40, %add3A_85, %arg1, %dma_wait3A_171] : memref<26x26x16x4096xf32, #tpu.memory_space<hbm>> -> memref<1x1x1x4096xf32, #tpu.memory_space<hbm>>
          %dma_wait3A_173 = tpu.memref_squeeze %dma_wait3A_172 : memref<1x1x1x4096xf32, #tpu.memory_space<hbm>> -> memref<4096xf32, #tpu.memory_space<hbm>>
          %dma_wait3A_174 = arith.constant 0 : i32
          %dma_wait3A_175 = tpu.memref_slice %arg8[%dma_wait3A_164, %dma_wait3A_174] : memref<2x4096xf32, #tpu.memory_space<vmem>> -> memref<1x4096xf32, #tpu.memory_space<vmem>>
          %dma_wait3A_176 = tpu.memref_squeeze %dma_wait3A_175 : memref<1x4096xf32, #tpu.memory_space<vmem>> -> memref<4096xf32, #tpu.memory_space<vmem>>
          tpu.wait_dma2 semaphore(%arg13 : memref<!tpu.dma_semaphore, #tpu.memory_space<semaphore_mem>>) src(%dma_wait3A_176 : memref<4096xf32, #tpu.memory_space<vmem>>) dst(%dma_wait3A_173 : memref<4096xf32, #tpu.memory_space<hbm>>)
        } else {
        }
        %mul3A_99 = arith.constant 4000 : i32
        %mul3A_100 = arith.muli %add3A_85, %mul3A_99 : i32
        %broadcast_in_dim3A = vector.broadcast %mul3A_100 : i32 to vector<16xi32>
        %parallel_loop3A = arith.constant 0 : i32
        %parallel_loop3A_101 = arith.constant 16 : i32
        %parallel_loop3A_102 = arith.constant 1 : i32
        scf.for %parallel_loop3A_164 = %parallel_loop3A to %parallel_loop3A_101 step %parallel_loop3A_102  : i32 {
          %parallel_loop3A_165 = arith.index_cast %parallel_loop3A_164 : i32 to index
          %parallel_loop3A_166 = arith.constant 0 : index
          %parallel_loop3A_167 = tpu.vector_load %arg6[%parallel_loop3A_165, %parallel_loop3A_166] {strides = array<i32>} : memref<16x128xi32, #tpu.memory_space<vmem>>, vector<16xi32>,
          %parallel_loop3A_168 = arith.constant 65535 : i32
          %parallel_loop3A_169 = vector.broadcast %parallel_loop3A_168 : i32 to vector<16xi32>
          %parallel_loop3A_170 = arith.andi %parallel_loop3A_167, %parallel_loop3A_169 : vector<16xi32>
          %parallel_loop3A_171 = arith.addi %parallel_loop3A_170, %broadcast_in_dim3A : vector<16xi32>
          %parallel_loop3A_172 = arith.constant 16 : i32
          %parallel_loop3A_173 = vector.broadcast %parallel_loop3A_172 : i32 to vector<16xi32>
          %parallel_loop3A_174 = arith.shrui %parallel_loop3A_167, %parallel_loop3A_173 : vector<16xi32>
          %parallel_loop3A_175 = arith.addi %parallel_loop3A_174, %broadcast_in_dim3A : vector<16xi32>
          %parallel_loop3A_176 = arith.constant 16 : i32
          %parallel_loop3A_177 = arith.muli %parallel_loop3A_164, %parallel_loop3A_176 : i32
          %parallel_loop3A_178 = arith.constant 16 : i32
          %parallel_loop3A_179 = arith.muli %parallel_loop3A_177, %parallel_loop3A_178 : i32
          %parallel_loop3A_180 = arith.constant 0 : i32
          %parallel_loop3A_181 = arith.addi %parallel_loop3A_179, %parallel_loop3A_180 : i32
          %parallel_loop3A_182 = tpu.vector_load_idx %arg5[%parallel_loop3A_171] : memref<104000xf32, #tpu.memory_space<vmem>>[vector<16xi32>], vector<16xf32>,
          %parallel_loop3A_183 = arith.constant 0 : i32
          %parallel_loop3A_184 = arith.index_cast %parallel_loop3A_183 : i32 to index
          %parallel_loop3A_185 = arith.index_cast %parallel_loop3A_181 : i32 to index
          %parallel_loop3A_186 = tpu.vector_load %arg8[%parallel_loop3A_184, %parallel_loop3A_185] {strides = array<i32>} : memref<2x4096xf32, #tpu.memory_space<vmem>>, vector<16xf32>,
          tpu.vector_store %arg8[%parallel_loop3A_184, %parallel_loop3A_185], %parallel_loop3A_182 {strides = array<i32>} : memref<2x4096xf32, #tpu.memory_space<vmem>>, vector<16xf32>,
          %parallel_loop3A_187 = tpu.vector_load_idx %arg5[%parallel_loop3A_175] : memref<104000xf32, #tpu.memory_space<vmem>>[vector<16xi32>], vector<16xf32>,
          %parallel_loop3A_188 = arith.constant 16 : i32
          %parallel_loop3A_189 = arith.addi %parallel_loop3A_181, %parallel_loop3A_188 : i32
          %parallel_loop3A_190 = arith.constant 0 : i32
          %parallel_loop3A_191 = arith.index_cast %parallel_loop3A_190 : i32 to index
          %parallel_loop3A_192 = arith.index_cast %parallel_loop3A_189 : i32 to index
          %parallel_loop3A_193 = tpu.vector_load %arg8[%parallel_loop3A_191, %parallel_loop3A_192] {strides = array<i32>} : memref<2x4096xf32, #tpu.memory_space<vmem>>, vector<16xf32>,
          tpu.vector_store %arg8[%parallel_loop3A_191, %parallel_loop3A_192], %parallel_loop3A_187 {strides = array<i32>} : memref<2x4096xf32, #tpu.memory_space<vmem>>, vector<16xf32>,
          %parallel_loop3A_194 = arith.index_cast %parallel_loop3A_164 : i32 to index
          %parallel_loop3A_195 = arith.constant 16 : index
          %parallel_loop3A_196 = tpu.vector_load %arg6[%parallel_loop3A_194, %parallel_loop3A_195] {strides = array<i32>} : memref<16x128xi32, #tpu.memory_space<vmem>>, vector<16xi32>,
          %parallel_loop3A_197 = arith.constant 65535 : i32
          %parallel_loop3A_198 = vector.broadcast %parallel_loop3A_197 : i32 to vector<16xi32>
          %parallel_loop3A_199 = arith.andi %parallel_loop3A_196, %parallel_loop3A_198 : vector<16xi32>
          %parallel_loop3A_200 = arith.addi %parallel_loop3A_199, %broadcast_in_dim3A : vector<16xi32>
          %parallel_loop3A_201 = arith.constant 16 : i32
          %parallel_loop3A_202 = vector.broadcast %parallel_loop3A_201 : i32 to vector<16xi32>
          %parallel_loop3A_203 = arith.shrui %parallel_loop3A_196, %parallel_loop3A_202 : vector<16xi32>
          %parallel_loop3A_204 = arith.addi %parallel_loop3A_203, %broadcast_in_dim3A : vector<16xi32>
          %parallel_loop3A_205 = arith.constant 16 : i32
          %parallel_loop3A_206 = arith.muli %parallel_loop3A_164, %parallel_loop3A_205 : i32
          %parallel_loop3A_207 = arith.constant 16 : i32
          %parallel_loop3A_208 = arith.muli %parallel_loop3A_206, %parallel_loop3A_207 : i32
          %parallel_loop3A_209 = arith.constant 32 : i32
          %parallel_loop3A_210 = arith.addi %parallel_loop3A_208, %parallel_loop3A_209 : i32
          %parallel_loop3A_211 = tpu.vector_load_idx %arg5[%parallel_loop3A_200] : memref<104000xf32, #tpu.memory_space<vmem>>[vector<16xi32>], vector<16xf32>,
          %parallel_loop3A_212 = arith.constant 0 : i32
          %parallel_loop3A_213 = arith.index_cast %parallel_loop3A_212 : i32 to index
          %parallel_loop3A_214 = arith.index_cast %parallel_loop3A_210 : i32 to index
          %parallel_loop3A_215 = tpu.vector_load %arg8[%parallel_loop3A_213, %parallel_loop3A_214] {strides = array<i32>} : memref<2x4096xf32, #tpu.memory_space<vmem>>, vector<16xf32>,
          tpu.vector_store %arg8[%parallel_loop3A_213, %parallel_loop3A_214], %parallel_loop3A_211 {strides = array<i32>} : memref<2x4096xf32, #tpu.memory_space<vmem>>, vector<16xf32>,
          %parallel_loop3A_216 = tpu.vector_load_idx %arg5[%parallel_loop3A_204] : memref<104000xf32, #tpu.memory_space<vmem>>[vector<16xi32>], vector<16xf32>,
          %parallel_loop3A_217 = arith.constant 16 : i32
          %parallel_loop3A_218 = arith.addi %parallel_loop3A_210, %parallel_loop3A_217 : i32
          %parallel_loop3A_219 = arith.constant 0 : i32
          %parallel_loop3A_220 = arith.index_cast %parallel_loop3A_219 : i32 to index
          %parallel_loop3A_221 = arith.index_cast %parallel_loop3A_218 : i32 to index
          %parallel_loop3A_222 = tpu.vector_load %arg8[%parallel_loop3A_220, %parallel_loop3A_221] {strides = array<i32>} : memref<2x4096xf32, #tpu.memory_space<vmem>>, vector<16xf32>,
          tpu.vector_store %arg8[%parallel_loop3A_220, %parallel_loop3A_221], %parallel_loop3A_216 {strides = array<i32>} : memref<2x4096xf32, #tpu.memory_space<vmem>>, vector<16xf32>,
          %parallel_loop3A_223 = arith.index_cast %parallel_loop3A_164 : i32 to index
          %parallel_loop3A_224 = arith.constant 32 : index
          %parallel_loop3A_225 = tpu.vector_load %arg6[%parallel_loop3A_223, %parallel_loop3A_224] {strides = array<i32>} : memref<16x128xi32, #tpu.memory_space<vmem>>, vector<16xi32>,
          %parallel_loop3A_226 = arith.constant 65535 : i32
          %parallel_loop3A_227 = vector.broadcast %parallel_loop3A_226 : i32 to vector<16xi32>
          %parallel_loop3A_228 = arith.andi %parallel_loop3A_225, %parallel_loop3A_227 : vector<16xi32>
          %parallel_loop3A_229 = arith.addi %parallel_loop3A_228, %broadcast_in_dim3A : vector<16xi32>
          %parallel_loop3A_230 = arith.constant 16 : i32
          %parallel_loop3A_231 = vector.broadcast %parallel_loop3A_230 : i32 to vector<16xi32>
          %parallel_loop3A_232 = arith.shrui %parallel_loop3A_225, %parallel_loop3A_231 : vector<16xi32>
          %parallel_loop3A_233 = arith.addi %parallel_loop3A_232, %broadcast_in_dim3A : vector<16xi32>
          %parallel_loop3A_234 = arith.constant 16 : i32
          %parallel_loop3A_235 = arith.muli %parallel_loop3A_164, %parallel_loop3A_234 : i32
          %parallel_loop3A_236 = arith.constant 16 : i32
          %parallel_loop3A_237 = arith.muli %parallel_loop3A_235, %parallel_loop3A_236 : i32
          %parallel_loop3A_238 = arith.constant 64 : i32
          %parallel_loop3A_239 = arith.addi %parallel_loop3A_237, %parallel_loop3A_238 : i32
          %parallel_loop3A_240 = tpu.vector_load_idx %arg5[%parallel_loop3A_229] : memref<104000xf32, #tpu.memory_space<vmem>>[vector<16xi32>], vector<16xf32>,
          %parallel_loop3A_241 = arith.constant 0 : i32
          %parallel_loop3A_242 = arith.index_cast %parallel_loop3A_241 : i32 to index
          %parallel_loop3A_243 = arith.index_cast %parallel_loop3A_239 : i32 to index
          %parallel_loop3A_244 = tpu.vector_load %arg8[%parallel_loop3A_242, %parallel_loop3A_243] {strides = array<i32>} : memref<2x4096xf32, #tpu.memory_space<vmem>>, vector<16xf32>,
          tpu.vector_store %arg8[%parallel_loop3A_242, %parallel_loop3A_243], %parallel_loop3A_240 {strides = array<i32>} : memref<2x4096xf32, #tpu.memory_space<vmem>>, vector<16xf32>,
          %parallel_loop3A_245 = tpu.vector_load_idx %arg5[%parallel_loop3A_233] : memref<104000xf32, #tpu.memory_space<vmem>>[vector<16xi32>], vector<16xf32>,
          %parallel_loop3A_246 = arith.constant 16 : i32
          %parallel_loop3A_247 = arith.addi %parallel_loop3A_239, %parallel_loop3A_246 : i32
          %parallel_loop3A_248 = arith.constant 0 : i32
          %parallel_loop3A_249 = arith.index_cast %parallel_loop3A_248 : i32 to index
          %parallel_loop3A_250 = arith.index_cast %parallel_loop3A_247 : i32 to index
          %parallel_loop3A_251 = tpu.vector_load %arg8[%parallel_loop3A_249, %parallel_loop3A_250] {strides = array<i32>} : memref<2x4096xf32, #tpu.memory_space<vmem>>, vector<16xf32>,
          tpu.vector_store %arg8[%parallel_loop3A_249, %parallel_loop3A_250], %parallel_loop3A_245 {strides = array<i32>} : memref<2x4096xf32, #tpu.memory_space<vmem>>, vector<16xf32>,
          %parallel_loop3A_252 = arith.index_cast %parallel_loop3A_164 : i32 to index
          %parallel_loop3A_253 = arith.constant 48 : index
          %parallel_loop3A_254 = tpu.vector_load %arg6[%parallel_loop3A_252, %parallel_loop3A_253] {strides = array<i32>} : memref<16x128xi32, #tpu.memory_space<vmem>>, vector<16xi32>,
          %parallel_loop3A_255 = arith.constant 65535 : i32
          %parallel_loop3A_256 = vector.broadcast %parallel_loop3A_255 : i32 to vector<16xi32>
          %parallel_loop3A_257 = arith.andi %parallel_loop3A_254, %parallel_loop3A_256 : vector<16xi32>
          %parallel_loop3A_258 = arith.addi %parallel_loop3A_257, %broadcast_in_dim3A : vector<16xi32>
          %parallel_loop3A_259 = arith.constant 16 : i32
          %parallel_loop3A_260 = vector.broadcast %parallel_loop3A_259 : i32 to vector<16xi32>
          %parallel_loop3A_261 = arith.shrui %parallel_loop3A_254, %parallel_loop3A_260 : vector<16xi32>
          %parallel_loop3A_262 = arith.addi %parallel_loop3A_261, %broadcast_in_dim3A : vector<16xi32>
          %parallel_loop3A_263 = arith.constant 16 : i32
          %parallel_loop3A_264 = arith.muli %parallel_loop3A_164, %parallel_loop3A_263 : i32
          %parallel_loop3A_265 = arith.constant 16 : i32
          %parallel_loop3A_266 = arith.muli %parallel_loop3A_264, %parallel_loop3A_265 : i32
          %parallel_loop3A_267 = arith.constant 96 : i32
          %parallel_loop3A_268 = arith.addi %parallel_loop3A_266, %parallel_loop3A_267 : i32
          %parallel_loop3A_269 = tpu.vector_load_idx %arg5[%parallel_loop3A_258] : memref<104000xf32, #tpu.memory_space<vmem>>[vector<16xi32>], vector<16xf32>,
          %parallel_loop3A_270 = arith.constant 0 : i32
          %parallel_loop3A_271 = arith.index_cast %parallel_loop3A_270 : i32 to index
          %parallel_loop3A_272 = arith.index_cast %parallel_loop3A_268 : i32 to index
          %parallel_loop3A_273 = tpu.vector_load %arg8[%parallel_loop3A_271, %parallel_loop3A_272] {strides = array<i32>} : memref<2x4096xf32, #tpu.memory_space<vmem>>, vector<16xf32>,
          tpu.vector_store %arg8[%parallel_loop3A_271, %parallel_loop3A_272], %parallel_loop3A_269 {strides = array<i32>} : memref<2x4096xf32, #tpu.memory_space<vmem>>, vector<16xf32>,
          %parallel_loop3A_274 = tpu.vector_load_idx %arg5[%parallel_loop3A_262] : memref<104000xf32, #tpu.memory_space<vmem>>[vector<16xi32>], vector<16xf32>,
          %parallel_loop3A_275 = arith.constant 16 : i32
          %parallel_loop3A_276 = arith.addi %parallel_loop3A_268, %parallel_loop3A_275 : i32
          %parallel_loop3A_277 = arith.constant 0 : i32
          %parallel_loop3A_278 = arith.index_cast %parallel_loop3A_277 : i32 to index
          %parallel_loop3A_279 = arith.index_cast %parallel_loop3A_276 : i32 to index
          %parallel_loop3A_280 = tpu.vector_load %arg8[%parallel_loop3A_278, %parallel_loop3A_279] {strides = array<i32>} : memref<2x4096xf32, #tpu.memory_space<vmem>>, vector<16xf32>,
          tpu.vector_store %arg8[%parallel_loop3A_278, %parallel_loop3A_279], %parallel_loop3A_274 {strides = array<i32>} : memref<2x4096xf32, #tpu.memory_space<vmem>>, vector<16xf32>,
          %parallel_loop3A_281 = arith.index_cast %parallel_loop3A_164 : i32 to index
          %parallel_loop3A_282 = arith.constant 64 : index
          %parallel_loop3A_283 = tpu.vector_load %arg6[%parallel_loop3A_281, %parallel_loop3A_282] {strides = array<i32>} : memref<16x128xi32, #tpu.memory_space<vmem>>, vector<16xi32>,
          %parallel_loop3A_284 = arith.constant 65535 : i32
          %parallel_loop3A_285 = vector.broadcast %parallel_loop3A_284 : i32 to vector<16xi32>
          %parallel_loop3A_286 = arith.andi %parallel_loop3A_283, %parallel_loop3A_285 : vector<16xi32>
          %parallel_loop3A_287 = arith.addi %parallel_loop3A_286, %broadcast_in_dim3A : vector<16xi32>
          %parallel_loop3A_288 = arith.constant 16 : i32
          %parallel_loop3A_289 = vector.broadcast %parallel_loop3A_288 : i32 to vector<16xi32>
          %parallel_loop3A_290 = arith.shrui %parallel_loop3A_283, %parallel_loop3A_289 : vector<16xi32>
          %parallel_loop3A_291 = arith.addi %parallel_loop3A_290, %broadcast_in_dim3A : vector<16xi32>
          %parallel_loop3A_292 = arith.constant 16 : i32
          %parallel_loop3A_293 = arith.muli %parallel_loop3A_164, %parallel_loop3A_292 : i32
          %parallel_loop3A_294 = arith.constant 16 : i32
          %parallel_loop3A_295 = arith.muli %parallel_loop3A_293, %parallel_loop3A_294 : i32
          %parallel_loop3A_296 = arith.constant 128 : i32
          %parallel_loop3A_297 = arith.addi %parallel_loop3A_295, %parallel_loop3A_296 : i32
          %parallel_loop3A_298 = tpu.vector_load_idx %arg5[%parallel_loop3A_287] : memref<104000xf32, #tpu.memory_space<vmem>>[vector<16xi32>], vector<16xf32>,
          %parallel_loop3A_299 = arith.constant 0 : i32
          %parallel_loop3A_300 = arith.index_cast %parallel_loop3A_299 : i32 to index
          %parallel_loop3A_301 = arith.index_cast %parallel_loop3A_297 : i32 to index
          %parallel_loop3A_302 = tpu.vector_load %arg8[%parallel_loop3A_300, %parallel_loop3A_301] {strides = array<i32>} : memref<2x4096xf32, #tpu.memory_space<vmem>>, vector<16xf32>,
          tpu.vector_store %arg8[%parallel_loop3A_300, %parallel_loop3A_301], %parallel_loop3A_298 {strides = array<i32>} : memref<2x4096xf32, #tpu.memory_space<vmem>>, vector<16xf32>,
          %parallel_loop3A_303 = tpu.vector_load_idx %arg5[%parallel_loop3A_291] : memref<104000xf32, #tpu.memory_space<vmem>>[vector<16xi32>], vector<16xf32>,
          %parallel_loop3A_304 = arith.constant 16 : i32
          %parallel_loop3A_305 = arith.addi %parallel_loop3A_297, %parallel_loop3A_304 : i32
          %parallel_loop3A_306 = arith.constant 0 : i32
          %parallel_loop3A_307 = arith.index_cast %parallel_loop3A_306 : i32 to index
          %parallel_loop3A_308 = arith.index_cast %parallel_loop3A_305 : i32 to index
          %parallel_loop3A_309 = tpu.vector_load %arg8[%parallel_loop3A_307, %parallel_loop3A_308] {strides = array<i32>} : memref<2x4096xf32, #tpu.memory_space<vmem>>, vector<16xf32>,
          tpu.vector_store %arg8[%parallel_loop3A_307, %parallel_loop3A_308], %parallel_loop3A_303 {strides = array<i32>} : memref<2x4096xf32, #tpu.memory_space<vmem>>, vector<16xf32>,
          %parallel_loop3A_310 = arith.index_cast %parallel_loop3A_164 : i32 to index
          %parallel_loop3A_311 = arith.constant 80 : index
          %parallel_loop3A_312 = tpu.vector_load %arg6[%parallel_loop3A_310, %parallel_loop3A_311] {strides = array<i32>} : memref<16x128xi32, #tpu.memory_space<vmem>>, vector<16xi32>,
          %parallel_loop3A_313 = arith.constant 65535 : i32
          %parallel_loop3A_314 = vector.broadcast %parallel_loop3A_313 : i32 to vector<16xi32>
          %parallel_loop3A_315 = arith.andi %parallel_loop3A_312, %parallel_loop3A_314 : vector<16xi32>
          %parallel_loop3A_316 = arith.addi %parallel_loop3A_315, %broadcast_in_dim3A : vector<16xi32>
          %parallel_loop3A_317 = arith.constant 16 : i32
          %parallel_loop3A_318 = vector.broadcast %parallel_loop3A_317 : i32 to vector<16xi32>
          %parallel_loop3A_319 = arith.shrui %parallel_loop3A_312, %parallel_loop3A_318 : vector<16xi32>
          %parallel_loop3A_320 = arith.addi %parallel_loop3A_319, %broadcast_in_dim3A : vector<16xi32>
          %parallel_loop3A_321 = arith.constant 16 : i32
          %parallel_loop3A_322 = arith.muli %parallel_loop3A_164, %parallel_loop3A_321 : i32
          %parallel_loop3A_323 = arith.constant 16 : i32
          %parallel_loop3A_324 = arith.muli %parallel_loop3A_322, %parallel_loop3A_323 : i32
          %parallel_loop3A_325 = arith.constant 160 : i32
          %parallel_loop3A_326 = arith.addi %parallel_loop3A_324, %parallel_loop3A_325 : i32
          %parallel_loop3A_327 = tpu.vector_load_idx %arg5[%parallel_loop3A_316] : memref<104000xf32, #tpu.memory_space<vmem>>[vector<16xi32>], vector<16xf32>,
          %parallel_loop3A_328 = arith.constant 0 : i32
          %parallel_loop3A_329 = arith.index_cast %parallel_loop3A_328 : i32 to index
          %parallel_loop3A_330 = arith.index_cast %parallel_loop3A_326 : i32 to index
          %parallel_loop3A_331 = tpu.vector_load %arg8[%parallel_loop3A_329, %parallel_loop3A_330] {strides = array<i32>} : memref<2x4096xf32, #tpu.memory_space<vmem>>, vector<16xf32>,
          tpu.vector_store %arg8[%parallel_loop3A_329, %parallel_loop3A_330], %parallel_loop3A_327 {strides = array<i32>} : memref<2x4096xf32, #tpu.memory_space<vmem>>, vector<16xf32>,
          %parallel_loop3A_332 = tpu.vector_load_idx %arg5[%parallel_loop3A_320] : memref<104000xf32, #tpu.memory_space<vmem>>[vector<16xi32>], vector<16xf32>,
          %parallel_loop3A_333 = arith.constant 16 : i32
          %parallel_loop3A_334 = arith.addi %parallel_loop3A_326, %parallel_loop3A_333 : i32
          %parallel_loop3A_335 = arith.constant 0 : i32
          %parallel_loop3A_336 = arith.index_cast %parallel_loop3A_335 : i32 to index
          %parallel_loop3A_337 = arith.index_cast %parallel_loop3A_334 : i32 to index
          %parallel_loop3A_338 = tpu.vector_load %arg8[%parallel_loop3A_336, %parallel_loop3A_337] {strides = array<i32>} : memref<2x4096xf32, #tpu.memory_space<vmem>>, vector<16xf32>,
          tpu.vector_store %arg8[%parallel_loop3A_336, %parallel_loop3A_337], %parallel_loop3A_332 {strides = array<i32>} : memref<2x4096xf32, #tpu.memory_space<vmem>>, vector<16xf32>,
          %parallel_loop3A_339 = arith.index_cast %parallel_loop3A_164 : i32 to index
          %parallel_loop3A_340 = arith.constant 96 : index
          %parallel_loop3A_341 = tpu.vector_load %arg6[%parallel_loop3A_339, %parallel_loop3A_340] {strides = array<i32>} : memref<16x128xi32, #tpu.memory_space<vmem>>, vector<16xi32>,
          %parallel_loop3A_342 = arith.constant 65535 : i32
          %parallel_loop3A_343 = vector.broadcast %parallel_loop3A_342 : i32 to vector<16xi32>
          %parallel_loop3A_344 = arith.andi %parallel_loop3A_341, %parallel_loop3A_343 : vector<16xi32>
          %parallel_loop3A_345 = arith.addi %parallel_loop3A_344, %broadcast_in_dim3A : vector<16xi32>
          %parallel_loop3A_346 = arith.constant 16 : i32
          %parallel_loop3A_347 = vector.broadcast %parallel_loop3A_346 : i32 to vector<16xi32>
          %parallel_loop3A_348 = arith.shrui %parallel_loop3A_341, %parallel_loop3A_347 : vector<16xi32>
          %parallel_loop3A_349 = arith.addi %parallel_loop3A_348, %broadcast_in_dim3A : vector<16xi32>
          %parallel_loop3A_350 = arith.constant 16 : i32
          %parallel_loop3A_351 = arith.muli %parallel_loop3A_164, %parallel_loop3A_350 : i32
          %parallel_loop3A_352 = arith.constant 16 : i32
          %parallel_loop3A_353 = arith.muli %parallel_loop3A_351, %parallel_loop3A_352 : i32
          %parallel_loop3A_354 = arith.constant 192 : i32
          %parallel_loop3A_355 = arith.addi %parallel_loop3A_353, %parallel_loop3A_354 : i32
          %parallel_loop3A_356 = tpu.vector_load_idx %arg5[%parallel_loop3A_345] : memref<104000xf32, #tpu.memory_space<vmem>>[vector<16xi32>], vector<16xf32>,
          %parallel_loop3A_357 = arith.constant 0 : i32
          %parallel_loop3A_358 = arith.index_cast %parallel_loop3A_357 : i32 to index
          %parallel_loop3A_359 = arith.index_cast %parallel_loop3A_355 : i32 to index
          %parallel_loop3A_360 = tpu.vector_load %arg8[%parallel_loop3A_358, %parallel_loop3A_359] {strides = array<i32>} : memref<2x4096xf32, #tpu.memory_space<vmem>>, vector<16xf32>,
          tpu.vector_store %arg8[%parallel_loop3A_358, %parallel_loop3A_359], %parallel_loop3A_356 {strides = array<i32>} : memref<2x4096xf32, #tpu.memory_space<vmem>>, vector<16xf32>,
          %parallel_loop3A_361 = tpu.vector_load_idx %arg5[%parallel_loop3A_349] : memref<104000xf32, #tpu.memory_space<vmem>>[vector<16xi32>], vector<16xf32>,
          %parallel_loop3A_362 = arith.constant 16 : i32
          %parallel_loop3A_363 = arith.addi %parallel_loop3A_355, %parallel_loop3A_362 : i32
          %parallel_loop3A_364 = arith.constant 0 : i32
          %parallel_loop3A_365 = arith.index_cast %parallel_loop3A_364 : i32 to index
          %parallel_loop3A_366 = arith.index_cast %parallel_loop3A_363 : i32 to index
          %parallel_loop3A_367 = tpu.vector_load %arg8[%parallel_loop3A_365, %parallel_loop3A_366] {strides = array<i32>} : memref<2x4096xf32, #tpu.memory_space<vmem>>, vector<16xf32>,
          tpu.vector_store %arg8[%parallel_loop3A_365, %parallel_loop3A_366], %parallel_loop3A_361 {strides = array<i32>} : memref<2x4096xf32, #tpu.memory_space<vmem>>, vector<16xf32>,
          %parallel_loop3A_368 = arith.index_cast %parallel_loop3A_164 : i32 to index
          %parallel_loop3A_369 = arith.constant 112 : index
          %parallel_loop3A_370 = tpu.vector_load %arg6[%parallel_loop3A_368, %parallel_loop3A_369] {strides = array<i32>} : memref<16x128xi32, #tpu.memory_space<vmem>>, vector<16xi32>,
          %parallel_loop3A_371 = arith.constant 65535 : i32
          %parallel_loop3A_372 = vector.broadcast %parallel_loop3A_371 : i32 to vector<16xi32>
          %parallel_loop3A_373 = arith.andi %parallel_loop3A_370, %parallel_loop3A_372 : vector<16xi32>
          %parallel_loop3A_374 = arith.addi %parallel_loop3A_373, %broadcast_in_dim3A : vector<16xi32>
          %parallel_loop3A_375 = arith.constant 16 : i32
          %parallel_loop3A_376 = vector.broadcast %parallel_loop3A_375 : i32 to vector<16xi32>
          %parallel_loop3A_377 = arith.shrui %parallel_loop3A_370, %parallel_loop3A_376 : vector<16xi32>
          %parallel_loop3A_378 = arith.addi %parallel_loop3A_377, %broadcast_in_dim3A : vector<16xi32>
          %parallel_loop3A_379 = arith.constant 16 : i32
          %parallel_loop3A_380 = arith.muli %parallel_loop3A_164, %parallel_loop3A_379 : i32
          %parallel_loop3A_381 = arith.constant 16 : i32
          %parallel_loop3A_382 = arith.muli %parallel_loop3A_380, %parallel_loop3A_381 : i32
          %parallel_loop3A_383 = arith.constant 224 : i32
          %parallel_loop3A_384 = arith.addi %parallel_loop3A_382, %parallel_loop3A_383 : i32
          %parallel_loop3A_385 = tpu.vector_load_idx %arg5[%parallel_loop3A_374] : memref<104000xf32, #tpu.memory_space<vmem>>[vector<16xi32>], vector<16xf32>,
          %parallel_loop3A_386 = arith.constant 0 : i32
          %parallel_loop3A_387 = arith.index_cast %parallel_loop3A_386 : i32 to index
          %parallel_loop3A_388 = arith.index_cast %parallel_loop3A_384 : i32 to index
          %parallel_loop3A_389 = tpu.vector_load %arg8[%parallel_loop3A_387, %parallel_loop3A_388] {strides = array<i32>} : memref<2x4096xf32, #tpu.memory_space<vmem>>, vector<16xf32>,
          tpu.vector_store %arg8[%parallel_loop3A_387, %parallel_loop3A_388], %parallel_loop3A_385 {strides = array<i32>} : memref<2x4096xf32, #tpu.memory_space<vmem>>, vector<16xf32>,
          %parallel_loop3A_390 = tpu.vector_load_idx %arg5[%parallel_loop3A_378] : memref<104000xf32, #tpu.memory_space<vmem>>[vector<16xi32>], vector<16xf32>,
          %parallel_loop3A_391 = arith.constant 16 : i32
          %parallel_loop3A_392 = arith.addi %parallel_loop3A_384, %parallel_loop3A_391 : i32
          %parallel_loop3A_393 = arith.constant 0 : i32
          %parallel_loop3A_394 = arith.index_cast %parallel_loop3A_393 : i32 to index
          %parallel_loop3A_395 = arith.index_cast %parallel_loop3A_392 : i32 to index
          %parallel_loop3A_396 = tpu.vector_load %arg8[%parallel_loop3A_394, %parallel_loop3A_395] {strides = array<i32>} : memref<2x4096xf32, #tpu.memory_space<vmem>>, vector<16xf32>,
          tpu.vector_store %arg8[%parallel_loop3A_394, %parallel_loop3A_395], %parallel_loop3A_390 {strides = array<i32>} : memref<2x4096xf32, #tpu.memory_space<vmem>>, vector<16xf32>,
        } {sc.loop_unroll_factor = 4 : i64, sc.parallel_access}
        %add3A_103 = arith.constant 2 : i32
        %add3A_104 = arith.addi %add3A_85, %add3A_103 : i32
        %lt3A_105 = arith.constant 26 : i32
        %lt3A_106 = arith.cmpi slt, %add3A_104, %lt3A_105 : i32
        %convert_element_type3A_107 = arith.extui %lt3A_106 : i1 to i32
        %cond3A_108 = arith.constant 0 : i32
        %cond3A_109 = arith.cmpi ne, %convert_element_type3A_107, %cond3A_108 : i32
        scf.if %cond3A_109 {
          %add3A_164 = arith.constant 2 : i32
          %add3A_165 = arith.addi %add3A_85, %add3A_164 : i32
          %dma_start3A_166 = arith.constant 0 : i32
          %dma_start3A_167 = arith.constant 0 : i32
          %dma_start3A_168 = tpu.memref_slice %arg9[%add3A_165, %dma_start3A_166, %dma_start3A_167] : memref<26x16x128xi32, #tpu.memory_space<vmem_shared>> -> memref<1x16x128xi32, #tpu.memory_space<vmem_shared>>
          %dma_start3A_169 = tpu.memref_squeeze %dma_start3A_168 : memref<1x16x128xi32, #tpu.memory_space<vmem_shared>> -> memref<16x128xi32, #tpu.memory_space<vmem_shared>>
          %dma_start3A_170 = arith.constant 0 : i32
          %dma_start3A_171 = arith.constant 0 : i32
          %dma_start3A_172 = tpu.memref_slice %arg9[%add3A_165, %dma_start3A_170, %dma_start3A_171] : memref<26x16x128xi32, #tpu.memory_space<vmem_shared>> -> memref<1x16x128xi32, #tpu.memory_space<vmem_shared>>
          %dma_start3A_173 = tpu.memref_squeeze %dma_start3A_172 : memref<1x16x128xi32, #tpu.memory_space<vmem_shared>> -> memref<16x128xi32, #tpu.memory_space<vmem_shared>>
          tpu.enqueue_dma source(%dma_start3A_173 : memref<16x128xi32, #tpu.memory_space<vmem_shared>>) target(%arg6 : memref<16x128xi32, #tpu.memory_space<vmem>>) target_semaphore(%arg11 : memref<!tpu.dma_semaphore, #tpu.memory_space<semaphore_mem>>)
        } else {
        }
        %dma_start3A_110 = arith.constant 0 : i32
        %dma_start3A_111 = arith.constant 0 : i32
        %dma_start3A_112 = tpu.memref_slice %arg8[%dma_start3A_110, %dma_start3A_111] : memref<2x4096xf32, #tpu.memory_space<vmem>> -> memref<1x4096xf32, #tpu.memory_space<vmem>>
        %dma_start3A_113 = tpu.memref_squeeze %dma_start3A_112 : memref<1x4096xf32, #tpu.memory_space<vmem>> -> memref<4096xf32, #tpu.memory_space<vmem>>
        %dma_start3A_114 = arith.constant 0 : i32
        %dma_start3A_115 = tpu.memref_slice %arg4[%add3A_40, %add3A_85, %arg1, %dma_start3A_114] : memref<26x26x16x4096xf32, #tpu.memory_space<hbm>> -> memref<1x1x1x4096xf32, #tpu.memory_space<hbm>>
        %dma_start3A_116 = tpu.memref_squeeze %dma_start3A_115 : memref<1x1x1x4096xf32, #tpu.memory_space<hbm>> -> memref<4096xf32, #tpu.memory_space<hbm>>
        %dma_start3A_117 = arith.constant 0 : i32
        %dma_start3A_118 = tpu.memref_slice %arg4[%add3A_40, %add3A_85, %arg1, %dma_start3A_117] : memref<26x26x16x4096xf32, #tpu.memory_space<hbm>> -> memref<1x1x1x4096xf32, #tpu.memory_space<hbm>>
        %dma_start3A_119 = tpu.memref_squeeze %dma_start3A_118 : memref<1x1x1x4096xf32, #tpu.memory_space<hbm>> -> memref<4096xf32, #tpu.memory_space<hbm>>
        %dma_start3A_120 = arith.constant 0 : i32
        %dma_start3A_121 = tpu.memref_slice %arg8[%dma_start3A_110, %dma_start3A_120] : memref<2x4096xf32, #tpu.memory_space<vmem>> -> memref<1x4096xf32, #tpu.memory_space<vmem>>
        %dma_start3A_122 = tpu.memref_squeeze %dma_start3A_121 : memref<1x4096xf32, #tpu.memory_space<vmem>> -> memref<4096xf32, #tpu.memory_space<vmem>>
        tpu.enqueue_dma source(%dma_start3A_122 : memref<4096xf32, #tpu.memory_space<vmem>>) target(%dma_start3A_119 : memref<4096xf32, #tpu.memory_space<hbm>>) target_semaphore(%arg13 : memref<!tpu.dma_semaphore, #tpu.memory_space<semaphore_mem>>)
        %add3A_123 = arith.constant 1 : i32
        %add3A_124 = arith.addi %add3A_83, %add3A_123 : i32
        %dma_wait3A_125 = arith.constant 0 : i32
        %dma_wait3A_126 = arith.constant 0 : i32
        %dma_wait3A_127 = tpu.memref_slice %arg9[%add3A_124, %dma_wait3A_125, %dma_wait3A_126] : memref<26x16x128xi32, #tpu.memory_space<vmem_shared>> -> memref<1x16x128xi32, #tpu.memory_space<vmem_shared>>
        %dma_wait3A_128 = tpu.memref_squeeze %dma_wait3A_127 : memref<1x16x128xi32, #tpu.memory_space<vmem_shared>> -> memref<16x128xi32, #tpu.memory_space<vmem_shared>>
        %dma_wait3A_129 = arith.constant 0 : i32
        %dma_wait3A_130 = arith.constant 0 : i32
        %dma_wait3A_131 = tpu.memref_slice %arg9[%add3A_124, %dma_wait3A_129, %dma_wait3A_130] : memref<26x16x128xi32, #tpu.memory_space<vmem_shared>> -> memref<1x16x128xi32, #tpu.memory_space<vmem_shared>>
        %dma_wait3A_132 = tpu.memref_squeeze %dma_wait3A_131 : memref<1x16x128xi32, #tpu.memory_space<vmem_shared>> -> memref<16x128xi32, #tpu.memory_space<vmem_shared>>
        tpu.wait_dma2 semaphore(%arg12 : memref<!tpu.dma_semaphore, #tpu.memory_space<semaphore_mem>>) src(%dma_wait3A_132 : memref<16x128xi32, #tpu.memory_space<vmem_shared>>) dst(%arg7 : memref<16x128xi32, #tpu.memory_space<vmem>>)
        %gt3A_133 = arith.constant 0 : i32
        %gt3A_134 = arith.cmpi sgt, %add3A_83, %gt3A_133 : i32
        %convert_element_type3A_135 = arith.extui %gt3A_134 : i1 to i32
        %cond3A_136 = arith.constant 0 : i32
        %cond3A_137 = arith.cmpi ne, %convert_element_type3A_135, %cond3A_136 : i32
        scf.if %cond3A_137 {
          %dma_wait3A_164 = arith.constant 1 : i32
          %dma_wait3A_165 = arith.constant 0 : i32
          %dma_wait3A_166 = tpu.memref_slice %arg8[%dma_wait3A_164, %dma_wait3A_165] : memref<2x4096xf32, #tpu.memory_space<vmem>> -> memref<1x4096xf32, #tpu.memory_space<vmem>>
          %dma_wait3A_167 = tpu.memref_squeeze %dma_wait3A_166 : memref<1x4096xf32, #tpu.memory_space<vmem>> -> memref<4096xf32, #tpu.memory_space<vmem>>
          %dma_wait3A_168 = arith.constant 0 : i32
          %dma_wait3A_169 = tpu.memref_slice %arg4[%add3A_40, %add3A_124, %arg1, %dma_wait3A_168] : memref<26x26x16x4096xf32, #tpu.memory_space<hbm>> -> memref<1x1x1x4096xf32, #tpu.memory_space<hbm>>
          %dma_wait3A_170 = tpu.memref_squeeze %dma_wait3A_169 : memref<1x1x1x4096xf32, #tpu.memory_space<hbm>> -> memref<4096xf32, #tpu.memory_space<hbm>>
          %dma_wait3A_171 = arith.constant 0 : i32
          %dma_wait3A_172 = tpu.memref_slice %arg4[%add3A_40, %add3A_124, %arg1, %dma_wait3A_171] : memref<26x26x16x4096xf32, #tpu.memory_space<hbm>> -> memref<1x1x1x4096xf32, #tpu.memory_space<hbm>>
          %dma_wait3A_173 = tpu.memref_squeeze %dma_wait3A_172 : memref<1x1x1x4096xf32, #tpu.memory_space<hbm>> -> memref<4096xf32, #tpu.memory_space<hbm>>
          %dma_wait3A_174 = arith.constant 0 : i32
          %dma_wait3A_175 = tpu.memref_slice %arg8[%dma_wait3A_164, %dma_wait3A_174] : memref<2x4096xf32, #tpu.memory_space<vmem>> -> memref<1x4096xf32, #tpu.memory_space<vmem>>
          %dma_wait3A_176 = tpu.memref_squeeze %dma_wait3A_175 : memref<1x4096xf32, #tpu.memory_space<vmem>> -> memref<4096xf32, #tpu.memory_space<vmem>>
          tpu.wait_dma2 semaphore(%arg14 : memref<!tpu.dma_semaphore, #tpu.memory_space<semaphore_mem>>) src(%dma_wait3A_176 : memref<4096xf32, #tpu.memory_space<vmem>>) dst(%dma_wait3A_173 : memref<4096xf32, #tpu.memory_space<hbm>>)
        } else {
        }
        %mul3A_138 = arith.constant 4000 : i32
        %mul3A_139 = arith.muli %add3A_124, %mul3A_138 : i32
        %broadcast_in_dim3A_140 = vector.broadcast %mul3A_139 : i32 to vector<16xi32>
        %parallel_loop3A_141 = arith.constant 0 : i32
        %parallel_loop3A_142 = arith.constant 16 : i32
        %parallel_loop3A_143 = arith.constant 1 : i32
        scf.for %parallel_loop3A_164 = %parallel_loop3A_141 to %parallel_loop3A_142 step %parallel_loop3A_143  : i32 {
          %parallel_loop3A_165 = arith.index_cast %parallel_loop3A_164 : i32 to index
          %parallel_loop3A_166 = arith.constant 0 : index
          %parallel_loop3A_167 = tpu.vector_load %arg7[%parallel_loop3A_165, %parallel_loop3A_166] {strides = array<i32>} : memref<16x128xi32, #tpu.memory_space<vmem>>, vector<16xi32>,
          %parallel_loop3A_168 = arith.constant 65535 : i32
          %parallel_loop3A_169 = vector.broadcast %parallel_loop3A_168 : i32 to vector<16xi32>
          %parallel_loop3A_170 = arith.andi %parallel_loop3A_167, %parallel_loop3A_169 : vector<16xi32>
          %parallel_loop3A_171 = arith.addi %parallel_loop3A_170, %broadcast_in_dim3A_140 : vector<16xi32>
          %parallel_loop3A_172 = arith.constant 16 : i32
          %parallel_loop3A_173 = vector.broadcast %parallel_loop3A_172 : i32 to vector<16xi32>
          %parallel_loop3A_174 = arith.shrui %parallel_loop3A_167, %parallel_loop3A_173 : vector<16xi32>
          %parallel_loop3A_175 = arith.addi %parallel_loop3A_174, %broadcast_in_dim3A_140 : vector<16xi32>
          %parallel_loop3A_176 = arith.constant 16 : i32
          %parallel_loop3A_177 = arith.muli %parallel_loop3A_164, %parallel_loop3A_176 : i32
          %parallel_loop3A_178 = arith.constant 16 : i32
          %parallel_loop3A_179 = arith.muli %parallel_loop3A_177, %parallel_loop3A_178 : i32
          %parallel_loop3A_180 = arith.constant 0 : i32
          %parallel_loop3A_181 = arith.addi %parallel_loop3A_179, %parallel_loop3A_180 : i32
          %parallel_loop3A_182 = tpu.vector_load_idx %arg5[%parallel_loop3A_171] : memref<104000xf32, #tpu.memory_space<vmem>>[vector<16xi32>], vector<16xf32>,
          %parallel_loop3A_183 = arith.constant 1 : i32
          %parallel_loop3A_184 = arith.index_cast %parallel_loop3A_183 : i32 to index
          %parallel_loop3A_185 = arith.index_cast %parallel_loop3A_181 : i32 to index
          %parallel_loop3A_186 = tpu.vector_load %arg8[%parallel_loop3A_184, %parallel_loop3A_185] {strides = array<i32>} : memref<2x4096xf32, #tpu.memory_space<vmem>>, vector<16xf32>,
          tpu.vector_store %arg8[%parallel_loop3A_184, %parallel_loop3A_185], %parallel_loop3A_182 {strides = array<i32>} : memref<2x4096xf32, #tpu.memory_space<vmem>>, vector<16xf32>,
          %parallel_loop3A_187 = tpu.vector_load_idx %arg5[%parallel_loop3A_175] : memref<104000xf32, #tpu.memory_space<vmem>>[vector<16xi32>], vector<16xf32>,
          %parallel_loop3A_188 = arith.constant 16 : i32
          %parallel_loop3A_189 = arith.addi %parallel_loop3A_181, %parallel_loop3A_188 : i32
          %parallel_loop3A_190 = arith.constant 1 : i32
          %parallel_loop3A_191 = arith.index_cast %parallel_loop3A_190 : i32 to index
          %parallel_loop3A_192 = arith.index_cast %parallel_loop3A_189 : i32 to index
          %parallel_loop3A_193 = tpu.vector_load %arg8[%parallel_loop3A_191, %parallel_loop3A_192] {strides = array<i32>} : memref<2x4096xf32, #tpu.memory_space<vmem>>, vector<16xf32>,
          tpu.vector_store %arg8[%parallel_loop3A_191, %parallel_loop3A_192], %parallel_loop3A_187 {strides = array<i32>} : memref<2x4096xf32, #tpu.memory_space<vmem>>, vector<16xf32>,
          %parallel_loop3A_194 = arith.index_cast %parallel_loop3A_164 : i32 to index
          %parallel_loop3A_195 = arith.constant 16 : index
          %parallel_loop3A_196 = tpu.vector_load %arg7[%parallel_loop3A_194, %parallel_loop3A_195] {strides = array<i32>} : memref<16x128xi32, #tpu.memory_space<vmem>>, vector<16xi32>,
          %parallel_loop3A_197 = arith.constant 65535 : i32
          %parallel_loop3A_198 = vector.broadcast %parallel_loop3A_197 : i32 to vector<16xi32>
          %parallel_loop3A_199 = arith.andi %parallel_loop3A_196, %parallel_loop3A_198 : vector<16xi32>
          %parallel_loop3A_200 = arith.addi %parallel_loop3A_199, %broadcast_in_dim3A_140 : vector<16xi32>
          %parallel_loop3A_201 = arith.constant 16 : i32
          %parallel_loop3A_202 = vector.broadcast %parallel_loop3A_201 : i32 to vector<16xi32>
          %parallel_loop3A_203 = arith.shrui %parallel_loop3A_196, %parallel_loop3A_202 : vector<16xi32>
          %parallel_loop3A_204 = arith.addi %parallel_loop3A_203, %broadcast_in_dim3A_140 : vector<16xi32>
          %parallel_loop3A_205 = arith.constant 16 : i32
          %parallel_loop3A_206 = arith.muli %parallel_loop3A_164, %parallel_loop3A_205 : i32
          %parallel_loop3A_207 = arith.constant 16 : i32
          %parallel_loop3A_208 = arith.muli %parallel_loop3A_206, %parallel_loop3A_207 : i32
          %parallel_loop3A_209 = arith.constant 32 : i32
          %parallel_loop3A_210 = arith.addi %parallel_loop3A_208, %parallel_loop3A_209 : i32
          %parallel_loop3A_211 = tpu.vector_load_idx %arg5[%parallel_loop3A_200] : memref<104000xf32, #tpu.memory_space<vmem>>[vector<16xi32>], vector<16xf32>,
          %parallel_loop3A_212 = arith.constant 1 : i32
          %parallel_loop3A_213 = arith.index_cast %parallel_loop3A_212 : i32 to index
          %parallel_loop3A_214 = arith.index_cast %parallel_loop3A_210 : i32 to index
          %parallel_loop3A_215 = tpu.vector_load %arg8[%parallel_loop3A_213, %parallel_loop3A_214] {strides = array<i32>} : memref<2x4096xf32, #tpu.memory_space<vmem>>, vector<16xf32>,
          tpu.vector_store %arg8[%parallel_loop3A_213, %parallel_loop3A_214], %parallel_loop3A_211 {strides = array<i32>} : memref<2x4096xf32, #tpu.memory_space<vmem>>, vector<16xf32>,
          %parallel_loop3A_216 = tpu.vector_load_idx %arg5[%parallel_loop3A_204] : memref<104000xf32, #tpu.memory_space<vmem>>[vector<16xi32>], vector<16xf32>,
          %parallel_loop3A_217 = arith.constant 16 : i32
          %parallel_loop3A_218 = arith.addi %parallel_loop3A_210, %parallel_loop3A_217 : i32
          %parallel_loop3A_219 = arith.constant 1 : i32
          %parallel_loop3A_220 = arith.index_cast %parallel_loop3A_219 : i32 to index
          %parallel_loop3A_221 = arith.index_cast %parallel_loop3A_218 : i32 to index
          %parallel_loop3A_222 = tpu.vector_load %arg8[%parallel_loop3A_220, %parallel_loop3A_221] {strides = array<i32>} : memref<2x4096xf32, #tpu.memory_space<vmem>>, vector<16xf32>,
          tpu.vector_store %arg8[%parallel_loop3A_220, %parallel_loop3A_221], %parallel_loop3A_216 {strides = array<i32>} : memref<2x4096xf32, #tpu.memory_space<vmem>>, vector<16xf32>,
          %parallel_loop3A_223 = arith.index_cast %parallel_loop3A_164 : i32 to index
          %parallel_loop3A_224 = arith.constant 32 : index
          %parallel_loop3A_225 = tpu.vector_load %arg7[%parallel_loop3A_223, %parallel_loop3A_224] {strides = array<i32>} : memref<16x128xi32, #tpu.memory_space<vmem>>, vector<16xi32>,
          %parallel_loop3A_226 = arith.constant 65535 : i32
          %parallel_loop3A_227 = vector.broadcast %parallel_loop3A_226 : i32 to vector<16xi32>
          %parallel_loop3A_228 = arith.andi %parallel_loop3A_225, %parallel_loop3A_227 : vector<16xi32>
          %parallel_loop3A_229 = arith.addi %parallel_loop3A_228, %broadcast_in_dim3A_140 : vector<16xi32>
          %parallel_loop3A_230 = arith.constant 16 : i32
          %parallel_loop3A_231 = vector.broadcast %parallel_loop3A_230 : i32 to vector<16xi32>
          %parallel_loop3A_232 = arith.shrui %parallel_loop3A_225, %parallel_loop3A_231 : vector<16xi32>
          %parallel_loop3A_233 = arith.addi %parallel_loop3A_232, %broadcast_in_dim3A_140 : vector<16xi32>
          %parallel_loop3A_234 = arith.constant 16 : i32
          %parallel_loop3A_235 = arith.muli %parallel_loop3A_164, %parallel_loop3A_234 : i32
          %parallel_loop3A_236 = arith.constant 16 : i32
          %parallel_loop3A_237 = arith.muli %parallel_loop3A_235, %parallel_loop3A_236 : i32
          %parallel_loop3A_238 = arith.constant 64 : i32
          %parallel_loop3A_239 = arith.addi %parallel_loop3A_237, %parallel_loop3A_238 : i32
          %parallel_loop3A_240 = tpu.vector_load_idx %arg5[%parallel_loop3A_229] : memref<104000xf32, #tpu.memory_space<vmem>>[vector<16xi32>], vector<16xf32>,
          %parallel_loop3A_241 = arith.constant 1 : i32
          %parallel_loop3A_242 = arith.index_cast %parallel_loop3A_241 : i32 to index
          %parallel_loop3A_243 = arith.index_cast %parallel_loop3A_239 : i32 to index
          %parallel_loop3A_244 = tpu.vector_load %arg8[%parallel_loop3A_242, %parallel_loop3A_243] {strides = array<i32>} : memref<2x4096xf32, #tpu.memory_space<vmem>>, vector<16xf32>,
          tpu.vector_store %arg8[%parallel_loop3A_242, %parallel_loop3A_243], %parallel_loop3A_240 {strides = array<i32>} : memref<2x4096xf32, #tpu.memory_space<vmem>>, vector<16xf32>,
          %parallel_loop3A_245 = tpu.vector_load_idx %arg5[%parallel_loop3A_233] : memref<104000xf32, #tpu.memory_space<vmem>>[vector<16xi32>], vector<16xf32>,
          %parallel_loop3A_246 = arith.constant 16 : i32
          %parallel_loop3A_247 = arith.addi %parallel_loop3A_239, %parallel_loop3A_246 : i32
          %parallel_loop3A_248 = arith.constant 1 : i32
          %parallel_loop3A_249 = arith.index_cast %parallel_loop3A_248 : i32 to index
          %parallel_loop3A_250 = arith.index_cast %parallel_loop3A_247 : i32 to index
          %parallel_loop3A_251 = tpu.vector_load %arg8[%parallel_loop3A_249, %parallel_loop3A_250] {strides = array<i32>} : memref<2x4096xf32, #tpu.memory_space<vmem>>, vector<16xf32>,
          tpu.vector_store %arg8[%parallel_loop3A_249, %parallel_loop3A_250], %parallel_loop3A_245 {strides = array<i32>} : memref<2x4096xf32, #tpu.memory_space<vmem>>, vector<16xf32>,
          %parallel_loop3A_252 = arith.index_cast %parallel_loop3A_164 : i32 to index
          %parallel_loop3A_253 = arith.constant 48 : index
          %parallel_loop3A_254 = tpu.vector_load %arg7[%parallel_loop3A_252, %parallel_loop3A_253] {strides = array<i32>} : memref<16x128xi32, #tpu.memory_space<vmem>>, vector<16xi32>,
          %parallel_loop3A_255 = arith.constant 65535 : i32
          %parallel_loop3A_256 = vector.broadcast %parallel_loop3A_255 : i32 to vector<16xi32>
          %parallel_loop3A_257 = arith.andi %parallel_loop3A_254, %parallel_loop3A_256 : vector<16xi32>
          %parallel_loop3A_258 = arith.addi %parallel_loop3A_257, %broadcast_in_dim3A_140 : vector<16xi32>
          %parallel_loop3A_259 = arith.constant 16 : i32
          %parallel_loop3A_260 = vector.broadcast %parallel_loop3A_259 : i32 to vector<16xi32>
          %parallel_loop3A_261 = arith.shrui %parallel_loop3A_254, %parallel_loop3A_260 : vector<16xi32>
          %parallel_loop3A_262 = arith.addi %parallel_loop3A_261, %broadcast_in_dim3A_140 : vector<16xi32>
          %parallel_loop3A_263 = arith.constant 16 : i32
          %parallel_loop3A_264 = arith.muli %parallel_loop3A_164, %parallel_loop3A_263 : i32
          %parallel_loop3A_265 = arith.constant 16 : i32
          %parallel_loop3A_266 = arith.muli %parallel_loop3A_264, %parallel_loop3A_265 : i32
          %parallel_loop3A_267 = arith.constant 96 : i32
          %parallel_loop3A_268 = arith.addi %parallel_loop3A_266, %parallel_loop3A_267 : i32
          %parallel_loop3A_269 = tpu.vector_load_idx %arg5[%parallel_loop3A_258] : memref<104000xf32, #tpu.memory_space<vmem>>[vector<16xi32>], vector<16xf32>,
          %parallel_loop3A_270 = arith.constant 1 : i32
          %parallel_loop3A_271 = arith.index_cast %parallel_loop3A_270 : i32 to index
          %parallel_loop3A_272 = arith.index_cast %parallel_loop3A_268 : i32 to index
          %parallel_loop3A_273 = tpu.vector_load %arg8[%parallel_loop3A_271, %parallel_loop3A_272] {strides = array<i32>} : memref<2x4096xf32, #tpu.memory_space<vmem>>, vector<16xf32>,
          tpu.vector_store %arg8[%parallel_loop3A_271, %parallel_loop3A_272], %parallel_loop3A_269 {strides = array<i32>} : memref<2x4096xf32, #tpu.memory_space<vmem>>, vector<16xf32>,
          %parallel_loop3A_274 = tpu.vector_load_idx %arg5[%parallel_loop3A_262] : memref<104000xf32, #tpu.memory_space<vmem>>[vector<16xi32>], vector<16xf32>,
          %parallel_loop3A_275 = arith.constant 16 : i32
          %parallel_loop3A_276 = arith.addi %parallel_loop3A_268, %parallel_loop3A_275 : i32
          %parallel_loop3A_277 = arith.constant 1 : i32
          %parallel_loop3A_278 = arith.index_cast %parallel_loop3A_277 : i32 to index
          %parallel_loop3A_279 = arith.index_cast %parallel_loop3A_276 : i32 to index
          %parallel_loop3A_280 = tpu.vector_load %arg8[%parallel_loop3A_278, %parallel_loop3A_279] {strides = array<i32>} : memref<2x4096xf32, #tpu.memory_space<vmem>>, vector<16xf32>,
          tpu.vector_store %arg8[%parallel_loop3A_278, %parallel_loop3A_279], %parallel_loop3A_274 {strides = array<i32>} : memref<2x4096xf32, #tpu.memory_space<vmem>>, vector<16xf32>,
          %parallel_loop3A_281 = arith.index_cast %parallel_loop3A_164 : i32 to index
          %parallel_loop3A_282 = arith.constant 64 : index
          %parallel_loop3A_283 = tpu.vector_load %arg7[%parallel_loop3A_281, %parallel_loop3A_282] {strides = array<i32>} : memref<16x128xi32, #tpu.memory_space<vmem>>, vector<16xi32>,
          %parallel_loop3A_284 = arith.constant 65535 : i32
          %parallel_loop3A_285 = vector.broadcast %parallel_loop3A_284 : i32 to vector<16xi32>
          %parallel_loop3A_286 = arith.andi %parallel_loop3A_283, %parallel_loop3A_285 : vector<16xi32>
          %parallel_loop3A_287 = arith.addi %parallel_loop3A_286, %broadcast_in_dim3A_140 : vector<16xi32>
          %parallel_loop3A_288 = arith.constant 16 : i32
          %parallel_loop3A_289 = vector.broadcast %parallel_loop3A_288 : i32 to vector<16xi32>
          %parallel_loop3A_290 = arith.shrui %parallel_loop3A_283, %parallel_loop3A_289 : vector<16xi32>
          %parallel_loop3A_291 = arith.addi %parallel_loop3A_290, %broadcast_in_dim3A_140 : vector<16xi32>
          %parallel_loop3A_292 = arith.constant 16 : i32
          %parallel_loop3A_293 = arith.muli %parallel_loop3A_164, %parallel_loop3A_292 : i32
          %parallel_loop3A_294 = arith.constant 16 : i32
          %parallel_loop3A_295 = arith.muli %parallel_loop3A_293, %parallel_loop3A_294 : i32
          %parallel_loop3A_296 = arith.constant 128 : i32
          %parallel_loop3A_297 = arith.addi %parallel_loop3A_295, %parallel_loop3A_296 : i32
          %parallel_loop3A_298 = tpu.vector_load_idx %arg5[%parallel_loop3A_287] : memref<104000xf32, #tpu.memory_space<vmem>>[vector<16xi32>], vector<16xf32>,
          %parallel_loop3A_299 = arith.constant 1 : i32
          %parallel_loop3A_300 = arith.index_cast %parallel_loop3A_299 : i32 to index
          %parallel_loop3A_301 = arith.index_cast %parallel_loop3A_297 : i32 to index
          %parallel_loop3A_302 = tpu.vector_load %arg8[%parallel_loop3A_300, %parallel_loop3A_301] {strides = array<i32>} : memref<2x4096xf32, #tpu.memory_space<vmem>>, vector<16xf32>,
          tpu.vector_store %arg8[%parallel_loop3A_300, %parallel_loop3A_301], %parallel_loop3A_298 {strides = array<i32>} : memref<2x4096xf32, #tpu.memory_space<vmem>>, vector<16xf32>,
          %parallel_loop3A_303 = tpu.vector_load_idx %arg5[%parallel_loop3A_291] : memref<104000xf32, #tpu.memory_space<vmem>>[vector<16xi32>], vector<16xf32>,
          %parallel_loop3A_304 = arith.constant 16 : i32
          %parallel_loop3A_305 = arith.addi %parallel_loop3A_297, %parallel_loop3A_304 : i32
          %parallel_loop3A_306 = arith.constant 1 : i32
          %parallel_loop3A_307 = arith.index_cast %parallel_loop3A_306 : i32 to index
          %parallel_loop3A_308 = arith.index_cast %parallel_loop3A_305 : i32 to index
          %parallel_loop3A_309 = tpu.vector_load %arg8[%parallel_loop3A_307, %parallel_loop3A_308] {strides = array<i32>} : memref<2x4096xf32, #tpu.memory_space<vmem>>, vector<16xf32>,
          tpu.vector_store %arg8[%parallel_loop3A_307, %parallel_loop3A_308], %parallel_loop3A_303 {strides = array<i32>} : memref<2x4096xf32, #tpu.memory_space<vmem>>, vector<16xf32>,
          %parallel_loop3A_310 = arith.index_cast %parallel_loop3A_164 : i32 to index
          %parallel_loop3A_311 = arith.constant 80 : index
          %parallel_loop3A_312 = tpu.vector_load %arg7[%parallel_loop3A_310, %parallel_loop3A_311] {strides = array<i32>} : memref<16x128xi32, #tpu.memory_space<vmem>>, vector<16xi32>,
          %parallel_loop3A_313 = arith.constant 65535 : i32
          %parallel_loop3A_314 = vector.broadcast %parallel_loop3A_313 : i32 to vector<16xi32>
          %parallel_loop3A_315 = arith.andi %parallel_loop3A_312, %parallel_loop3A_314 : vector<16xi32>
          %parallel_loop3A_316 = arith.addi %parallel_loop3A_315, %broadcast_in_dim3A_140 : vector<16xi32>
          %parallel_loop3A_317 = arith.constant 16 : i32
          %parallel_loop3A_318 = vector.broadcast %parallel_loop3A_317 : i32 to vector<16xi32>
          %parallel_loop3A_319 = arith.shrui %parallel_loop3A_312, %parallel_loop3A_318 : vector<16xi32>
          %parallel_loop3A_320 = arith.addi %parallel_loop3A_319, %broadcast_in_dim3A_140 : vector<16xi32>
          %parallel_loop3A_321 = arith.constant 16 : i32
          %parallel_loop3A_322 = arith.muli %parallel_loop3A_164, %parallel_loop3A_321 : i32
          %parallel_loop3A_323 = arith.constant 16 : i32
          %parallel_loop3A_324 = arith.muli %parallel_loop3A_322, %parallel_loop3A_323 : i32
          %parallel_loop3A_325 = arith.constant 160 : i32
          %parallel_loop3A_326 = arith.addi %parallel_loop3A_324, %parallel_loop3A_325 : i32
          %parallel_loop3A_327 = tpu.vector_load_idx %arg5[%parallel_loop3A_316] : memref<104000xf32, #tpu.memory_space<vmem>>[vector<16xi32>], vector<16xf32>,
          %parallel_loop3A_328 = arith.constant 1 : i32
          %parallel_loop3A_329 = arith.index_cast %parallel_loop3A_328 : i32 to index
          %parallel_loop3A_330 = arith.index_cast %parallel_loop3A_326 : i32 to index
          %parallel_loop3A_331 = tpu.vector_load %arg8[%parallel_loop3A_329, %parallel_loop3A_330] {strides = array<i32>} : memref<2x4096xf32, #tpu.memory_space<vmem>>, vector<16xf32>,
          tpu.vector_store %arg8[%parallel_loop3A_329, %parallel_loop3A_330], %parallel_loop3A_327 {strides = array<i32>} : memref<2x4096xf32, #tpu.memory_space<vmem>>, vector<16xf32>,
          %parallel_loop3A_332 = tpu.vector_load_idx %arg5[%parallel_loop3A_320] : memref<104000xf32, #tpu.memory_space<vmem>>[vector<16xi32>], vector<16xf32>,
          %parallel_loop3A_333 = arith.constant 16 : i32
          %parallel_loop3A_334 = arith.addi %parallel_loop3A_326, %parallel_loop3A_333 : i32
          %parallel_loop3A_335 = arith.constant 1 : i32
          %parallel_loop3A_336 = arith.index_cast %parallel_loop3A_335 : i32 to index
          %parallel_loop3A_337 = arith.index_cast %parallel_loop3A_334 : i32 to index
          %parallel_loop3A_338 = tpu.vector_load %arg8[%parallel_loop3A_336, %parallel_loop3A_337] {strides = array<i32>} : memref<2x4096xf32, #tpu.memory_space<vmem>>, vector<16xf32>,
          tpu.vector_store %arg8[%parallel_loop3A_336, %parallel_loop3A_337], %parallel_loop3A_332 {strides = array<i32>} : memref<2x4096xf32, #tpu.memory_space<vmem>>, vector<16xf32>,
          %parallel_loop3A_339 = arith.index_cast %parallel_loop3A_164 : i32 to index
          %parallel_loop3A_340 = arith.constant 96 : index
          %parallel_loop3A_341 = tpu.vector_load %arg7[%parallel_loop3A_339, %parallel_loop3A_340] {strides = array<i32>} : memref<16x128xi32, #tpu.memory_space<vmem>>, vector<16xi32>,
          %parallel_loop3A_342 = arith.constant 65535 : i32
          %parallel_loop3A_343 = vector.broadcast %parallel_loop3A_342 : i32 to vector<16xi32>
          %parallel_loop3A_344 = arith.andi %parallel_loop3A_341, %parallel_loop3A_343 : vector<16xi32>
          %parallel_loop3A_345 = arith.addi %parallel_loop3A_344, %broadcast_in_dim3A_140 : vector<16xi32>
          %parallel_loop3A_346 = arith.constant 16 : i32
          %parallel_loop3A_347 = vector.broadcast %parallel_loop3A_346 : i32 to vector<16xi32>
          %parallel_loop3A_348 = arith.shrui %parallel_loop3A_341, %parallel_loop3A_347 : vector<16xi32>
          %parallel_loop3A_349 = arith.addi %parallel_loop3A_348, %broadcast_in_dim3A_140 : vector<16xi32>
          %parallel_loop3A_350 = arith.constant 16 : i32
          %parallel_loop3A_351 = arith.muli %parallel_loop3A_164, %parallel_loop3A_350 : i32
          %parallel_loop3A_352 = arith.constant 16 : i32
          %parallel_loop3A_353 = arith.muli %parallel_loop3A_351, %parallel_loop3A_352 : i32
          %parallel_loop3A_354 = arith.constant 192 : i32
          %parallel_loop3A_355 = arith.addi %parallel_loop3A_353, %parallel_loop3A_354 : i32
          %parallel_loop3A_356 = tpu.vector_load_idx %arg5[%parallel_loop3A_345] : memref<104000xf32, #tpu.memory_space<vmem>>[vector<16xi32>], vector<16xf32>,
          %parallel_loop3A_357 = arith.constant 1 : i32
          %parallel_loop3A_358 = arith.index_cast %parallel_loop3A_357 : i32 to index
          %parallel_loop3A_359 = arith.index_cast %parallel_loop3A_355 : i32 to index
          %parallel_loop3A_360 = tpu.vector_load %arg8[%parallel_loop3A_358, %parallel_loop3A_359] {strides = array<i32>} : memref<2x4096xf32, #tpu.memory_space<vmem>>, vector<16xf32>,
          tpu.vector_store %arg8[%parallel_loop3A_358, %parallel_loop3A_359], %parallel_loop3A_356 {strides = array<i32>} : memref<2x4096xf32, #tpu.memory_space<vmem>>, vector<16xf32>,
          %parallel_loop3A_361 = tpu.vector_load_idx %arg5[%parallel_loop3A_349] : memref<104000xf32, #tpu.memory_space<vmem>>[vector<16xi32>], vector<16xf32>,
          %parallel_loop3A_362 = arith.constant 16 : i32
          %parallel_loop3A_363 = arith.addi %parallel_loop3A_355, %parallel_loop3A_362 : i32
          %parallel_loop3A_364 = arith.constant 1 : i32
          %parallel_loop3A_365 = arith.index_cast %parallel_loop3A_364 : i32 to index
          %parallel_loop3A_366 = arith.index_cast %parallel_loop3A_363 : i32 to index
          %parallel_loop3A_367 = tpu.vector_load %arg8[%parallel_loop3A_365, %parallel_loop3A_366] {strides = array<i32>} : memref<2x4096xf32, #tpu.memory_space<vmem>>, vector<16xf32>,
          tpu.vector_store %arg8[%parallel_loop3A_365, %parallel_loop3A_366], %parallel_loop3A_361 {strides = array<i32>} : memref<2x4096xf32, #tpu.memory_space<vmem>>, vector<16xf32>,
          %parallel_loop3A_368 = arith.index_cast %parallel_loop3A_164 : i32 to index
          %parallel_loop3A_369 = arith.constant 112 : index
          %parallel_loop3A_370 = tpu.vector_load %arg7[%parallel_loop3A_368, %parallel_loop3A_369] {strides = array<i32>} : memref<16x128xi32, #tpu.memory_space<vmem>>, vector<16xi32>,
          %parallel_loop3A_371 = arith.constant 65535 : i32
          %parallel_loop3A_372 = vector.broadcast %parallel_loop3A_371 : i32 to vector<16xi32>
          %parallel_loop3A_373 = arith.andi %parallel_loop3A_370, %parallel_loop3A_372 : vector<16xi32>
          %parallel_loop3A_374 = arith.addi %parallel_loop3A_373, %broadcast_in_dim3A_140 : vector<16xi32>
          %parallel_loop3A_375 = arith.constant 16 : i32
          %parallel_loop3A_376 = vector.broadcast %parallel_loop3A_375 : i32 to vector<16xi32>
          %parallel_loop3A_377 = arith.shrui %parallel_loop3A_370, %parallel_loop3A_376 : vector<16xi32>
          %parallel_loop3A_378 = arith.addi %parallel_loop3A_377, %broadcast_in_dim3A_140 : vector<16xi32>
          %parallel_loop3A_379 = arith.constant 16 : i32
          %parallel_loop3A_380 = arith.muli %parallel_loop3A_164, %parallel_loop3A_379 : i32
          %parallel_loop3A_381 = arith.constant 16 : i32
          %parallel_loop3A_382 = arith.muli %parallel_loop3A_380, %parallel_loop3A_381 : i32
          %parallel_loop3A_383 = arith.constant 224 : i32
          %parallel_loop3A_384 = arith.addi %parallel_loop3A_382, %parallel_loop3A_383 : i32
          %parallel_loop3A_385 = tpu.vector_load_idx %arg5[%parallel_loop3A_374] : memref<104000xf32, #tpu.memory_space<vmem>>[vector<16xi32>], vector<16xf32>,
          %parallel_loop3A_386 = arith.constant 1 : i32
          %parallel_loop3A_387 = arith.index_cast %parallel_loop3A_386 : i32 to index
          %parallel_loop3A_388 = arith.index_cast %parallel_loop3A_384 : i32 to index
          %parallel_loop3A_389 = tpu.vector_load %arg8[%parallel_loop3A_387, %parallel_loop3A_388] {strides = array<i32>} : memref<2x4096xf32, #tpu.memory_space<vmem>>, vector<16xf32>,
          tpu.vector_store %arg8[%parallel_loop3A_387, %parallel_loop3A_388], %parallel_loop3A_385 {strides = array<i32>} : memref<2x4096xf32, #tpu.memory_space<vmem>>, vector<16xf32>,
          %parallel_loop3A_390 = tpu.vector_load_idx %arg5[%parallel_loop3A_378] : memref<104000xf32, #tpu.memory_space<vmem>>[vector<16xi32>], vector<16xf32>,
          %parallel_loop3A_391 = arith.constant 16 : i32
          %parallel_loop3A_392 = arith.addi %parallel_loop3A_384, %parallel_loop3A_391 : i32
          %parallel_loop3A_393 = arith.constant 1 : i32
          %parallel_loop3A_394 = arith.index_cast %parallel_loop3A_393 : i32 to index
          %parallel_loop3A_395 = arith.index_cast %parallel_loop3A_392 : i32 to index
          %parallel_loop3A_396 = tpu.vector_load %arg8[%parallel_loop3A_394, %parallel_loop3A_395] {strides = array<i32>} : memref<2x4096xf32, #tpu.memory_space<vmem>>, vector<16xf32>,
          tpu.vector_store %arg8[%parallel_loop3A_394, %parallel_loop3A_395], %parallel_loop3A_390 {strides = array<i32>} : memref<2x4096xf32, #tpu.memory_space<vmem>>, vector<16xf32>,
        } {sc.loop_unroll_factor = 4 : i64, sc.parallel_access}
        %add3A_144 = arith.constant 2 : i32
        %add3A_145 = arith.addi %add3A_124, %add3A_144 : i32
        %lt3A_146 = arith.constant 26 : i32
        %lt3A_147 = arith.cmpi slt, %add3A_145, %lt3A_146 : i32
        %convert_element_type3A_148 = arith.extui %lt3A_147 : i1 to i32
        %cond3A_149 = arith.constant 0 : i32
        %cond3A_150 = arith.cmpi ne, %convert_element_type3A_148, %cond3A_149 : i32
        scf.if %cond3A_150 {
          %add3A_164 = arith.constant 2 : i32
          %add3A_165 = arith.addi %add3A_124, %add3A_164 : i32
          %dma_start3A_166 = arith.constant 0 : i32
          %dma_start3A_167 = arith.constant 0 : i32
          %dma_start3A_168 = tpu.memref_slice %arg9[%add3A_165, %dma_start3A_166, %dma_start3A_167] : memref<26x16x128xi32, #tpu.memory_space<vmem_shared>> -> memref<1x16x128xi32, #tpu.memory_space<vmem_shared>>
          %dma_start3A_169 = tpu.memref_squeeze %dma_start3A_168 : memref<1x16x128xi32, #tpu.memory_space<vmem_shared>> -> memref<16x128xi32, #tpu.memory_space<vmem_shared>>
          %dma_start3A_170 = arith.constant 0 : i32
          %dma_start3A_171 = arith.constant 0 : i32
          %dma_start3A_172 = tpu.memref_slice %arg9[%add3A_165, %dma_start3A_170, %dma_start3A_171] : memref<26x16x128xi32, #tpu.memory_space<vmem_shared>> -> memref<1x16x128xi32, #tpu.memory_space<vmem_shared>>
          %dma_start3A_173 = tpu.memref_squeeze %dma_start3A_172 : memref<1x16x128xi32, #tpu.memory_space<vmem_shared>> -> memref<16x128xi32, #tpu.memory_space<vmem_shared>>
          tpu.enqueue_dma source(%dma_start3A_173 : memref<16x128xi32, #tpu.memory_space<vmem_shared>>) target(%arg7 : memref<16x128xi32, #tpu.memory_space<vmem>>) target_semaphore(%arg12 : memref<!tpu.dma_semaphore, #tpu.memory_space<semaphore_mem>>)
        } else {
        }
        %dma_start3A_151 = arith.constant 1 : i32
        %dma_start3A_152 = arith.constant 0 : i32
        %dma_start3A_153 = tpu.memref_slice %arg8[%dma_start3A_151, %dma_start3A_152] : memref<2x4096xf32, #tpu.memory_space<vmem>> -> memref<1x4096xf32, #tpu.memory_space<vmem>>
        %dma_start3A_154 = tpu.memref_squeeze %dma_start3A_153 : memref<1x4096xf32, #tpu.memory_space<vmem>> -> memref<4096xf32, #tpu.memory_space<vmem>>
        %dma_start3A_155 = arith.constant 0 : i32
        %dma_start3A_156 = tpu.memref_slice %arg4[%add3A_40, %add3A_124, %arg1, %dma_start3A_155] : memref<26x26x16x4096xf32, #tpu.memory_space<hbm>> -> memref<1x1x1x4096xf32, #tpu.memory_space<hbm>>
        %dma_start3A_157 = tpu.memref_squeeze %dma_start3A_156 : memref<1x1x1x4096xf32, #tpu.memory_space<hbm>> -> memref<4096xf32, #tpu.memory_space<hbm>>
        %dma_start3A_158 = arith.constant 0 : i32
        %dma_start3A_159 = tpu.memref_slice %arg4[%add3A_40, %add3A_124, %arg1, %dma_start3A_158] : memref<26x26x16x4096xf32, #tpu.memory_space<hbm>> -> memref<1x1x1x4096xf32, #tpu.memory_space<hbm>>
        %dma_start3A_160 = tpu.memref_squeeze %dma_start3A_159 : memref<1x1x1x4096xf32, #tpu.memory_space<hbm>> -> memref<4096xf32, #tpu.memory_space<hbm>>
        %dma_start3A_161 = arith.constant 0 : i32
        %dma_start3A_162 = tpu.memref_slice %arg8[%dma_start3A_151, %dma_start3A_161] : memref<2x4096xf32, #tpu.memory_space<vmem>> -> memref<1x4096xf32, #tpu.memory_space<vmem>>
        %dma_start3A_163 = tpu.memref_squeeze %dma_start3A_162 : memref<1x4096xf32, #tpu.memory_space<vmem>> -> memref<4096xf32, #tpu.memory_space<vmem>>
        tpu.enqueue_dma source(%dma_start3A_163 : memref<4096xf32, #tpu.memory_space<vmem>>) target(%dma_start3A_160 : memref<4096xf32, #tpu.memory_space<hbm>>) target_semaphore(%arg14 : memref<!tpu.dma_semaphore, #tpu.memory_space<semaphore_mem>>)
      }
      %scan3A_78 = arith.constant 13 : i32
    }
    %scan3A_5 = arith.constant 13 : i32
    %dma_wait3A = arith.constant 0 : i32
    %dma_wait3A_6 = arith.constant 0 : i32
    %dma_wait3A_7 = arith.constant 0 : i32
    %dma_wait3A_8 = arith.constant 0 : i32
    %dma_wait3A_9 = tpu.memref_slice %arg8[%dma_wait3A, %dma_wait3A_8] : memref<2x4096xf32, #tpu.memory_space<vmem>> -> memref<1x4096xf32, #tpu.memory_space<vmem>>
    %dma_wait3A_10 = tpu.memref_squeeze %dma_wait3A_9 : memref<1x4096xf32, #tpu.memory_space<vmem>> -> memref<4096xf32, #tpu.memory_space<vmem>>
    %dma_wait3A_11 = arith.constant 0 : i32
    %dma_wait3A_12 = tpu.memref_slice %arg4[%dma_wait3A_6, %dma_wait3A_7, %arg1, %dma_wait3A_11] : memref<26x26x16x4096xf32, #tpu.memory_space<hbm>> -> memref<1x1x1x4096xf32, #tpu.memory_space<hbm>>
    %dma_wait3A_13 = tpu.memref_squeeze %dma_wait3A_12 : memref<1x1x1x4096xf32, #tpu.memory_space<hbm>> -> memref<4096xf32, #tpu.memory_space<hbm>>
    %dma_wait3A_14 = arith.constant 0 : i32
    %dma_wait3A_15 = tpu.memref_slice %arg4[%dma_wait3A_6, %dma_wait3A_7, %arg1, %dma_wait3A_14] : memref<26x26x16x4096xf32, #tpu.memory_space<hbm>> -> memref<1x1x1x4096xf32, #tpu.memory_space<hbm>>
    %dma_wait3A_16 = tpu.memref_squeeze %dma_wait3A_15 : memref<1x1x1x4096xf32, #tpu.memory_space<hbm>> -> memref<4096xf32, #tpu.memory_space<hbm>>
    %dma_wait3A_17 = arith.constant 0 : i32
    %dma_wait3A_18 = tpu.memref_slice %arg8[%dma_wait3A, %dma_wait3A_17] : memref<2x4096xf32, #tpu.memory_space<vmem>> -> memref<1x4096xf32, #tpu.memory_space<vmem>>
    %dma_wait3A_19 = tpu.memref_squeeze %dma_wait3A_18 : memref<1x4096xf32, #tpu.memory_space<vmem>> -> memref<4096xf32, #tpu.memory_space<vmem>>
    tpu.wait_dma2 semaphore(%arg13 : memref<!tpu.dma_semaphore, #tpu.memory_space<semaphore_mem>>) src(%dma_wait3A_19 : memref<4096xf32, #tpu.memory_space<vmem>>) dst(%dma_wait3A_16 : memref<4096xf32, #tpu.memory_space<hbm>>)
    %dma_wait3A_20 = arith.constant 1 : i32
    %dma_wait3A_21 = arith.constant 0 : i32
    %dma_wait3A_22 = arith.constant 1 : i32
    %dma_wait3A_23 = arith.constant 0 : i32
    %dma_wait3A_24 = tpu.memref_slice %arg8[%dma_wait3A_20, %dma_wait3A_23] : memref<2x4096xf32, #tpu.memory_space<vmem>> -> memref<1x4096xf32, #tpu.memory_space<vmem>>
    %dma_wait3A_25 = tpu.memref_squeeze %dma_wait3A_24 : memref<1x4096xf32, #tpu.memory_space<vmem>> -> memref<4096xf32, #tpu.memory_space<vmem>>
    %dma_wait3A_26 = arith.constant 0 : i32
    %dma_wait3A_27 = tpu.memref_slice %arg4[%dma_wait3A_21, %dma_wait3A_22, %arg1, %dma_wait3A_26] : memref<26x26x16x4096xf32, #tpu.memory_space<hbm>> -> memref<1x1x1x4096xf32, #tpu.memory_space<hbm>>
    %dma_wait3A_28 = tpu.memref_squeeze %dma_wait3A_27 : memref<1x1x1x4096xf32, #tpu.memory_space<hbm>> -> memref<4096xf32, #tpu.memory_space<hbm>>
    %dma_wait3A_29 = arith.constant 0 : i32
    %dma_wait3A_30 = tpu.memref_slice %arg4[%dma_wait3A_21, %dma_wait3A_22, %arg1, %dma_wait3A_29] : memref<26x26x16x4096xf32, #tpu.memory_space<hbm>> -> memref<1x1x1x4096xf32, #tpu.memory_space<hbm>>
    %dma_wait3A_31 = tpu.memref_squeeze %dma_wait3A_30 : memref<1x1x1x4096xf32, #tpu.memory_space<hbm>> -> memref<4096xf32, #tpu.memory_space<hbm>>
    %dma_wait3A_32 = arith.constant 0 : i32
    %dma_wait3A_33 = tpu.memref_slice %arg8[%dma_wait3A_20, %dma_wait3A_32] : memref<2x4096xf32, #tpu.memory_space<vmem>> -> memref<1x4096xf32, #tpu.memory_space<vmem>>
    %dma_wait3A_34 = tpu.memref_squeeze %dma_wait3A_33 : memref<1x4096xf32, #tpu.memory_space<vmem>> -> memref<4096xf32, #tpu.memory_space<vmem>>
    tpu.wait_dma2 semaphore(%arg14 : memref<!tpu.dma_semaphore, #tpu.memory_space<semaphore_mem>>) src(%dma_wait3A_34 : memref<4096xf32, #tpu.memory_space<vmem>>) dst(%dma_wait3A_31 : memref<4096xf32, #tpu.memory_space<hbm>>)
    return
  }
}

</mosaic_0001>

<sc_bundles>
// kernel: kernel.3.cloned.1.call-start
scs
__scs_entry_jumppad:
0x0: {  	(pc) =	sbr.rel $0x88, $3  }
0x1: {  	(tag) =	ssettag $0x0;
	lr =	simm.s32 $0x1  }
0x2: {  	[smem:$0x3F9F] =	sst lr;
	_ =	strace $0xD0000000  }
0x3: {  	_ = 	snop  }
0x4: {  	_ = 	snop  }
0x5: {  	_ = 	snop  }
0x6: {  	_ = 	snop  }
0x7: {  	_ = 	snop  }
__scs_overlays_trampoline_lowered:
0x8: {  	[smem:$0x3FAE] =	sst s0  }
0x9: {  	[smem:$0x3FAF] =	sst s1  }
0xa: {  	[smem:$0x3FB0] =	sst s2  }
0xb: {  	[smem:$0x3FB1] =	sst s3  }
0xc: {  	[smem:$0x3FB2] =	sst s4  }
0xd: {  	[smem:$0x3FB3] =	sst s5  }
0xe: {  	[smem:$0x3FB4] =	sst s6  }
0xf: {  	[smem:$0x3FB5] =	sst s7  }
0x10: {  	[smem:$0x3FB6] =	sst s8  }
0x11: {  	[smem:$0x3FB7] =	sst s9;
	s0 =	simm.s32 @!p0 $0x0  }
0x12: {  	s1 =	sld [smem:$0x3F9D];
	s0 =	simm.s32 @p0 $0x1  }
0x13: {  	[smem:$0x3FB8] =	sst s0;
	s0 =	simm.s32 @!p1 $0x0  }
0x14: {  	s2 =	sld [smem:$0x3F9C];
	s0 =	simm.s32 @p1 $0x1  }
0x15: {  	[smem:$0x3FB9] =	sst s0;
	s0 =	simm.s32 @!p2 $0x0  }
0x16: {  	s3 =	sld [smem:$0x3FDB];
	s0 =	simm.s32 @p2 $0x1  }
0x17: {  	s4 =	simm.s32 $0x1BF5;
	[smem:$0x3FBB] =	sst s0  }
0x18: {  	s0 =	sld [smem:$0x3F9E];
	_ =	swait.ge [sflag:s4], $0x0  }
0x19: {  	s7 =	sld [smem:$0x3F9F]  }
0x1a: {  	s8 =	sadd.s32 $0xFFFFE003, lr  }
0x1b: {  	s9 =	sadd.s32 $0xFFFFFEF7, lr;
	s5 =	simm.s32 $0xFFFFFFFF;
	p2 =	slt.u32 s8, $0xFFFFF086  }
0x1c: {  	p1 =	slt.u32 s9, $0xF7A;
	s5 =	simm.s32 @!p2 $0x0  }
0x1d: {  	s5 =	simm.s32 @p1 $0x1;
	p0 =	seq.s32 s7, s2  }
0x1e: {  	s7 =	smul.u32 @!p0 $0xF7A, s2;
	p2 =	seq.s32 @!p0 s5, $0x0  }
0x1f: {  	s9 =	smul.u32 $0xF7A, s1;
	s8 =	simm.s32 @!p0 $0x1BF5;
	p2 =	por !p2, p0  }
0x20: {  	[sflag:s8] =	ssyncset.s32 @!p0 $0xFFFFF086;
	s6 =	sadd.s32 @!p0 s3, s7;
	s7 =	simm.s32 @!p0 $0x108  }
0x21: {  	s3 =	sadd.s32 s3, s9;
	s6 =	sadd.s32 @!p0 $0x88, s6;
	s7 =	simm.s32 @p2 $0x1082  }
0x22: {  	[simem:s7], [sflag:s8] =	dma.local @!p0 [hbm:s6], $0xF7A  }
0x23: {  	s9 =	sor.u32 $0xD0000000, s2;
	s6 =	simm.s32 $0x108;
	_ =	swait.ge @!p0 [sflag:s8], $0x0  }
0x24: {  	s3 =	sadd.s32 $0x88, s3;
	s6 =	simm.s32 @!p1 $0x1082;
	[sflag:s4] =	ssyncset.s32 $0xFFFFF086  }
0x25: {  	[simem:s6], [sflag:s4] =	dma.local [hbm:s3], $0xF7A  }
0x26: {  	[smem:$0x3F9F] =	sst s1;
	(tag) =	ssettag s2;
	_ =	strace s9  }
0x27: {  	s1 =	sld [smem:$0x3FAF]  }
0x28: {  	s2 =	sld [smem:$0x3FB0]  }
0x29: {  	s4 =	sld [smem:$0x3FB2]  }
0x2a: {  	p0 =	seq.s32 s5, $0x0;
	s5 =	sld [smem:$0x3FB3]  }
0x2b: {  	s6 =	sld [smem:$0x3FB4]  }
0x2c: {  	s7 =	sld [smem:$0x3FB5]  }
0x2d: {  	s3 =	simm.s32 $0x108;
	s8 =	sld [smem:$0x3FB6]  }
0x2e: {  	s3 =	simm.s32 @!p0 $0x1082;
	s9 =	sld [smem:$0x3FB7]  }
0x2f: {  	lr =	sadd.s32 s0, s3;
	s0 =	sld [smem:$0x3FAE]  }
0x30: {  	s3 =	sld [smem:$0x3FB1]  }
0x31: {  	[smem:$0x3FBA] =	sst s10  }
0x32: {  	s10 =	sld [smem:$0x3FB8];
	_ =	sdelay $0x3  }
0x33: {  	p0 =	seq.s32 s10, $0x1;
	s10 =	sld [smem:$0x3FBA];
	_ =	sdelay $0x3  }
0x34: {  	[smem:$0x3FBA] =	sst s10  }
0x35: {  	s10 =	sld [smem:$0x3FB9];
	_ =	sdelay $0x3  }
0x36: {  	p1 =	seq.s32 s10, $0x1;
	s10 =	sld [smem:$0x3FBA];
	_ =	sdelay $0x3  }
0x37: {  	[smem:$0x3FBA] =	sst s10  }
0x38: {  	s10 =	sld [smem:$0x3FBB]  }
0x39: {  	_ = 	snop;
	(pc) =	sbr.ind lr, $3  }
0x3a: {  	_ = 	snop  }
0x3b: {  	_ = 	snop  }
0x3c: {  	p2 =	seq.s32 s10, $0x1;
	s10 =	sld [smem:$0x3FBA]  }
0x3d: {  	_ =	shalt  }
0x3e: {  	_ =	shalt  }
0x3f: {  	_ =	shalt  }
0x40: {  	_ =	shalt  }
0x41: {  	_ =	shalt  }
0x42: {  	_ =	shalt  }
0x43: {  	_ =	shalt  }
0x44: {  	_ =	shalt  }
0x45: {  	_ =	shalt  }
0x46: {  	_ =	shalt  }
0x47: {  	_ =	shalt  }
0x48: {  	_ =	shalt  }
0x49: {  	_ =	shalt  }
0x4a: {  	_ =	shalt  }
0x4b: {  	_ =	shalt  }
0x4c: {  	_ =	shalt  }
0x4d: {  	_ =	shalt  }
0x4e: {  	_ =	shalt  }
0x4f: {  	_ =	shalt  }
0x50: {  	_ =	shalt  }
0x51: {  	_ =	shalt  }
0x52: {  	_ =	shalt  }
0x53: {  	_ =	shalt  }
0x54: {  	_ =	shalt  }
0x55: {  	_ =	shalt  }
0x56: {  	_ =	shalt  }
0x57: {  	_ =	shalt  }
0x58: {  	_ =	shalt  }
0x59: {  	_ =	shalt  }
0x5a: {  	_ =	shalt  }
0x5b: {  	_ =	shalt  }
0x5c: {  	_ =	shalt  }
0x5d: {  	_ =	shalt  }
0x5e: {  	_ =	shalt  }
0x5f: {  	_ =	shalt  }
0x60: {  	_ =	shalt  }
0x61: {  	_ =	shalt  }
0x62: {  	_ =	shalt  }
0x63: {  	_ =	shalt  }
0x64: {  	_ =	shalt  }
0x65: {  	_ =	shalt  }
0x66: {  	_ =	shalt  }
0x67: {  	_ =	shalt  }
0x68: {  	_ =	shalt  }
0x69: {  	_ =	shalt  }
0x6a: {  	_ =	shalt  }
0x6b: {  	_ =	shalt  }
0x6c: {  	_ =	shalt  }
0x6d: {  	_ =	shalt  }
0x6e: {  	_ =	shalt  }
0x6f: {  	_ =	shalt  }
0x70: {  	_ =	shalt  }
0x71: {  	_ =	shalt  }
0x72: {  	_ =	shalt  }
0x73: {  	_ =	shalt  }
0x74: {  	_ =	shalt  }
0x75: {  	_ =	shalt  }
0x76: {  	_ =	shalt  }
0x77: {  	_ =	shalt  }
0x78: {  	_ =	shalt  }
0x79: {  	_ =	shalt  }
0x7a: {  	_ =	shalt  }
0x7b: {  	_ =	shalt  }
0x7c: {  	_ =	shalt  }
0x7d: {  	_ =	shalt  }
0x7e: {  	_ =	shalt  }
0x7f: {  	_ =	shalt  }
0x80: {  	_ =	shalt  }
0x81: {  	_ =	shalt  }
0x82: {  	_ =	shalt  }
0x83: {  	_ =	shalt  }
0x84: {  	_ =	shalt  }
0x85: {  	_ =	shalt  }
0x86: {  	_ =	shalt  }
0x87: {  	_ =	shalt  }
.Lfunc_end0:
.L_simem_size_0:
called_computation_lowered:
.L_overlay_start_0:
0x88: {  	s2 =	sld [smem:$0x3FD9]  }
0x89: {  	s3 =	sld [smem:$0x3FFE];
	_ =	sdelay $0x1  }
0x8a: {  	s1 =	srdreg.scid  }
0x8b: {  	s0 =	sand.u32 $0x1, s1  }
0x8c: {  	s17 =	sshll.u32 s0, $0xA;
	s2 =	sadd.s32 s3, s2  }
0x8d: {  	s2 =	sadd.s32 s2, s17  }
0x8e: {  	[smem:$0x3FC6] =	sst s2  }
0x8f: {  	_ = 	snop  }
0x90: {  	s2 =	sld [smem:$0x3FC8]  }
0x91: {  	s18 =	sld [smem:$0x3FD0];
	(tm) =	ssettm $0x1  }
0x92: {  	s4 =	sld [smem:$0x3FFB];
	_ =	sdelay $0x3  }
0x93: {  	_ =	strace s4  }
0x94: {  	s4 =	sld [smem:$0x3FFC];
	_ =	sdelay $0x3  }
0x95: {  	_ =	strace s4  }
0x96: {  	s4 =	sld [smem:$0x3FFD];
	_ =	sdelay $0x3  }
0x97: {  	_ =	strace s4  }
0x98: {  	_ =	strace $0x8FFFFFFF  }
0x99: {  	s19 =	sld [smem:$0x3FDB];
	_ =	sdelay $0x1  }
0x9a: {  	s5 =	simm.s32 $_scs_section_size  }
0x9b: {  	s6 =	simm.s32 $_size__tile_overlayer_lowered;
	s7 =	simm.s32 $_tile_overlayer_lowered  }
0x9c: {  	s22 =	simm.s32 $0x1BFF;
	s21 =	sshll.u32 s7, $0x1;
	s4 =	sadd.s32 s5, s19  }
0x9d: {  	s8 =	simm.s32 $0x0;
	s20 =	sshll.u32 s6, $0x1;
	s6 =	sadd.s32 s21, s4  }
0x9e: {  	[timem:s8], [sflag:s22] =	dma.local [hbm:s6], s20  }
0x9f: {  	_ =	swait.ge [sflag:s22], s20  }
0xa0: {  	s5 =	ssub.s32 $0x0, s20;
	[sflag:s22] =	ssyncset.done $0x0  }
0xa1: {  	[sflag:s22] =	ssyncadd.s32 s5;
	_ =	sdelay $0x1  }
0xa2: {  	s23 =	simm.s32 $0x1B8B  }
0xa3: {  	_ =	swait.ge [sflag:s23], $0x1  }
0xa4: {  	[sflag:s23] =	ssyncset.done $0x0  }
0xa5: {  	s25 =	simm.s32 $0x1B8E;
	s24 =	sld [smem:$0x3FFE];
	[sflag:s23] =	ssyncadd.s32 $0xFFFFFFFF  }
0xa6: {  	s26 =	simm.s32 $execute0_lowered;
	[smem:$0x3FD2] =	sst s25  }
0xa7: {  	s6 =	sshll.u32 s26, $0x1;
	_ =	strace $0x80000046;
	[dreg:$0x1] =	wrdreg $0xFFFFFFFF  }
0xa8: {  	s28 =	simm.s32 $_size_execute0_lowered;
	s4 =	sadd.s32 s4, s6;
	[dreg:$0x0] =	wrdreg $0x0  }
0xa9: {  	s6 =	sshll.u32 s28, $0x1;
	[dreg:$0x2] =	wrdreg s4  }
0xaa: {  	[dreg:$0x3] =	wrdreg s6  }
0xab: {  	[dreg:$0x4] =	wrdreg $0xC0  }
0xac: {  	_ =	task [dreg:s8], $0x5FFFF  }
0xad: {  	[dreg:$0x1] =	wrdreg $0xFFFFFFFF  }
0xae: {  	[dreg:$0x0] =	wrdreg $0x60  }
0xaf: {  	[dreg:$0x2] =	wrdreg s2  }
0xb0: {  	[dreg:$0x3] =	wrdreg s24  }
0xb1: {  	[dreg:$0x4] =	wrdreg s18  }
0xb2: {  	[dreg:$0x5] =	wrdreg $0x1C6800  }
0xb3: {  	[dreg:$0x6] =	wrdreg $0x9  }
0xb4: {  	_ =	task.clear_ibuf [dreg:s8], $0x7FFFF;
	_ =	strace $0x90000046  }
0xb5: {  	s29 =	simm.s32 $0x9;
	_ =	strace $0x80000048  }
0xb6: {  	_ =	swait.ge [sflag:s29], $0x1  }
0xb7: {  	[sflag:s29] =	ssyncadd.s32 $0xFFFFFFFF  }
0xb8: {  	_ =	strace $0x90000048  }
0xb9: {  	_ =	sfence  }
0xba: {  	s30 =	sld [smem:$0x0];
	_ =	sdelay $0x2  }
0xbb: {  	s31 =	sshll.u32 s1, $0xD;
	s1 =	sshrl.u32 s1, $0x2  }
0xbc: {  	s3 =	sand.u32 $0x4000, s31;
	s1 =	sadd.s32 s1, s30  }
0xbd: {  	s0 =	sor.u32 s3, s0;
	s1 =	sshll.u32 s1, $0x11  }
0xbe: {  	s0 =	sor.u32 s1, s0  }
0xbf: {  	s0 =	sadd.s32 $0x8F2B, s0  }
0xc0: {  	[sflag:s0] =	ssyncadd.remote.s32 $0x1  }
0xc1: {  	_ =	sfence.sel $0xFFFF  }
0xc2: {  	[dreg:$0x0] =	wrdreg $0xFFFFFFFF;
	(pc) =	sbr.abs _section_cstart, $3  }
0xc3: {  	[dreg:$0x1] =	wrdreg $0xFFFFFFFF  }
0xc4: {  	_ =	task.clear_ibuf [dreg:s8], $0x2FFFF;
	_ =	strace $0x9FFFFFFF  }
0xc5: {  	(tm) =	ssettm $0x7FFFFFFF  }
tec
execute0_lowered:
.L_overlay_start_1:
0x0: {  	(tag) =	ssettag $0x1  }
0x1: {  	s1 =	rddreg [dreg:$0x0]  }
0x2: {  	s0 =	rddreg [dreg:$0x1]  }
0x3: {  	s2 =	rddreg [dreg:$0x2]  }
0x4: {  	s3 =	rddreg [dreg:$0x3]  }
0x5: {  	s4 =	simm.s32 $0x0;
	s5 =	srdreg.scid;
	s14 =	stileid.u32  }
0x6: {  	s18 =	simm.s32 $0x80;
	s19 =	simm.s32 $0x400;
	s20 =	simm.s32 $0x19680  }
0x7: {  	s21 =	simm.s32 $0x19E80;
	s22 =	simm.s32 $0x1;
	s23 =	simm.s32 $0x2  }
0x8: {  	s24 =	simm.s32 $0x3;
	s28 =	simm.s32 $0x0;
	[smem:$0x7FF] =	sst s4  }
0x9: {  	s6 =	sand.u32 $0x1, s5;
	s0 =	sadd.s32 $0x600, s0;
	s26 =	sshll.u32 s14, $0xB  }
0xa: {  	s8 =	sshll.u32 s14, $0x8;
	s29 =	sshll.u32 s14, $0x6;
	s13 =	sshrl.u32 s14, $0x3  }
0xb: {  	s11 =	sshll.u32 s14, $0x7;
	p0 =	sgt.u32 s14, $0x9;
	_ =	strace $0x80000047  }
0xc: {  	s5 =	ssub.s32 $0x2, s6;
	s9 =	sadd.s32 s26, s3;
	s8 =	sadd.s32 s0, s8  }
0xd: {  	s12 =	smul.u32 $0xCB400, s13;
	s13 =	sshll.u32 s13, $0xF;
	s7 =	sshrl.u32 s5, $0x1  }
0xe: {  	[dreg:$0x5] =	wrdreg s8;
	s8 =	sor.u32 $0x1C06, s29;
	s31 =	sshrl.u32 s9, $0x3  }
0xf: {  	s5 =	ssub.s32 s5, s7;
	s7 =	sor.u32 $0x8000, s26;
	[dreg:$0x8] =	wrdreg s31  }
0x10: {  	s26 =	simm.s32 $0x5;
	s10 =	sshrl.u32 s7, $0x3;
	s30 =	smax.u32 s5, $0x1  }
0x11: {  	s7 =	sadd.s32 s7, s3;
	s0 =	sadd.s32 s0, s10;
	[dreg:$0x7] =	wrdreg s30  }
0x12: {  	s10 =	sand.u32 $0x380, s11;
	[dreg:$0x6] =	wrdreg s0;
	s0 =	sshrl.u32 @!p0 s7, $0x3  }
0x13: {  	s11 =	sor.u32 s10, s12;
	s12 =	sadd.s32 $0x800, s3;
	[dreg:$0x9] =	wrdreg s0  }
.LBB2_1:
0x14: {  	s0 =	rddreg [dreg:$0x5]  }
0x15: {  	s5 =	rddreg [dreg:$0x8];
	s31 =	simm.s32 $0x6  }
0x16: {  	[spmem:s5], [sflag:s8] =	dma.local [hbm:s0], $0x100  }
0x17: {  	_ =	swait.ge [sflag:s31], $0x100  }
0x18: {  	[sflag:s31] =	ssyncset.done $0x0;
	s0 =	rddreg [dreg:$0x6]  }
0x19: {  	s5 =	rddreg [dreg:$0x9];
	[sflag:s31] =	ssyncadd.s32 $0xFFFFFF00  }
0x1a: {  	[spmem:s5], [sflag:s8] =	dma.local @!p0 [hbm:s0], $0x100  }
0x1b: {  	s0 =	simm.s32 @!p0 $0x6  }
0x1c: {  	_ =	swait.ge @!p0 [sflag:s0], $0x100  }
0x1d: {  	[sflag:s0] =	ssyncset.done @!p0 $0x0  }
0x1e: {  	[sflag:s0] =	ssyncadd.s32 @!p0 $0xFFFFFF00  }
0x1f: {  	s29 =	simm.s32 $0x0;
	[bflag:$0x0] =	sbarrier.arrive $0xFFFF  }
.LBB2_2:
0x20: {  	s0 =	sshll.u32 s29, $0x1  }
0x21: {  	s0 =	sor.u32 s6, s0  }
0x22: {  	s5 =	smul.u32 $0x196800, s0;
	_ =	sdelay $0x1  }
0x23: {  	s5 =	sadd.s32 s11, s5  }
0x24: {  	s5 =	sshrl.u32 s5, $0x3  }
0x25: {  	s5 =	sadd.s32 s1, s5  }
0x26: {  	[tilespmem:s4], [sflag:$0x1] =	stream.strided.gather [hbm4b:s5+s18], $0x19680, s19, s18, $0x38;
	[tilespmem:$0x1D380] =	vst v63  }
0x27: {  	p1 =	seq.s32 s29, $0x0  }
0x28: {  	[tilespmem:s20], [sflag:$0x2] =	stream.linear.gather [spmem:s3], $0x800, $0x38;
	[tilespmem:$0x1D380] =	vst v63  }
0x29: {  	s5 =	simm.s32 @!p1 $0x4  }
0x2a: {  	[tilespmem:s21], [sflag:$0x3] =	stream.linear.gather [spmem:s12], $0x800, $0x38;
	[tilespmem:$0x1D380] =	vst v63  }
0x2b: {  	_ =	swait.ge @!p1 [sflag:s5], $0x1000  }
0x2c: {  	[sflag:s5] =	ssyncset.done @!p1 $0x0  }
0x2d: {  	[sflag:s5] =	ssyncadd.s32 @!p1 $0xFFFFF000;
	s5 =	simm.s32 @!p1 $0x5  }
0x2e: {  	_ =	swait.ge @!p1 [sflag:s5], $0x1000  }
0x2f: {  	[sflag:s5] =	ssyncset.done @!p1 $0x0  }
0x30: {  	s0 =	smul.u32 $0x1A0000, s0;
	[sflag:s5] =	ssyncadd.s32 @!p1 $0xFFFFF000  }
0x31: {  	_ =	swait.ge [sflag:s22], $0x19680  }
0x32: {  	s0 =	sor.u32 s0, s13;
	[sflag:s22] =	ssyncset.done $0x0  }
0x33: {  	s31 =	simm.s32 $0x0;
	s30 =	sor.u32 s10, s0;
	[sflag:s22] =	ssyncadd.s32 $0xFFFE6980  }
.LBB2_3:
0x34: {  	_ =	swait.ge [sflag:s23], $0x800  }
0x35: {  	p2 =	seq.s32 s31, $0x0;
	[sflag:s23] =	ssyncset.done $0x0  }
0x36: {  	s0 =	simm.s32 @!p2 $0x4;
	[sflag:s23] =	ssyncadd.s32 $0xFFFFF800  }
0x37: {  	_ =	swait.ge @!p2 [sflag:s0], $0x1000  }
0x38: {  	[sflag:s0] =	ssyncset.done @!p2 $0x0  }
0x39: {  	s15 =	simm.s32 $0x19780;
	[sflag:s0] =	ssyncadd.s32 @!p2 $0xFFFFF000  }
0x3a: {  	v1 =	vld [tilespmem:s15+$0x80];
	_ =	sdelay $0x1  }
0x3b: {  	v2 =	vld [tilespmem:s15+$0xFFFFFF80]  }
0x3c: {  	s25 =	smul.u32 $0x1F40, s31;
	_ =	sdelay $0x1  }
0x3d: {  	v0 =	vmov s25;
	v4 =	vand.u32 $0xFFFF, v1  }
0x3e: {  	v4 =	vadd.s32 v0, v4  }
0x3f: {  	v5 =	vld [tilespmem:s15+$0xFFFFFF00];
	v6 =	vand.u32 $0xFFFF, v2  }
0x40: {  	v6 =	vadd.s32 v0, v6;
	_ =	sdelay $0x1  }
0x41: {  	v3 =	vld [tilespmem:s15+$0x0]  }
0x42: {  	v1 =	vshrl.u32 v1, $0x10;
	v4 =	vld.idx.msk [tilespmem:v4+s4+$0x0], $0xffff  }
0x43: {  	v8 =	vand.u32 $0xFFFF, v5;
	v1 =	vadd.s32 v0, v1  }
0x44: {  	v2 =	vshrl.u32 v2, $0x10;
	v8 =	vadd.s32 v0, v8;
	v6 =	vld.idx.msk [tilespmem:v6+s4+$0x0], $0xffff  }
0x45: {  	v2 =	vadd.s32 v0, v2  }
0x46: {  	s0 =	simm.s32 $0x1AA80;
	v7 =	vand.u32 $0xFFFF, v3  }
0x47: {  	v7 =	vadd.s32 v0, v7;
	[tilespmem:s0+$0x200] =	vst v4  }
0x48: {  	v1 =	vld.idx.msk [tilespmem:v1+s4+$0x0], $0xffff  }
0x49: {  	v4 =	vshrl.u32 v5, $0x10;
	v5 =	vld.idx.msk [tilespmem:v8+s4+$0x0], $0xffff;
	[tilespmem:s0+$0xFFFFFE00] =	vst v6  }
0x4a: {  	v4 =	vadd.s32 v0, v4;
	v2 =	vld.idx.msk [tilespmem:v2+s4+$0x0], $0xffff;
	_ =	sdelay $0x1  }
0x4b: {  	v3 =	vshrl.u32 v3, $0x10;
	v7 =	vld.idx.msk [tilespmem:v7+s4+$0x0], $0xffff  }
0x4c: {  	v3 =	vadd.s32 v0, v3;
	[tilespmem:s0+$0x210] =	vst v1  }
0x4d: {  	[tilespmem:s0+$0xFFFFFC00] =	vst v5;
	v1 =	vld [tilespmem:s15+$0x90]  }
0x4e: {  	v4 =	vld.idx.msk [tilespmem:v4+s4+$0x0], $0xffff;
	[tilespmem:s0+$0xFFFFFE10] =	vst v2  }
0x4f: {  	v2 =	vld [tilespmem:s15+$0xFFFFFF90]  }
0x50: {  	[tilespmem:s0+$0x0] =	vst v7  }
0x51: {  	v3 =	vld.idx.msk [tilespmem:v3+s4+$0x0], $0xffff  }
0x52: {  	v5 =	vand.u32 $0xFFFF, v1  }
0x53: {  	[tilespmem:s0+$0xFFFFFC10] =	vst v4;
	v4 =	vadd.s32 v0, v5  }
0x54: {  	v6 =	vand.u32 $0xFFFF, v2;
	v5 =	vld [tilespmem:s15+$0xFFFFFF10]  }
0x55: {  	v6 =	vadd.s32 v0, v6  }
0x56: {  	[tilespmem:s0+$0x10] =	vst v3  }
0x57: {  	v3 =	vld [tilespmem:s15+$0x10]  }
0x58: {  	v1 =	vshrl.u32 v1, $0x10;
	v4 =	vld.idx.msk [tilespmem:v4+s4+$0x0], $0xffff  }
0x59: {  	v1 =	vadd.s32 v0, v1;
	v8 =	vand.u32 $0xFFFF, v5  }
0x5a: {  	v2 =	vshrl.u32 v2, $0x10;
	v6 =	vld.idx.msk [tilespmem:v6+s4+$0x0], $0xffff;
	v8 =	vadd.s32 v0, v8  }
0x5b: {  	v2 =	vadd.s32 v0, v2  }
0x5c: {  	v7 =	vand.u32 $0xFFFF, v3  }
0x5d: {  	v7 =	vadd.s32 v0, v7;
	[tilespmem:s0+$0x220] =	vst v4  }
0x5e: {  	v1 =	vld.idx.msk [tilespmem:v1+s4+$0x0], $0xffff  }
0x5f: {  	v4 =	vshrl.u32 v5, $0x10;
	[tilespmem:s0+$0xFFFFFE20] =	vst v6;
	v5 =	vld.idx.msk [tilespmem:v8+s4+$0x0], $0xffff  }
0x60: {  	v4 =	vadd.s32 v0, v4;
	v2 =	vld.idx.msk [tilespmem:v2+s4+$0x0], $0xffff;
	_ =	sdelay $0x1  }
0x61: {  	v3 =	vshrl.u32 v3, $0x10;
	v7 =	vld.idx.msk [tilespmem:v7+s4+$0x0], $0xffff  }
0x62: {  	v3 =	vadd.s32 v0, v3;
	[tilespmem:s0+$0x230] =	vst v1  }
0x63: {  	[tilespmem:s0+$0xFFFFFC20] =	vst v5;
	v1 =	vld [tilespmem:s15+$0xA0]  }
0x64: {  	[tilespmem:s0+$0xFFFFFE30] =	vst v2;
	v4 =	vld.idx.msk [tilespmem:v4+s4+$0x0], $0xffff  }
0x65: {  	v2 =	vld [tilespmem:s15+$0xFFFFFFA0]  }
0x66: {  	[tilespmem:s0+$0x20] =	vst v7  }
0x67: {  	v3 =	vld.idx.msk [tilespmem:v3+s4+$0x0], $0xffff  }
0x68: {  	v5 =	vand.u32 $0xFFFF, v1  }
0x69: {  	[tilespmem:s0+$0xFFFFFC30] =	vst v4;
	v4 =	vadd.s32 v0, v5  }
0x6a: {  	v6 =	vand.u32 $0xFFFF, v2;
	v5 =	vld [tilespmem:s15+$0xFFFFFF20]  }
0x6b: {  	v6 =	vadd.s32 v0, v6  }
0x6c: {  	[tilespmem:s0+$0x30] =	vst v3  }
0x6d: {  	v3 =	vld [tilespmem:s15+$0x20]  }
0x6e: {  	v1 =	vshrl.u32 v1, $0x10;
	v4 =	vld.idx.msk [tilespmem:v4+s4+$0x0], $0xffff  }
0x6f: {  	v1 =	vadd.s32 v0, v1;
	v8 =	vand.u32 $0xFFFF, v5  }
0x70: {  	v2 =	vshrl.u32 v2, $0x10;
	v6 =	vld.idx.msk [tilespmem:v6+s4+$0x0], $0xffff;
	v8 =	vadd.s32 v0, v8  }
0x71: {  	v2 =	vadd.s32 v0, v2  }
0x72: {  	v7 =	vand.u32 $0xFFFF, v3  }
0x73: {  	v7 =	vadd.s32 v0, v7;
	[tilespmem:s0+$0x240] =	vst v4  }
0x74: {  	v1 =	vld.idx.msk [tilespmem:v1+s4+$0x0], $0xffff  }
0x75: {  	v4 =	vshrl.u32 v5, $0x10;
	[tilespmem:s0+$0xFFFFFE40] =	vst v6;
	v5 =	vld.idx.msk [tilespmem:v8+s4+$0x0], $0xffff  }
0x76: {  	v4 =	vadd.s32 v0, v4;
	v2 =	vld.idx.msk [tilespmem:v2+s4+$0x0], $0xffff;
	_ =	sdelay $0x1  }
0x77: {  	v3 =	vshrl.u32 v3, $0x10;
	v7 =	vld.idx.msk [tilespmem:v7+s4+$0x0], $0xffff  }
0x78: {  	v3 =	vadd.s32 v0, v3;
	[tilespmem:s0+$0x250] =	vst v1  }
0x79: {  	[tilespmem:s0+$0xFFFFFC40] =	vst v5;
	v1 =	vld [tilespmem:s15+$0xB0]  }
0x7a: {  	[tilespmem:s0+$0xFFFFFE50] =	vst v2;
	v4 =	vld.idx.msk [tilespmem:v4+s4+$0x0], $0xffff  }
0x7b: {  	v2 =	vld [tilespmem:s15+$0xFFFFFFB0]  }
0x7c: {  	[tilespmem:s0+$0x40] =	vst v7  }
0x7d: {  	v3 =	vld.idx.msk [tilespmem:v3+s4+$0x0], $0xffff  }
0x7e: {  	v5 =	vand.u32 $0xFFFF, v1  }
0x7f: {  	[tilespmem:s0+$0xFFFFFC50] =	vst v4;
	v4 =	vadd.s32 v0, v5  }
0x80: {  	v6 =	vand.u32 $0xFFFF, v2  }
0x81: {  	v5 =	vld [tilespmem:s15+$0xFFFFFF30];
	v6 =	vadd.s32 v0, v6  }
0x82: {  	[tilespmem:s0+$0x50] =	vst v3  }
0x83: {  	v3 =	vld [tilespmem:s15+$0x30]  }
0x84: {  	v1 =	vshrl.u32 v1, $0x10;
	v4 =	vld.idx.msk [tilespmem:v4+s4+$0x0], $0xffff  }
0x85: {  	v1 =	vadd.s32 v0, v1  }
0x86: {  	v8 =	vand.u32 $0xFFFF, v5;
	v6 =	vld.idx.msk [tilespmem:v6+s4+$0x0], $0xffff  }
0x87: {  	s7 =	simm.s32 $0x19980;
	v8 =	vadd.s32 v0, v8  }
0x88: {  	v9 =	vld [tilespmem:s7+$0x0];
	v2 =	vshrl.u32 v2, $0x10  }
0x89: {  	v10 =	vld [tilespmem:s7+$0xFFFFFF00];
	v7 =	vand.u32 $0xFFFF, v3;
	v2 =	vadd.s32 v0, v2;
	[tilespmem:s0+$0x260] =	vst v4  }
0x8a: {  	v7 =	vadd.s32 v0, v7;
	v1 =	vld.idx.msk [tilespmem:v1+s4+$0x0], $0xffff  }
0x8b: {  	[tilespmem:s0+$0xFFFFFE60] =	vst v6;
	v6 =	vld [tilespmem:s7+$0x80]  }
0x8c: {  	v4 =	vld.idx.msk [tilespmem:v8+s4+$0x0], $0xffff  }
0x8d: {  	v8 =	vld [tilespmem:s7+$0xFFFFFF80]  }
0x8e: {  	v2 =	vld.idx.msk [tilespmem:v2+s4+$0x0], $0xffff  }
0x8f: {  	v7 =	vld.idx.msk [tilespmem:v7+s4+$0x0], $0xffff;
	v5 =	vshrl.u32 v5, $0x10;
	[tilespmem:s0+$0x270] =	vst v1  }
0x90: {  	v11 =	vand.u32 $0xFFFF, v6;
	v1 =	vshrl.u32 v3, $0x10;
	v3 =	vadd.s32 v0, v5;
	v5 =	vld [tilespmem:s15+$0xC0]  }
0x91: {  	v11 =	vadd.s32 v0, v11  }
0x92: {  	v12 =	vand.u32 $0xFFFF, v8;
	[tilespmem:s0+$0xFFFFFC60] =	vst v4;
	v1 =	vadd.s32 v0, v1  }
0x93: {  	[tilespmem:s0+$0xFFFFFE70] =	vst v2;
	v2 =	vand.u32 $0xFFFF, v10;
	v4 =	vadd.s32 v0, v12  }
0x94: {  	v12 =	vand.u32 $0xFFFF, v9;
	v13 =	vld [tilespmem:s15+$0xFFFFFFC0];
	v2 =	vadd.s32 v0, v2  }
0x95: {  	[tilespmem:s0+$0x60] =	vst v7;
	v7 =	vadd.s32 v0, v12;
	v3 =	vld.idx.msk [tilespmem:v3+s4+$0x0], $0xffff;
	v12 =	vand.u32 $0xFFFF, v5  }
0x96: {  	v11 =	vld.idx.msk [tilespmem:v11+s4+$0x0], $0xffff;
	v12 =	vadd.s32 v0, v12  }
0x97: {  	v6 =	vshrl.u32 v6, $0x10;
	v1 =	vld.idx.msk [tilespmem:v1+s4+$0x0], $0xffff  }
0x98: {  	v6 =	vadd.s32 v0, v6;
	v4 =	vld.idx.msk [tilespmem:v4+s4+$0x0], $0xffff  }
0x99: {  	v8 =	vshrl.u32 v8, $0x10;
	v2 =	vld.idx.msk [tilespmem:v2+s4+$0x0], $0xffff  }
0x9a: {  	v9 =	vshrl.u32 v9, $0x10;
	v8 =	vadd.s32 v0, v8;
	v7 =	vld.idx.msk [tilespmem:v7+s4+$0x0], $0xffff  }
0x9b: {  	s5 =	simm.s32 $0x1B280;
	v9 =	vadd.s32 v0, v9;
	[tilespmem:s0+$0xFFFFFC70] =	vst v3;
	v3 =	vshrl.u32 v5, $0x10;
	v12 =	vld.idx.msk [tilespmem:v12+s4+$0x0], $0xffff  }
0x9c: {  	v5 =	vshrl.u32 v10, $0x10;
	[tilespmem:s5+$0x200] =	vst v11;
	v10 =	vld [tilespmem:s15+$0xFFFFFF40];
	v3 =	vadd.s32 v0, v3  }
0x9d: {  	v5 =	vadd.s32 v0, v5;
	[tilespmem:s0+$0x70] =	vst v1;
	v1 =	vld.idx.msk [tilespmem:v6+s4+$0x0], $0xffff  }
0x9e: {  	v11 =	vand.u32 $0xFFFF, v13;
	[tilespmem:s5+$0xFFFFFE00] =	vst v4;
	v4 =	vld [tilespmem:s15+$0x40]  }
0x9f: {  	v6 =	vadd.s32 v0, v11;
	v8 =	vld.idx.msk [tilespmem:v8+s4+$0x0], $0xffff;
	[tilespmem:s5+$0x0] =	vst v7  }
0xa0: {  	v7 =	vld.idx.msk [tilespmem:v9+s4+$0x0], $0xffff;
	[tilespmem:s0+$0x300] =	vst v12  }
0xa1: {  	[tilespmem:s5+$0xFFFFFC00] =	vst v2;
	v2 =	vld.idx.msk [tilespmem:v3+s4+$0x0], $0xffff  }
0xa2: {  	[tilespmem:s5+$0x210] =	vst v1;
	v3 =	vld.idx.msk [tilespmem:v5+s4+$0x0], $0xffff  }
0xa3: {  	v5 =	vld [tilespmem:s7+$0x90]  }
0xa4: {  	v1 =	vld.idx.msk [tilespmem:v6+s4+$0x0], $0xffff;
	[tilespmem:s5+$0xFFFFFE10] =	vst v8  }
0xa5: {  	v6 =	vld [tilespmem:s7+$0xFFFFFF90];
	_ =	sdelay $0x1  }
0xa6: {  	[tilespmem:s5+$0x10] =	vst v7  }
0xa7: {  	v7 =	vand.u32 $0xFFFF, v10;
	v8 =	vld [tilespmem:s7+$0x10];
	[tilespmem:s0+$0x310] =	vst v2;
	v12 =	vand.u32 $0xFFFF, v5  }
0xa8: {  	v2 =	vadd.s32 v0, v7;
	v7 =	vand.u32 $0xFFFF, v4;
	[tilespmem:s5+$0xFFFFFC10] =	vst v3;
	v3 =	vld [tilespmem:s15+$0xD0];
	v12 =	vadd.s32 v0, v12  }
0xa9: {  	v9 =	vshrl.u32 v13, $0x10;
	v13 =	vand.u32 $0xFFFF, v6;
	v7 =	vadd.s32 v0, v7  }
0xaa: {  	v13 =	vadd.s32 v0, v13  }
0xab: {  	v9 =	vadd.s32 v0, v9;
	v11 =	vld [tilespmem:s7+$0xFFFFFF10]  }
0xac: {  	v14 =	vand.u32 $0xFFFF, v8  }
0xad: {  	v14 =	vadd.s32 v0, v14;
	v15 =	vand.u32 $0xFFFF, v3;
	v12 =	vld.idx.msk [tilespmem:v12+s4+$0x0], $0xffff  }
0xae: {  	[tilespmem:s0+$0xFFFFFF00] =	vst v1;
	v5 =	vshrl.u32 v5, $0x10;
	v1 =	vld.idx.msk [tilespmem:v7+s4+$0x0], $0xffff;
	v15 =	vadd.s32 v0, v15  }
0xaf: {  	v6 =	vshrl.u32 v6, $0x10;
	v5 =	vadd.s32 v0, v5;
	v13 =	vld.idx.msk [tilespmem:v13+s4+$0x0], $0xffff  }
0xb0: {  	v9 =	vld.idx.msk [tilespmem:v9+s4+$0x0], $0xffff;
	v6 =	vadd.s32 v0, v6;
	v7 =	vand.u32 $0xFFFF, v11  }
0xb1: {  	v10 =	vshrl.u32 v10, $0x10;
	v2 =	vld.idx.msk [tilespmem:v2+s4+$0x0], $0xffff;
	v7 =	vadd.s32 v0, v7  }
0xb2: {  	v10 =	vadd.s32 v0, v10;
	v4 =	vshrl.u32 v4, $0x10;
	v14 =	vld.idx.msk [tilespmem:v14+s4+$0x0], $0xffff;
	[tilespmem:s5+$0x220] =	vst v12  }
0xb3: {  	v4 =	vadd.s32 v0, v4;
	v8 =	vshrl.u32 v8, $0x10;
	[tilespmem:s0+$0x100] =	vst v1;
	v15 =	vld.idx.msk [tilespmem:v15+s4+$0x0], $0xffff  }
0xb4: {  	v8 =	vadd.s32 v0, v8;
	[tilespmem:s5+$0xFFFFFE20] =	vst v13;
	v1 =	vld.idx.msk [tilespmem:v5+s4+$0x0], $0xffff  }
0xb5: {  	v3 =	vshrl.u32 v3, $0x10;
	v5 =	vld.idx.msk [tilespmem:v6+s4+$0x0], $0xffff  }
0xb6: {  	v3 =	vadd.s32 v0, v3;
	[tilespmem:s0+$0xFFFFFD00] =	vst v2;
	v2 =	vld.idx.msk [tilespmem:v7+s4+$0x0], $0xffff;
	v7 =	vshrl.u32 v11, $0x10  }
0xb7: {  	[tilespmem:s0+$0xFFFFFF10] =	vst v9;
	v10 =	vld.idx.msk [tilespmem:v10+s4+$0x0], $0xffff;
	v7 =	vadd.s32 v0, v7  }
0xb8: {  	v4 =	vld.idx.msk [tilespmem:v4+s4+$0x0], $0xffff;
	[tilespmem:s5+$0x20] =	vst v14  }
0xb9: {  	v6 =	vld.idx.msk [tilespmem:v8+s4+$0x0], $0xffff;
	[tilespmem:s0+$0x320] =	vst v15  }
0xba: {  	[tilespmem:s5+$0xFFFFFE30] =	vst v5;
	v5 =	vld [tilespmem:s15+$0xFFFFFFD0]  }
0xbb: {  	[tilespmem:s5+$0xFFFFFC20] =	vst v2;
	v2 =	vld.idx.msk [tilespmem:v3+s4+$0x0], $0xffff  }
0xbc: {  	v3 =	vld.idx.msk [tilespmem:v7+s4+$0x0], $0xffff  }
0xbd: {  	[tilespmem:s5+$0x230] =	vst v1;
	v8 =	vld [tilespmem:s7+$0xFFFFFFA0]  }
0xbe: {  	[tilespmem:s0+$0xFFFFFD10] =	vst v10;
	v7 =	vld [tilespmem:s7+$0xA0]  }
0xbf: {  	v1 =	vld [tilespmem:s15+$0xFFFFFF50]  }
0xc0: {  	[tilespmem:s5+$0x30] =	vst v6  }
0xc1: {  	[tilespmem:s0+$0x110] =	vst v4;
	v6 =	vld [tilespmem:s7+$0x20];
	v11 =	vand.u32 $0xFFFF, v5  }
0xc2: {  	v12 =	vld [tilespmem:s15+$0x50];
	[tilespmem:s0+$0x330] =	vst v2;
	v4 =	vand.u32 $0xFFFF, v8;
	v11 =	vadd.s32 v0, v11  }
0xc3: {  	[tilespmem:s5+$0xFFFFFC30] =	vst v3;
	v10 =	vand.u32 $0xFFFF, v7;
	v3 =	vld [tilespmem:s15+$0xE0];
	v4 =	vadd.s32 v0, v4  }
0xc4: {  	v2 =	vand.u32 $0xFFFF, v1;
	v10 =	vadd.s32 v0, v10  }
0xc5: {  	v2 =	vadd.s32 v0, v2  }
0xc6: {  	v9 =	vld [tilespmem:s7+$0xFFFFFF20];
	v13 =	vand.u32 $0xFFFF, v6  }
0xc7: {  	v16 =	vand.u32 $0xFFFF, v12;
	v13 =	vadd.s32 v0, v13;
	v11 =	vld.idx.msk [tilespmem:v11+s4+$0x0], $0xffff  }
0xc8: {  	v16 =	vadd.s32 v0, v16;
	v14 =	vand.u32 $0xFFFF, v3;
	v4 =	vld.idx.msk [tilespmem:v4+s4+$0x0], $0xffff  }
0xc9: {  	v7 =	vshrl.u32 v7, $0x10;
	v10 =	vld.idx.msk [tilespmem:v10+s4+$0x0], $0xffff;
	v14 =	vadd.s32 v0, v14  }
0xca: {  	v5 =	vshrl.u32 v5, $0x10;
	v7 =	vadd.s32 v0, v7;
	v2 =	vld.idx.msk [tilespmem:v2+s4+$0x0], $0xffff  }
0xcb: {  	v5 =	vadd.s32 v0, v5;
	v15 =	vand.u32 $0xFFFF, v9  }
0xcc: {  	v8 =	vshrl.u32 v8, $0x10;
	v15 =	vadd.s32 v0, v15;
	v13 =	vld.idx.msk [tilespmem:v13+s4+$0x0], $0xffff;
	[tilespmem:s0+$0xFFFFFF20] =	vst v11  }
0xcd: {  	v6 =	vshrl.u32 v6, $0x10;
	v8 =	vadd.s32 v0, v8;
	[tilespmem:s5+$0xFFFFFE40] =	vst v4;
	v4 =	vld.idx.msk [tilespmem:v16+s4+$0x0], $0xffff  }
0xce: {  	v1 =	vshrl.u32 v1, $0x10;
	v6 =	vadd.s32 v0, v6;
	[tilespmem:s5+$0x240] =	vst v10;
	v14 =	vld.idx.msk [tilespmem:v14+s4+$0x0], $0xffff  }
0xcf: {  	v1 =	vadd.s32 v0, v1;
	[tilespmem:s0+$0xFFFFFD20] =	vst v2;
	v2 =	vshrl.u32 v3, $0x10;
	v7 =	vld.idx.msk [tilespmem:v7+s4+$0x0], $0xffff  }
0xd0: {  	v5 =	vld.idx.msk [tilespmem:v5+s4+$0x0], $0xffff;
	v2 =	vadd.s32 v0, v2  }
0xd1: {  	v3 =	vshrl.u32 v9, $0x10;
	v15 =	vld.idx.msk [tilespmem:v15+s4+$0x0], $0xffff  }
0xd2: {  	v3 =	vadd.s32 v0, v3;
	v8 =	vld.idx.msk [tilespmem:v8+s4+$0x0], $0xffff;
	[tilespmem:s5+$0x40] =	vst v13  }
0xd3: {  	v6 =	vld.idx.msk [tilespmem:v6+s4+$0x0], $0xffff;
	[tilespmem:s0+$0x340] =	vst v14  }
0xd4: {  	v1 =	vld.idx.msk [tilespmem:v1+s4+$0x0], $0xffff;
	[tilespmem:s5+$0x250] =	vst v7;
	v7 =	vshrl.u32 v12, $0x10  }
0xd5: {  	v2 =	vld.idx.msk [tilespmem:v2+s4+$0x0], $0xffff;
	v7 =	vadd.s32 v0, v7  }
0xd6: {  	[tilespmem:s5+$0xFFFFFC40] =	vst v15;
	v9 =	vld [tilespmem:s7+$0xB0]  }
0xd7: {  	[tilespmem:s5+$0xFFFFFE50] =	vst v8;
	v3 =	vld.idx.msk [tilespmem:v3+s4+$0x0], $0xffff  }
0xd8: {  	v8 =	vld [tilespmem:s7+$0xFFFFFFB0];
	[tilespmem:s5+$0x50] =	vst v6  }
0xd9: {  	[tilespmem:s0+$0x120] =	vst v4;
	v6 =	vld [tilespmem:s7+$0x30]  }
0xda: {  	[tilespmem:s0+$0xFFFFFD30] =	vst v1;
	v1 =	vld.idx.msk [tilespmem:v7+s4+$0x0], $0xffff  }
0xdb: {  	[tilespmem:s0+$0x350] =	vst v2;
	v4 =	vand.u32 $0xFFFF, v9;
	v7 =	vld [tilespmem:s15+$0xFFFFFF60]  }
0xdc: {  	[tilespmem:s5+$0xFFFFFC50] =	vst v3;
	v2 =	vld [tilespmem:s15+$0xF0];
	v4 =	vadd.s32 v0, v4  }
0xdd: {  	v10 =	vand.u32 $0xFFFF, v8;
	v3 =	vld [tilespmem:s7+$0xFFFFFF30]  }
0xde: {  	v10 =	vadd.s32 v0, v10  }
0xdf: {  	v11 =	vand.u32 $0xFFFF, v6  }
0xe0: {  	[tilespmem:s0+$0xFFFFFF30] =	vst v5;
	v5 =	vadd.s32 v0, v11;
	v14 =	vand.u32 $0xFFFF, v7  }
0xe1: {  	v11 =	vand.u32 $0xFFFF, v2;
	v4 =	vld.idx.msk [tilespmem:v4+s4+$0x0], $0xffff;
	v14 =	vadd.s32 v0, v14  }
0xe2: {  	v12 =	vld [tilespmem:s15+$0xFFFFFFE0];
	v13 =	vand.u32 $0xFFFF, v3;
	v11 =	vadd.s32 v0, v11  }
0xe3: {  	v9 =	vshrl.u32 v9, $0x10;
	[tilespmem:s0+$0x130] =	vst v1;
	v10 =	vld.idx.msk [tilespmem:v10+s4+$0x0], $0xffff;
	v1 =	vadd.s32 v0, v13  }
0xe4: {  	v9 =	vadd.s32 v0, v9;
	v13 =	vld [tilespmem:s15+$0x60]  }
0xe5: {  	v5 =	vld.idx.msk [tilespmem:v5+s4+$0x0], $0xffff  }
0xe6: {  	v8 =	vshrl.u32 v8, $0x10;
	[tilespmem:s5+$0x260] =	vst v4;
	v4 =	vld.idx.msk [tilespmem:v14+s4+$0x0], $0xffff  }
0xe7: {  	v8 =	vadd.s32 v0, v8;
	v11 =	vld.idx.msk [tilespmem:v11+s4+$0x0], $0xffff  }
0xe8: {  	v6 =	vshrl.u32 v6, $0x10;
	v2 =	vshrl.u32 v2, $0x10;
	v15 =	vld.idx.msk [tilespmem:v1+s4+$0x0], $0xffff  }
0xe9: {  	s14 =	simm.s32 $0x19B80;
	v6 =	vadd.s32 v0, v6;
	v1 =	vadd.s32 v0, v2;
	v2 =	vld.idx.msk [tilespmem:v9+s4+$0x0], $0xffff  }
0xea: {  	[tilespmem:s5+$0xFFFFFE60] =	vst v10;
	v10 =	vld [tilespmem:s14+$0xFFFFFF80]  }
0xeb: {  	v7 =	vshrl.u32 v7, $0x10;
	v9 =	vld [tilespmem:s14+$0x80]  }
0xec: {  	v7 =	vadd.s32 v0, v7;
	v8 =	vld.idx.msk [tilespmem:v8+s4+$0x0], $0xffff;
	[tilespmem:s5+$0x60] =	vst v5  }
0xed: {  	v3 =	vshrl.u32 v3, $0x10;
	v14 =	vld [tilespmem:s14+$0x0];
	[tilespmem:s0+$0x360] =	vst v11  }
0xee: {  	v3 =	vadd.s32 v0, v3;
	v6 =	vld.idx.msk [tilespmem:v6+s4+$0x0], $0xffff;
	[tilespmem:s5+$0x270] =	vst v2  }
0xef: {  	v11 =	vand.u32 $0xFFFF, v12;
	[tilespmem:s5+$0xFFFFFC60] =	vst v15;
	v15 =	vld [tilespmem:s14+$0xFFFFFF00]  }
0xf0: {  	[tilespmem:s0+$0xFFFFFD40] =	vst v4;
	v17 =	vand.u32 $0xFFFF, v9;
	v11 =	vadd.s32 v0, v11;
	v47 =	vld [tilespmem:s7+$0xC0]  }
0xf1: {  	[tilespmem:s5+$0xFFFFFE70] =	vst v8;
	v8 =	vand.u32 $0xFFFF, v10;
	v7 =	vld.idx.msk [tilespmem:v7+s4+$0x0], $0xffff;
	v5 =	vadd.s32 v0, v17  }
0xf2: {  	v2 =	vand.u32 $0xFFFF, v13;
	v1 =	vld.idx.msk [tilespmem:v1+s4+$0x0], $0xffff;
	v8 =	vadd.s32 v0, v8  }
0xf3: {  	v48 =	vand.u32 $0xFFFF, v14;
	v2 =	vadd.s32 v0, v2;
	v3 =	vld.idx.msk [tilespmem:v3+s4+$0x0], $0xffff  }
0xf4: {  	v18 =	vld [tilespmem:s7+$0xFFFFFFC0];
	v17 =	vadd.s32 v0, v48;
	v20 =	vand.u32 $0xFFFF, v15  }
0xf5: {  	v19 =	vand.u32 $0xFFFF, v47;
	v11 =	vld.idx.msk [tilespmem:v11+s4+$0x0], $0xffff;
	v4 =	vadd.s32 v0, v20  }
0xf6: {  	v9 =	vshrl.u32 v9, $0x10;
	v5 =	vld.idx.msk [tilespmem:v5+s4+$0x0], $0xffff;
	v19 =	vadd.s32 v0, v19  }
0xf7: {  	v10 =	vshrl.u32 v10, $0x10;
	v9 =	vadd.s32 v0, v9;
	v8 =	vld.idx.msk [tilespmem:v8+s4+$0x0], $0xffff  }
0xf8: {  	v10 =	vadd.s32 v0, v10;
	v2 =	vld.idx.msk [tilespmem:v2+s4+$0x0], $0xffff  }
0xf9: {  	[tilespmem:s5+$0x70] =	vst v6;
	v17 =	vld.idx.msk [tilespmem:v17+s4+$0x0], $0xffff  }
0xfa: {  	s9 =	simm.s32 $0x1BA80;
	v14 =	vshrl.u32 v14, $0x10;
	[tilespmem:s5+$0xFFFFFC70] =	vst v3;
	v3 =	vld.idx.msk [tilespmem:v4+s4+$0x0], $0xffff  }
0xfb: {  	v14 =	vadd.s32 v0, v14;
	v49 =	vand.u32 $0xFFFF, v18;
	[tilespmem:s9+$0x200] =	vst v5;
	v19 =	vld.idx.msk [tilespmem:v19+s4+$0x0], $0xffff  }
0xfc: {  	v12 =	vshrl.u32 v12, $0x10;
	[tilespmem:s9+$0xFFFFFE00] =	vst v8;
	v6 =	vld.idx.msk [tilespmem:v9+s4+$0x0], $0xffff;
	v9 =	vadd.s32 v0, v49  }
0xfd: {  	v12 =	vadd.s32 v0, v12;
	v4 =	vshrl.u32 v47, $0x10;
	v10 =	vld.idx.msk [tilespmem:v10+s4+$0x0], $0xffff  }
0xfe: {  	v5 =	vld [tilespmem:s7+$0xFFFFFF40];
	[tilespmem:s9+$0x0] =	vst v17;
	v4 =	vadd.s32 v0, v4  }
0xff: {  	v15 =	vshrl.u32 v15, $0x10;
	v8 =	vld [tilespmem:s7+$0x40];
	[tilespmem:s0+$0xFFFFFF40] =	vst v11  }
0x100: {  	v15 =	vadd.s32 v0, v15;
	v14 =	vld.idx.msk [tilespmem:v14+s4+$0x0], $0xffff;
	[tilespmem:s5+$0x300] =	vst v19  }
0x101: {  	[tilespmem:s9+$0x210] =	vst v6;
	v6 =	vld.idx.msk [tilespmem:v9+s4+$0x0], $0xffff  }
0x102: {  	[tilespmem:s9+$0xFFFFFE10] =	vst v10;
	v10 =	vld.idx.msk [tilespmem:v12+s4+$0x0], $0xffff  }
0x103: {  	[tilespmem:s9+$0xFFFFFC00] =	vst v3;
	v9 =	vand.u32 $0xFFFF, v5;
	v3 =	vld.idx.msk [tilespmem:v4+s4+$0x0], $0xffff  }
0x104: {  	v9 =	vadd.s32 v0, v9;
	v50 =	vld [tilespmem:s14+$0xFFFFFF90]  }
0x105: {  	[tilespmem:s0+$0xFFFFFD50] =	vst v7;
	v4 =	vld.idx.msk [tilespmem:v15+s4+$0x0], $0xffff  }
0x106: {  	[tilespmem:s0+$0x140] =	vst v2;
	v12 =	vshrl.u32 v18, $0x10;
	v11 =	vld [tilespmem:s14+$0x90]  }
0x107: {  	v53 =	vld [tilespmem:s15+$0xFFFFFF70];
	[tilespmem:s9+$0x10] =	vst v14;
	v12 =	vadd.s32 v0, v12  }
0x108: {  	v15 =	vand.u32 $0xFFFF, v8;
	v14 =	vld [tilespmem:s14+$0x10];
	[tilespmem:s5+$0xFFFFFF00] =	vst v6  }
0x109: {  	v15 =	vadd.s32 v0, v15;
	[tilespmem:s5+$0x310] =	vst v3;
	v9 =	vld.idx.msk [tilespmem:v9+s4+$0x0], $0xffff;
	v6 =	vand.u32 $0xFFFF, v50  }
0x10a: {  	v13 =	vshrl.u32 v13, $0x10;
	[tilespmem:s9+$0xFFFFFC10] =	vst v4;
	v4 =	vld [tilespmem:s7+$0xD0];
	v2 =	vadd.s32 v0, v6  }
0x10b: {  	v3 =	vadd.s32 v0, v13;
	v51 =	vand.u32 $0xFFFF, v11;
	v13 =	vld [tilespmem:s14+$0xFFFFFF10]  }
0x10c: {  	v5 =	vshrl.u32 v5, $0x10;
	[tilespmem:s0+$0xFFFFFF50] =	vst v10;
	v12 =	vld.idx.msk [tilespmem:v12+s4+$0x0], $0xffff;
	v17 =	vadd.s32 v0, v51  }
0x10d: {  	v5 =	vadd.s32 v0, v5;
	v54 =	vld [tilespmem:s15+$0xFFFFFFF0];
	v6 =	vand.u32 $0xFFFF, v14  }
0x10e: {  	v8 =	vshrl.u32 v8, $0x10;
	v15 =	vld.idx.msk [tilespmem:v15+s4+$0x0], $0xffff;
	v6 =	vadd.s32 v0, v6  }
0x10f: {  	v8 =	vadd.s32 v0, v8;
	v7 =	vand.u32 $0xFFFF, v4;
	v2 =	vld.idx.msk [tilespmem:v2+s4+$0x0], $0xffff  }
0x110: {  	v3 =	vld.idx.msk [tilespmem:v3+s4+$0x0], $0xffff;
	v52 =	vand.u32 $0xFFFF, v13;
	v7 =	vadd.s32 v0, v7  }
0x111: {  	v11 =	vshrl.u32 v11, $0x10;
	[tilespmem:s5+$0xFFFFFD00] =	vst v9;
	v17 =	vld.idx.msk [tilespmem:v17+s4+$0x0], $0xffff;
	v10 =	vadd.s32 v0, v52  }
0x112: {  	v16 =	vshrl.u32 v50, $0x10;
	v11 =	vadd.s32 v0, v11;
	v5 =	vld.idx.msk [tilespmem:v5+s4+$0x0], $0xffff  }
0x113: {  	v16 =	vadd.s32 v0, v16;
	[tilespmem:s5+$0x100] =	vst v15;
	v6 =	vld.idx.msk [tilespmem:v6+s4+$0x0], $0xffff  }
0x114: {  	v14 =	vshrl.u32 v14, $0x10;
	[tilespmem:s9+$0xFFFFFE20] =	vst v2;
	v2 =	vld.idx.msk [tilespmem:v8+s4+$0x0], $0xffff  }
0x115: {  	v14 =	vadd.s32 v0, v14;
	v4 =	vshrl.u32 v4, $0x10;
	v7 =	vld.idx.msk [tilespmem:v7+s4+$0x0], $0xffff  }
0x116: {  	v4 =	vadd.s32 v0, v4;
	[tilespmem:s9+$0x220] =	vst v17;
	v9 =	vld.idx.msk [tilespmem:v10+s4+$0x0], $0xffff;
	v10 =	vshrl.u32 v13, $0x10  }
0x117: {  	[tilespmem:s5+$0xFFFFFF10] =	vst v12;
	v11 =	vld.idx.msk [tilespmem:v11+s4+$0x0], $0xffff;
	v10 =	vadd.s32 v0, v10  }
0x118: {  	[tilespmem:s5+$0xFFFFFD10] =	vst v5;
	v8 =	vld.idx.msk [tilespmem:v16+s4+$0x0], $0xffff  }
0x119: {  	[tilespmem:s9+$0x20] =	vst v6;
	v5 =	vld [tilespmem:s7+$0xFFFFFF50]  }
0x11a: {  	v6 =	vld.idx.msk [tilespmem:v14+s4+$0x0], $0xffff;
	[tilespmem:s5+$0x320] =	vst v7  }
0x11b: {  	[tilespmem:s9+$0xFFFFFC20] =	vst v9;
	v4 =	vld.idx.msk [tilespmem:v4+s4+$0x0], $0xffff  }
0x11c: {  	[tilespmem:s9+$0x230] =	vst v11;
	v7 =	vld.idx.msk [tilespmem:v10+s4+$0x0], $0xffff  }
0x11d: {  	[tilespmem:s9+$0xFFFFFE30] =	vst v8;
	v9 =	vld [tilespmem:s14+$0xA0]  }
0x11e: {  	[tilespmem:s0+$0x150] =	vst v3;
	v11 =	vld [tilespmem:s14+$0xFFFFFFA0]  }
0x11f: {  	v8 =	vld [tilespmem:s7+$0xFFFFFFD0];
	v10 =	vand.u32 $0xFFFF, v53;
	[tilespmem:s9+$0x30] =	vst v6  }
0x120: {  	v6 =	vadd.s32 v0, v10;
	v10 =	vand.u32 $0xFFFF, v54;
	v12 =	vld [tilespmem:s14+$0x20];
	[tilespmem:s5+$0x330] =	vst v4  }
0x121: {  	v4 =	vadd.s32 v0, v10;
	[tilespmem:s9+$0xFFFFFC30] =	vst v7;
	v7 =	vand.u32 $0xFFFF, v5;
	v10 =	vld [tilespmem:s7+$0xE0]  }
0x122: {  	[tilespmem:s5+$0x110] =	vst v2;
	v13 =	vand.u32 $0xFFFF, v9;
	v2 =	vld [tilespmem:s14+$0xFFFFFF20];
	v7 =	vadd.s32 v0, v7  }
0x123: {  	v55 =	vld [tilespmem:s15+$0x70];
	v15 =	vand.u32 $0xFFFF, v11;
	v3 =	vadd.s32 v0, v13  }
0x124: {  	v14 =	vld [tilespmem:s7+$0x50];
	v13 =	vand.u32 $0xFFFF, v8;
	v15 =	vadd.s32 v0, v15  }
0x125: {  	v56 =	vand.u32 $0xFFFF, v12;
	v6 =	vld.idx.msk [tilespmem:v6+s4+$0x0], $0xffff;
	v13 =	vadd.s32 v0, v13  }
0x126: {  	v17 =	vadd.s32 v0, v56;
	v4 =	vld.idx.msk [tilespmem:v4+s4+$0x0], $0xffff;
	v57 =	vand.u32 $0xFFFF, v10  }
0x127: {  	v21 =	vand.u32 $0xFFFF, v2;
	v7 =	vld.idx.msk [tilespmem:v7+s4+$0x0], $0xffff;
	v20 =	vadd.s32 v0, v57  }
0x128: {  	v5 =	vshrl.u32 v5, $0x10;
	v3 =	vld.idx.msk [tilespmem:v3+s4+$0x0], $0xffff;
	v21 =	vadd.s32 v0, v21  }
0x129: {  	v9 =	vshrl.u32 v9, $0x10;
	v5 =	vadd.s32 v0, v5;
	v15 =	vld.idx.msk [tilespmem:v15+s4+$0x0], $0xffff  }
0x12a: {  	v22 =	vand.u32 $0xFFFF, v14;
	v9 =	vadd.s32 v0, v9;
	v13 =	vld.idx.msk [tilespmem:v13+s4+$0x0], $0xffff  }
0x12b: {  	v11 =	vshrl.u32 v11, $0x10;
	v22 =	vadd.s32 v0, v22;
	v17 =	vld.idx.msk [tilespmem:v17+s4+$0x0], $0xffff  }
0x12c: {  	v12 =	vshrl.u32 v12, $0x10;
	v11 =	vadd.s32 v0, v11;
	v8 =	vshrl.u32 v8, $0x10;
	v20 =	vld.idx.msk [tilespmem:v20+s4+$0x0], $0xffff  }
0x12d: {  	v8 =	vadd.s32 v0, v8;
	[tilespmem:s5+$0xFFFFFD20] =	vst v7;
	v7 =	vadd.s32 v0, v12;
	v12 =	vld.idx.msk [tilespmem:v21+s4+$0x0], $0xffff  }
0x12e: {  	v10 =	vshrl.u32 v10, $0x10;
	[tilespmem:s9+$0x240] =	vst v3;
	v3 =	vld.idx.msk [tilespmem:v5+s4+$0x0], $0xffff  }
0x12f: {  	v2 =	vshrl.u32 v2, $0x10;
	[tilespmem:s9+$0xFFFFFE40] =	vst v15;
	v5 =	vadd.s32 v0, v10;
	v9 =	vld.idx.msk [tilespmem:v9+s4+$0x0], $0xffff  }
0x130: {  	v2 =	vadd.s32 v0, v2;
	v10 =	vld.idx.msk [tilespmem:v22+s4+$0x0], $0xffff;
	[tilespmem:s9+$0x40] =	vst v17  }
0x131: {  	v14 =	vshrl.u32 v14, $0x10;
	v11 =	vld.idx.msk [tilespmem:v11+s4+$0x0], $0xffff;
	[tilespmem:s5+$0xFFFFFF20] =	vst v13  }
0x132: {  	v14 =	vadd.s32 v0, v14;
	v8 =	vld.idx.msk [tilespmem:v8+s4+$0x0], $0xffff;
	[tilespmem:s5+$0x340] =	vst v20  }
0x133: {  	v7 =	vld.idx.msk [tilespmem:v7+s4+$0x0], $0xffff;
	[tilespmem:s9+$0xFFFFFC40] =	vst v12  }
0x134: {  	[tilespmem:s9+$0x250] =	vst v9;
	v5 =	vld.idx.msk [tilespmem:v5+s4+$0x0], $0xffff  }
0x135: {  	[tilespmem:s5+$0x120] =	vst v10;
	v2 =	vld.idx.msk [tilespmem:v2+s4+$0x0], $0xffff  }
0x136: {  	[tilespmem:s9+$0xFFFFFE50] =	vst v11;
	v9 =	vld [tilespmem:s14+$0xB0]  }
0x137: {  	[tilespmem:s5+$0xFFFFFD30] =	vst v3;
	v10 =	vld.idx.msk [tilespmem:v14+s4+$0x0], $0xffff  }
0x138: {  	v11 =	vld [tilespmem:s14+$0xFFFFFFB0];
	[tilespmem:s5+$0xFFFFFF30] =	vst v8  }
0x139: {  	v13 =	vshrl.u32 v54, $0x10;
	v8 =	vld [tilespmem:s7+$0xFFFFFF60];
	[tilespmem:s9+$0x50] =	vst v7  }
0x13a: {  	v13 =	vadd.s32 v0, v13;
	v7 =	vand.u32 $0xFFFF, v55;
	v12 =	vld [tilespmem:s14+$0x30]  }
0x13b: {  	v58 =	vld [tilespmem:s7+$0xFFFFFFE0];
	v7 =	vadd.s32 v0, v7;
	[tilespmem:s5+$0x350] =	vst v5;
	v5 =	vshrl.u32 v53, $0x10  }
0x13c: {  	[tilespmem:s9+$0xFFFFFC50] =	vst v2;
	v14 =	vld [tilespmem:s7+$0xF0];
	v2 =	vadd.s32 v0, v5;
	v5 =	vand.u32 $0xFFFF, v9  }
0x13d: {  	[tilespmem:s5+$0x130] =	vst v10;
	v3 =	vld [tilespmem:s14+$0xFFFFFF30];
	v5 =	vadd.s32 v0, v5  }
0x13e: {  	v16 =	vshrl.u32 v55, $0x10;
	[tilespmem:s0+$0xFFFFFF60] =	vst v4;
	v15 =	vand.u32 $0xFFFF, v11;
	v59 =	vld [tilespmem:s7+$0x60]  }
0x13f: {  	v4 =	vshrl.u32 v9, $0x10;
	v10 =	vadd.s32 v0, v15;
	v9 =	vld.idx.msk [tilespmem:v13+s4+$0x0], $0xffff;
	v15 =	vand.u32 $0xFFFF, v12  }
0x140: {  	v16 =	vadd.s32 v0, v16;
	[tilespmem:s0+$0xFFFFFD60] =	vst v6;
	v13 =	vand.u32 $0xFFFF, v8;
	v7 =	vld.idx.msk [tilespmem:v7+s4+$0x0], $0xffff;
	v6 =	vadd.s32 v0, v15  }
0x141: {  	[tilespmem:s0+$0x370] =	vst v1;
	v1 =	vshrl.u32 v11, $0x10;
	v63 =	vadd.s32 v0, v13;
	v15 =	vand.u32 $0xFFFF, v14;
	v2 =	vld.idx.msk [tilespmem:v2+s4+$0x0], $0xffff  }
0x142: {  	v62 =	vadd.s32 v0, v4;
	v60 =	vand.u32 $0xFFFF, v3;
	v15 =	vadd.s32 v0, v15;
	v5 =	vld.idx.msk [tilespmem:v5+s4+$0x0], $0xffff  }
0x143: {  	v24 =	vadd.s32 v0, v1;
	v1 =	vshrl.u32 v3, $0x10;
	v19 =	vadd.s32 v0, v60  }
0x144: {  	v61 =	vld.idx.msk [tilespmem:v10+s4+$0x0], $0xffff;
	[tilespmem:s0+$0xFFFFFF70] =	vst v9;
	v14 =	vshrl.u32 v14, $0x10;
	v11 =	vadd.s32 v0, v1;
	v1 =	vand.u32 $0xFFFF, v58  }
0x145: {  	[tilespmem:s0+$0x160] =	vst v7;
	v7 =	vshrl.u32 v8, $0x10;
	v8 =	vadd.s32 v0, v1;
	v23 =	vld.idx.msk [tilespmem:v6+s4+$0x0], $0xffff;
	v6 =	vshrl.u32 v12, $0x10  }
0x146: {  	v9 =	vld.idx.msk [tilespmem:v63+s4+$0x0], $0xffff;
	v1 =	vshrl.u32 v58, $0x10;
	v10 =	vadd.s32 v0, v6;
	[tilespmem:s0+$0xFFFFFD70] =	vst v2;
	v2 =	vand.u32 $0xFFFF, v59  }
0x147: {  	v4 =	vld.idx.msk [tilespmem:v15+s4+$0x0], $0xffff;
	[tilespmem:s9+$0x260] =	vst v5;
	v6 =	vadd.s32 v0, v2;
	v5 =	vadd.s32 v0, v7;
	v7 =	vshrl.u32 v59, $0x10  }
0x148: {  	v12 =	vld.idx.msk [tilespmem:v19+s4+$0x0], $0xffff;
	v2 =	vadd.s32 v0, v1;
	v1 =	vadd.s32 v0, v7;
	v7 =	vadd.s32 v0, v14  }
0x149: {  	v3 =	vld.idx.msk [tilespmem:v16+s4+$0x0], $0xffff  }
0x14a: {  	[tilespmem:s9+$0xFFFFFE60] =	vst v61;
	v13 =	vld.idx.msk [tilespmem:v62+s4+$0x0], $0xffff  }
0x14b: {  	s16 =	simm.s32 $0x8;
	s17 =	simm.s32 $0x19D80;
	s15 =	sshll.u32 s31, $0x1;
	v14 =	vld.idx.msk [tilespmem:v24+s4+$0x0], $0xffff;
	[tilespmem:s9+$0x60] =	vst v23  }
.LBB2_4:
0x14c: {  	v15 =	vld [tilespmem:s17+$0x80];
	s16 =	sadd.s32 $0x4, s16;
	[tilespmem:s5+$0x360] =	vst v4  }
0x14d: {  	p1 =	slt.u32 s16, $0xC;
	[tilespmem:s9+$0xFFFFFC60] =	vst v12;
	v4 =	vld.idx.msk [tilespmem:v7+s4+$0x0], $0xffff  }
0x14e: {  	v7 =	vld [tilespmem:s17+$0xFFFFFF80];
	[tilespmem:s0+$0x170] =	vst v3;
	s0 =	smov.u32 s5;
	s5 =	smov.u32 s9  }
0x14f: {  	v3 =	vld [tilespmem:s17+$0x0];
	[tilespmem:s9+$0x270] =	vst v13  }
0x150: {  	v12 =	vld [tilespmem:s14+$0xC0];
	[tilespmem:s0+$0xFFFFFD40] =	vst v9  }
0x151: {  	v9 =	vld [tilespmem:s17+$0xFFFFFF00];
	v13 =	vand.u32 $0xFFFF, v15;
	[tilespmem:s9+$0xFFFFFE70] =	vst v14  }
0x152: {  	v13 =	vadd.s32 v0, v13;
	v11 =	vld.idx.msk [tilespmem:v11+s4+$0x0], $0xffff  }
0x153: {  	v14 =	vand.u32 $0xFFFF, v7;
	v7 =	vshrl.u32 v7, $0x10;
	v10 =	vld.idx.msk [tilespmem:v10+s4+$0x0], $0xffff;
	[tilespmem:s0+$0x370] =	vst v4  }
0x154: {  	v4 =	vadd.s32 v0, v14;
	v14 =	vand.u32 $0xFFFF, v3;
	v3 =	vshrl.u32 v3, $0x10;
	v16 =	vld [tilespmem:s14+$0xFFFFFFC0]  }
0x155: {  	v7 =	vadd.s32 v0, v7;
	v14 =	vadd.s32 v0, v14;
	v17 =	vand.u32 $0xFFFF, v12;
	v8 =	vld.idx.msk [tilespmem:v8+s4+$0x0], $0xffff  }
0x156: {  	v18 =	vand.u32 $0xFFFF, v9;
	v9 =	vshrl.u32 v9, $0x10;
	v17 =	vadd.s32 v0, v17;
	v6 =	vld.idx.msk [tilespmem:v6+s4+$0x0], $0xffff  }
0x157: {  	v3 =	vadd.s32 v0, v3;
	v18 =	vadd.s32 v0, v18;
	v9 =	vadd.s32 v0, v9;
	v13 =	vld.idx.msk [tilespmem:v13+s4+$0x0], $0xffff  }
0x158: {  	v15 =	vshrl.u32 v15, $0x10;
	[tilespmem:s9+$0xFFFFFC70] =	vst v11;
	v5 =	vld.idx.msk [tilespmem:v5+s4+$0x0], $0xffff  }
0x159: {  	v11 =	vadd.s32 v0, v15;
	v4 =	vld.idx.msk [tilespmem:v4+s4+$0x0], $0xffff;
	v15 =	vand.u32 $0xFFFF, v16;
	v16 =	vshrl.u32 v16, $0x10;
	[tilespmem:s9+$0x70] =	vst v10  }
0x15a: {  	v10 =	vld.idx.msk [tilespmem:v14+s4+$0x0], $0xffff;
	v14 =	vadd.s32 v0, v15;
	v15 =	vadd.s32 v0, v16  }
0x15b: {  	v16 =	vld.idx.msk [tilespmem:v17+s4+$0x0], $0xffff;
	[tilespmem:s0+$0xFFFFFF40] =	vst v8  }
0x15c: {  	v12 =	vshrl.u32 v12, $0x10;
	s9 =	sadd.s32 $0x800, s9;
	v8 =	vld.idx.msk [tilespmem:v18+s4+$0x0], $0xffff;
	[tilespmem:s0+$0x140] =	vst v6  }
0x15d: {  	v12 =	vadd.s32 v0, v12;
	[tilespmem:s9+$0x200] =	vst v13;
	v6 =	vld [tilespmem:s14+$0xFFFFFF40]  }
0x15e: {  	v11 =	vld.idx.msk [tilespmem:v11+s4+$0x0], $0xffff;
	[tilespmem:s0+$0xFFFFFD50] =	vst v5  }
0x15f: {  	[tilespmem:s9+$0xFFFFFE00] =	vst v4;
	v4 =	vld [tilespmem:s14+$0x40]  }
0x160: {  	v5 =	vld.idx.msk [tilespmem:v7+s4+$0x0], $0xffff;
	[tilespmem:s9+$0x0] =	vst v10  }
0x161: {  	v3 =	vld.idx.msk [tilespmem:v3+s4+$0x0], $0xffff;
	[tilespmem:s5+$0x300] =	vst v16  }
0x162: {  	[tilespmem:s9+$0xFFFFFC00] =	vst v8;
	v7 =	vand.u32 $0xFFFF, v6;
	v6 =	vshrl.u32 v6, $0x10;
	v8 =	vld.idx.msk [tilespmem:v12+s4+$0x0], $0xffff  }
0x163: {  	v9 =	vld.idx.msk [tilespmem:v9+s4+$0x0], $0xffff;
	v7 =	vadd.s32 v0, v7;
	v6 =	vadd.s32 v0, v6  }
0x164: {  	[tilespmem:s9+$0x210] =	vst v11;
	v10 =	vld.idx.msk [tilespmem:v14+s4+$0x0], $0xffff;
	v11 =	vand.u32 $0xFFFF, v4;
	v4 =	vshrl.u32 v4, $0x10  }
0x165: {  	v12 =	vld [tilespmem:s17+$0x90];
	v11 =	vadd.s32 v0, v11;
	v4 =	vadd.s32 v0, v4  }
0x166: {  	[tilespmem:s9+$0xFFFFFE10] =	vst v5;
	v2 =	vld.idx.msk [tilespmem:v2+s4+$0x0], $0xffff  }
0x167: {  	v5 =	vld [tilespmem:s17+$0xFFFFFF90];
	[tilespmem:s9+$0x10] =	vst v3  }
0x168: {  	v3 =	vld [tilespmem:s17+$0x10];
	[tilespmem:s5+$0x310] =	vst v8  }
0x169: {  	[tilespmem:s9+$0xFFFFFC10] =	vst v9;
	v8 =	vld [tilespmem:s14+$0xD0]  }
0x16a: {  	v9 =	vld [tilespmem:s17+$0xFFFFFF10];
	v13 =	vand.u32 $0xFFFF, v12;
	[tilespmem:s5+$0xFFFFFF00] =	vst v10  }
0x16b: {  	v10 =	vadd.s32 v0, v13;
	v7 =	vld.idx.msk [tilespmem:v7+s4+$0x0], $0xffff  }
0x16c: {  	v13 =	vand.u32 $0xFFFF, v5;
	v5 =	vshrl.u32 v5, $0x10;
	v11 =	vld.idx.msk [tilespmem:v11+s4+$0x0], $0xffff;
	[tilespmem:s0+$0xFFFFFF50] =	vst v2  }
0x16d: {  	v2 =	vadd.s32 v0, v13;
	v13 =	vand.u32 $0xFFFF, v3;
	v3 =	vshrl.u32 v3, $0x10;
	v14 =	vld.idx.msk [tilespmem:v15+s4+$0x0], $0xffff  }
0x16e: {  	v5 =	vadd.s32 v0, v5;
	v13 =	vadd.s32 v0, v13;
	v15 =	vand.u32 $0xFFFF, v8;
	v1 =	vld.idx.msk [tilespmem:v1+s4+$0x0], $0xffff  }
0x16f: {  	v16 =	vand.u32 $0xFFFF, v9;
	v9 =	vshrl.u32 v9, $0x10;
	v15 =	vadd.s32 v0, v15;
	v17 =	vld [tilespmem:s7+$0xFFFFFF70]  }
0x170: {  	v3 =	vadd.s32 v0, v3;
	v16 =	vadd.s32 v0, v16;
	v9 =	vadd.s32 v0, v9;
	v10 =	vld.idx.msk [tilespmem:v10+s4+$0x0], $0xffff  }
0x171: {  	v12 =	vshrl.u32 v12, $0x10;
	[tilespmem:s5+$0xFFFFFD00] =	vst v7;
	v7 =	vld [tilespmem:s7+$0xFFFFFFF0]  }
0x172: {  	v18 =	vld.idx.msk [tilespmem:v2+s4+$0x0], $0xffff;
	v2 =	vadd.s32 v0, v12;
	[tilespmem:s5+$0x100] =	vst v11  }
0x173: {  	v11 =	vld.idx.msk [tilespmem:v13+s4+$0x0], $0xffff;
	[tilespmem:s5+$0xFFFFFF10] =	vst v14  }
0x174: {  	v12 =	vld.idx.msk [tilespmem:v15+s4+$0x0], $0xffff;
	v13 =	vand.u32 $0xFFFF, v17;
	v14 =	vshrl.u32 v17, $0x10;
	[tilespmem:s0+$0x150] =	vst v1  }
0x175: {  	v8 =	vshrl.u32 v8, $0x10;
	v15 =	vld.idx.msk [tilespmem:v16+s4+$0x0], $0xffff;
	v13 =	vadd.s32 v0, v13;
	v1 =	vadd.s32 v0, v14  }
0x176: {  	v8 =	vadd.s32 v0, v8;
	[tilespmem:s9+$0x220] =	vst v10;
	v6 =	vld.idx.msk [tilespmem:v6+s4+$0x0], $0xffff;
	v10 =	vand.u32 $0xFFFF, v7;
	v7 =	vshrl.u32 v7, $0x10  }
0x177: {  	v14 =	vld.idx.msk [tilespmem:v2+s4+$0x0], $0xffff;
	v10 =	vadd.s32 v0, v10;
	v2 =	vadd.s32 v0, v7  }
0x178: {  	[tilespmem:s9+$0xFFFFFE20] =	vst v18;
	v4 =	vld.idx.msk [tilespmem:v4+s4+$0x0], $0xffff  }
0x179: {  	v5 =	vld.idx.msk [tilespmem:v5+s4+$0x0], $0xffff;
	[tilespmem:s9+$0x20] =	vst v11  }
0x17a: {  	v3 =	vld.idx.msk [tilespmem:v3+s4+$0x0], $0xffff;
	[tilespmem:s5+$0x320] =	vst v12  }
0x17b: {  	[tilespmem:s9+$0xFFFFFC20] =	vst v15;
	v7 =	vld.idx.msk [tilespmem:v8+s4+$0x0], $0xffff  }
0x17c: {  	v8 =	vld.idx.msk [tilespmem:v9+s4+$0x0], $0xffff;
	[tilespmem:s5+$0xFFFFFD10] =	vst v6  }
0x17d: {  	[tilespmem:s9+$0x230] =	vst v14;
	v6 =	vld [tilespmem:s14+$0xFFFFFF50]  }
0x17e: {  	v9 =	vld [tilespmem:s17+$0xA0];
	[tilespmem:s5+$0x110] =	vst v4  }
0x17f: {  	[tilespmem:s9+$0xFFFFFE30] =	vst v5;
	v4 =	vld [tilespmem:s14+$0xFFFFFFD0]  }
0x180: {  	v5 =	vld [tilespmem:s17+$0xFFFFFFA0];
	[tilespmem:s9+$0x30] =	vst v3  }
0x181: {  	v3 =	vld [tilespmem:s17+$0x20];
	[tilespmem:s5+$0x330] =	vst v7  }
0x182: {  	[tilespmem:s9+$0xFFFFFC30] =	vst v8;
	v7 =	vand.u32 $0xFFFF, v6;
	v6 =	vshrl.u32 v6, $0x10;
	v8 =	vld [tilespmem:s14+$0xE0]  }
0x183: {  	v11 =	vld [tilespmem:s17+$0xFFFFFF20];
	v12 =	vand.u32 $0xFFFF, v9;
	v7 =	vadd.s32 v0, v7;
	v6 =	vadd.s32 v0, v6  }
0x184: {  	v12 =	vadd.s32 v0, v12;
	v14 =	vand.u32 $0xFFFF, v4;
	v4 =	vshrl.u32 v4, $0x10;
	v15 =	vld [tilespmem:s14+$0x50]  }
0x185: {  	v16 =	vand.u32 $0xFFFF, v5;
	v5 =	vshrl.u32 v5, $0x10;
	v14 =	vadd.s32 v0, v14;
	v17 =	vld [tilespmem:s7+$0x70];
	s7 =	smov.u32 s14;
	s14 =	smov.u32 s17  }
0x186: {  	v16 =	vadd.s32 v0, v16;
	v18 =	vand.u32 $0xFFFF, v3;
	v3 =	vshrl.u32 v3, $0x10;
	v13 =	vld.idx.msk [tilespmem:v13+s4+$0x0], $0xffff  }
0x187: {  	v5 =	vadd.s32 v0, v5;
	v18 =	vadd.s32 v0, v18;
	v19 =	vand.u32 $0xFFFF, v8;
	v10 =	vld.idx.msk [tilespmem:v10+s4+$0x0], $0xffff  }
0x188: {  	v20 =	vand.u32 $0xFFFF, v11;
	v11 =	vshrl.u32 v11, $0x10;
	v7 =	vld.idx.msk [tilespmem:v7+s4+$0x0], $0xffff;
	v19 =	vadd.s32 v0, v19  }
0x189: {  	v3 =	vadd.s32 v0, v3;
	v20 =	vadd.s32 v0, v20;
	v11 =	vadd.s32 v0, v11;
	v12 =	vld.idx.msk [tilespmem:v12+s4+$0x0], $0xffff  }
0x18a: {  	v9 =	vshrl.u32 v9, $0x10;
	v21 =	vand.u32 $0xFFFF, v15;
	v15 =	vshrl.u32 v15, $0x10;
	v14 =	vld.idx.msk [tilespmem:v14+s4+$0x0], $0xffff  }
0x18b: {  	v9 =	vadd.s32 v0, v9;
	v4 =	vadd.s32 v0, v4;
	v21 =	vadd.s32 v0, v21;
	v16 =	vld.idx.msk [tilespmem:v16+s4+$0x0], $0xffff  }
0x18c: {  	v15 =	vadd.s32 v0, v15;
	v18 =	vld.idx.msk [tilespmem:v18+s4+$0x0], $0xffff;
	[tilespmem:s0+$0xFFFFFD60] =	vst v13;
	v13 =	vand.u32 $0xFFFF, v17;
	v17 =	vshrl.u32 v17, $0x10  }
0x18d: {  	v19 =	vld.idx.msk [tilespmem:v19+s4+$0x0], $0xffff;
	[tilespmem:s0+$0xFFFFFF60] =	vst v10;
	v10 =	vadd.s32 v0, v13;
	v13 =	vadd.s32 v0, v17  }
0x18e: {  	v17 =	vld.idx.msk [tilespmem:v20+s4+$0x0], $0xffff;
	[tilespmem:s5+$0xFFFFFD20] =	vst v7;
	v7 =	vshrl.u32 v8, $0x10  }
0x18f: {  	[tilespmem:s9+$0x240] =	vst v12;
	v6 =	vld.idx.msk [tilespmem:v6+s4+$0x0], $0xffff;
	v7 =	vadd.s32 v0, v7  }
0x190: {  	v8 =	vld.idx.msk [tilespmem:v9+s4+$0x0], $0xffff;
	[tilespmem:s5+$0xFFFFFF20] =	vst v14  }
0x191: {  	[tilespmem:s9+$0xFFFFFE40] =	vst v16;
	v9 =	vld.idx.msk [tilespmem:v21+s4+$0x0], $0xffff  }
0x192: {  	v5 =	vld.idx.msk [tilespmem:v5+s4+$0x0], $0xffff;
	[tilespmem:s9+$0x40] =	vst v18  }
0x193: {  	v3 =	vld.idx.msk [tilespmem:v3+s4+$0x0], $0xffff;
	[tilespmem:s5+$0x340] =	vst v19  }
0x194: {  	[tilespmem:s9+$0xFFFFFC40] =	vst v17;
	v7 =	vld.idx.msk [tilespmem:v7+s4+$0x0], $0xffff  }
0x195: {  	v11 =	vld.idx.msk [tilespmem:v11+s4+$0x0], $0xffff;
	[tilespmem:s5+$0xFFFFFD30] =	vst v6  }
0x196: {  	[tilespmem:s9+$0x250] =	vst v8;
	v4 =	vld.idx.msk [tilespmem:v4+s4+$0x0], $0xffff  }
0x197: {  	v6 =	vld [tilespmem:s17+$0xB0];
	[tilespmem:s5+$0x120] =	vst v9  }
0x198: {  	[tilespmem:s9+$0xFFFFFE50] =	vst v5;
	v5 =	vld.idx.msk [tilespmem:v15+s4+$0x0], $0xffff  }
0x199: {  	v8 =	vld [tilespmem:s17+$0xFFFFFFB0];
	[tilespmem:s9+$0x50] =	vst v3  }
0x19a: {  	v3 =	vld [tilespmem:s17+$0x30];
	[tilespmem:s5+$0x350] =	vst v7  }
0x19b: {  	[tilespmem:s9+$0xFFFFFC50] =	vst v11;
	v7 =	vld [tilespmem:s7+$0xF0]  }
0x19c: {  	v9 =	vld [tilespmem:s17+$0xFFFFFF30];
	v11 =	vand.u32 $0xFFFF, v6;
	[tilespmem:s5+$0xFFFFFF30] =	vst v4  }
0x19d: {  	v4 =	vadd.s32 v0, v11;
	v12 =	vld [tilespmem:s7+$0xFFFFFF60]  }
0x19e: {  	v11 =	vand.u32 $0xFFFF, v8;
	v8 =	vshrl.u32 v8, $0x10;
	v14 =	vld [tilespmem:s7+$0xFFFFFFE0];
	[tilespmem:s5+$0x130] =	vst v5  }
0x19f: {  	v5 =	vadd.s32 v0, v11;
	v11 =	vand.u32 $0xFFFF, v3;
	v3 =	vshrl.u32 v3, $0x10;
	v15 =	vld [tilespmem:s7+$0x60]  }
0x1a0: {  	v16 =	vadd.s32 v0, v8;
	v8 =	vadd.s32 v0, v11;
	v11 =	vand.u32 $0xFFFF, v7;
	v17 =	vld.idx.msk [tilespmem:v10+s4+$0x0], $0xffff  }
0x1a1: {  	v10 =	vand.u32 $0xFFFF, v9;
	v9 =	vshrl.u32 v9, $0x10;
	v18 =	vadd.s32 v0, v11;
	v19 =	vld.idx.msk [tilespmem:v1+s4+$0x0], $0xffff  }
0x1a2: {  	v1 =	vadd.s32 v0, v10;
	v11 =	vadd.s32 v0, v9;
	v10 =	vadd.s32 v0, v3;
	v3 =	vld.idx.msk [tilespmem:v4+s4+$0x0], $0xffff  }
0x1a3: {  	v4 =	vshrl.u32 v6, $0x10;
	v6 =	vand.u32 $0xFFFF, v12;
	v9 =	vand.u32 $0xFFFF, v14;
	v20 =	vld.idx.msk [tilespmem:v2+s4+$0x0], $0xffff  }
0x1a4: {  	v22 =	vadd.s32 v0, v4;
	v23 =	vadd.s32 v0, v6;
	v21 =	vld.idx.msk [tilespmem:v5+s4+$0x0], $0xffff;
	v2 =	vand.u32 $0xFFFF, v15  }
0x1a5: {  	v4 =	vshrl.u32 v12, $0x10;
	v24 =	vld.idx.msk [tilespmem:v8+s4+$0x0], $0xffff;
	v8 =	vadd.s32 v0, v9;
	v6 =	vadd.s32 v0, v2  }
0x1a6: {  	v5 =	vadd.s32 v0, v4;
	v2 =	vshrl.u32 v14, $0x10;
	v9 =	vshrl.u32 v15, $0x10;
	v4 =	vld.idx.msk [tilespmem:v18+s4+$0x0], $0xffff;
	[tilespmem:s0+$0x160] =	vst v17  }
.Ltmp0:
0x1a7: {  	v7 =	vshrl.u32 v7, $0x10;
	v2 =	vadd.s32 v0, v2;
	v12 =	vld.idx.msk [tilespmem:v1+s4+$0x0], $0xffff;
	v1 =	vadd.s32 v0, v9;
	[tilespmem:s0+$0xFFFFFD70] =	vst v19;
	(pc) =	sbr.rel @p1 .LBB2_4-.Ltmp0, $4  }
0x1a8: {  	v7 =	vadd.s32 v0, v7;
	[tilespmem:s9+$0x260] =	vst v3;
	v3 =	vld.idx.msk [tilespmem:v13+s4+$0x0], $0xffff  }
0x1a9: {  	v13 =	vld.idx.msk [tilespmem:v22+s4+$0x0], $0xffff;
	[tilespmem:s0+$0xFFFFFF70] =	vst v20  }
0x1aa: {  	[tilespmem:s9+$0xFFFFFE60] =	vst v21;
	v9 =	vld.idx.msk [tilespmem:v23+s4+$0x0], $0xffff  }
0x1ab: {  	s17 =	sadd.s32 $0x200, s17;
	v14 =	vld.idx.msk [tilespmem:v16+s4+$0x0], $0xffff;
	[tilespmem:s9+$0x60] =	vst v24  }
0x1ac: {  	_ =	sdelay $0x3  }
0x1ad: {  	[tilespmem:s9+$0xFFFFFC60] =	vst v12;
	v10 =	vld.idx.msk [tilespmem:v10+s4+$0x0], $0xffff  }
0x1ae: {  	v11 =	vld.idx.msk [tilespmem:v11+s4+$0x0], $0xffff;
	_ =	sdelay $0x1  }
0x1af: {  	[tilespmem:s9+$0x270] =	vst v13  }
0x1b0: {  	v59 =	vld [tilespmem:s14+$0xC0];
	[tilespmem:s9+$0xFFFFFE70] =	vst v14  }
0x1b1: {  	v60 =	vld [tilespmem:s14+$0xFFFFFFC0];
	[tilespmem:s9+$0x70] =	vst v10  }
0x1b2: {  	[tilespmem:s9+$0xFFFFFC70] =	vst v11;
	v10 =	vld [tilespmem:s14+$0x40]  }
0x1b3: {  	v11 =	vld [tilespmem:s14+$0xFFFFFF40];
	_ =	sdelay $0x1  }
0x1b4: {  	v61 =	vand.u32 $0xFFFF, v59  }
0x1b5: {  	v14 =	vadd.s32 v0, v61;
	v16 =	vand.u32 $0xFFFF, v60  }
0x1b6: {  	v16 =	vadd.s32 v0, v16;
	v17 =	vand.u32 $0xFFFF, v10  }
0x1b7: {  	v15 =	vand.u32 $0xFFFF, v11;
	v17 =	vadd.s32 v0, v17  }
0x1b8: {  	v15 =	vadd.s32 v0, v15;
	_ =	sdelay $0x1  }
0x1b9: {  	v12 =	vshrl.u32 v59, $0x10;
	v14 =	vld.idx.msk [tilespmem:v14+s4+$0x0], $0xffff  }
0x1ba: {  	v12 =	vadd.s32 v0, v12;
	v13 =	vshrl.u32 v60, $0x10;
	v16 =	vld.idx.msk [tilespmem:v16+s4+$0x0], $0xffff  }
0x1bb: {  	v13 =	vadd.s32 v0, v13;
	v10 =	vshrl.u32 v10, $0x10;
	v17 =	vld.idx.msk [tilespmem:v17+s4+$0x0], $0xffff  }
0x1bc: {  	v11 =	vshrl.u32 v11, $0x10;
	v10 =	vadd.s32 v0, v10;
	v15 =	vld.idx.msk [tilespmem:v15+s4+$0x0], $0xffff  }
0x1bd: {  	v11 =	vadd.s32 v0, v11  }
0x1be: {  	[tilespmem:s9+$0x300] =	vst v14  }
0x1bf: {  	v12 =	vld.idx.msk [tilespmem:v12+s4+$0x0], $0xffff;
	[tilespmem:s9+$0xFFFFFF00] =	vst v16  }
0x1c0: {  	v13 =	vld.idx.msk [tilespmem:v13+s4+$0x0], $0xffff;
	[tilespmem:s9+$0x100] =	vst v17  }
0x1c1: {  	[tilespmem:s9+$0xFFFFFD00] =	vst v15;
	v10 =	vld.idx.msk [tilespmem:v10+s4+$0x0], $0xffff  }
0x1c2: {  	v11 =	vld.idx.msk [tilespmem:v11+s4+$0x0], $0xffff;
	_ =	sdelay $0x1  }
0x1c3: {  	[tilespmem:s9+$0x310] =	vst v12  }
0x1c4: {  	v12 =	vld [tilespmem:s14+$0xD0];
	[tilespmem:s9+$0xFFFFFF10] =	vst v13  }
0x1c5: {  	[tilespmem:s9+$0x110] =	vst v10;
	v62 =	vld [tilespmem:s14+$0xFFFFFFD0]  }
0x1c6: {  	[tilespmem:s9+$0xFFFFFD10] =	vst v11;
	v63 =	vld [tilespmem:s14+$0x50]  }
0x1c7: {  	v11 =	vld [tilespmem:s14+$0xFFFFFF50];
	_ =	sdelay $0x1  }
0x1c8: {  	v19 =	vand.u32 $0xFFFF, v12  }
0x1c9: {  	v14 =	vadd.s32 v0, v19;
	v21 =	vand.u32 $0xFFFF, v62  }
0x1ca: {  	v16 =	vadd.s32 v0, v21;
	v22 =	vand.u32 $0xFFFF, v63  }
0x1cb: {  	v20 =	vand.u32 $0xFFFF, v11;
	v17 =	vadd.s32 v0, v22  }
0x1cc: {  	v15 =	vadd.s32 v0, v20;
	_ =	sdelay $0x1  }
0x1cd: {  	v12 =	vshrl.u32 v12, $0x10;
	v14 =	vld.idx.msk [tilespmem:v14+s4+$0x0], $0xffff  }
0x1ce: {  	v12 =	vadd.s32 v0, v12;
	v10 =	vshrl.u32 v62, $0x10;
	v16 =	vld.idx.msk [tilespmem:v16+s4+$0x0], $0xffff  }
0x1cf: {  	v13 =	vshrl.u32 v63, $0x10;
	v10 =	vadd.s32 v0, v10;
	v17 =	vld.idx.msk [tilespmem:v17+s4+$0x0], $0xffff  }
0x1d0: {  	v11 =	vshrl.u32 v11, $0x10;
	v13 =	vadd.s32 v0, v13;
	v15 =	vld.idx.msk [tilespmem:v15+s4+$0x0], $0xffff  }
0x1d1: {  	v11 =	vadd.s32 v0, v11  }
0x1d2: {  	[tilespmem:s9+$0x320] =	vst v14  }
0x1d3: {  	v12 =	vld.idx.msk [tilespmem:v12+s4+$0x0], $0xffff;
	[tilespmem:s9+$0xFFFFFF20] =	vst v16  }
0x1d4: {  	v10 =	vld.idx.msk [tilespmem:v10+s4+$0x0], $0xffff;
	[tilespmem:s9+$0x120] =	vst v17  }
0x1d5: {  	[tilespmem:s9+$0xFFFFFD20] =	vst v15;
	v13 =	vld.idx.msk [tilespmem:v13+s4+$0x0], $0xffff  }
0x1d6: {  	v11 =	vld.idx.msk [tilespmem:v11+s4+$0x0], $0xffff;
	_ =	sdelay $0x1  }
0x1d7: {  	v8 =	vld.idx.msk [tilespmem:v8+s4+$0x0], $0xffff;
	[tilespmem:s9+$0x330] =	vst v12  }
0x1d8: {  	v12 =	vld [tilespmem:s14+$0xE0];
	[tilespmem:s9+$0xFFFFFF30] =	vst v10  }
0x1d9: {  	v24 =	vld [tilespmem:s14+$0xFFFFFFE0];
	[tilespmem:s9+$0x130] =	vst v13  }
0x1da: {  	[tilespmem:s9+$0xFFFFFD30] =	vst v11;
	v13 =	vld [tilespmem:s14+$0x60]  }
0x1db: {  	v23 =	vld [tilespmem:s14+$0xFFFFFF60]  }
0x1dc: {  	v6 =	vld.idx.msk [tilespmem:v6+s4+$0x0], $0xffff  }
0x1dd: {  	v25 =	vand.u32 $0xFFFF, v12  }
0x1de: {  	v14 =	vadd.s32 v0, v25;
	v27 =	vand.u32 $0xFFFF, v24  }
0x1df: {  	[tilespmem:s5+$0xFFFFFD40] =	vst v9;
	v28 =	vand.u32 $0xFFFF, v13;
	v9 =	vadd.s32 v0, v27  }
0x1e0: {  	v5 =	vld.idx.msk [tilespmem:v5+s4+$0x0], $0xffff;
	[tilespmem:s5+$0xFFFFFF40] =	vst v8;
	v26 =	vand.u32 $0xFFFF, v23;
	v29 =	vadd.s32 v0, v28  }
0x1e1: {  	[tilespmem:s5+$0x140] =	vst v6;
	v2 =	vld.idx.msk [tilespmem:v2+s4+$0x0], $0xffff;
	v15 =	vadd.s32 v0, v26  }
0x1e2: {  	v1 =	vld.idx.msk [tilespmem:v1+s4+$0x0], $0xffff  }
0x1e3: {  	v12 =	vshrl.u32 v12, $0x10;
	v30 =	vld.idx.msk [tilespmem:v14+s4+$0x0], $0xffff  }
0x1e4: {  	v12 =	vadd.s32 v0, v12;
	v11 =	vshrl.u32 v24, $0x10;
	v9 =	vld.idx.msk [tilespmem:v9+s4+$0x0], $0xffff  }
0x1e5: {  	v32 =	vshrl.u32 v13, $0x10;
	v11 =	vadd.s32 v0, v11;
	v6 =	vld.idx.msk [tilespmem:v29+s4+$0x0], $0xffff  }
0x1e6: {  	[tilespmem:s5+$0xFFFFFD50] =	vst v5;
	v10 =	vshrl.u32 v23, $0x10;
	v5 =	vadd.s32 v0, v32;
	v31 =	vld.idx.msk [tilespmem:v15+s4+$0x0], $0xffff  }
0x1e7: {  	v33 =	vld [tilespmem:s7+$0xFFFFFF70];
	[tilespmem:s5+$0xFFFFFF50] =	vst v2;
	v10 =	vadd.s32 v0, v10  }
0x1e8: {  	v34 =	vld [tilespmem:s7+$0xFFFFFFF0];
	[tilespmem:s9+$0x340] =	vst v30  }
0x1e9: {  	v8 =	vld.idx.msk [tilespmem:v12+s4+$0x0], $0xffff;
	[tilespmem:s9+$0xFFFFFF40] =	vst v9  }
0x1ea: {  	[tilespmem:s9+$0x140] =	vst v6;
	v35 =	vld.idx.msk [tilespmem:v11+s4+$0x0], $0xffff  }
0x1eb: {  	[tilespmem:s9+$0xFFFFFD40] =	vst v31;
	v36 =	vld.idx.msk [tilespmem:v5+s4+$0x0], $0xffff  }
0x1ec: {  	[tilespmem:s5+$0x150] =	vst v1;
	v10 =	vld.idx.msk [tilespmem:v10+s4+$0x0], $0xffff  }
0x1ed: {  	v38 =	vld [tilespmem:s7+$0x70];
	v37 =	vand.u32 $0xFFFF, v33  }
0x1ee: {  	v5 =	vadd.s32 v0, v37;
	[tilespmem:s9+$0x350] =	vst v8  }
0x1ef: {  	v8 =	vld [tilespmem:s14+$0xF0];
	[tilespmem:s9+$0xFFFFFF50] =	vst v35  }
0x1f0: {  	v41 =	vld [tilespmem:s14+$0xFFFFFFF0];
	[tilespmem:s9+$0x150] =	vst v36  }
0x1f1: {  	v40 =	vand.u32 $0xFFFF, v34;
	[tilespmem:s9+$0xFFFFFD50] =	vst v10;
	v44 =	vld [tilespmem:s14+$0x70]  }
0x1f2: {  	v43 =	vand.u32 $0xFFFF, v38;
	v42 =	vadd.s32 v0, v40;
	v39 =	vld [tilespmem:s14+$0xFFFFFF70]  }
0x1f3: {  	v2 =	vshrl.u32 v33, $0x10;
	v5 =	vld.idx.msk [tilespmem:v5+s4+$0x0], $0xffff;
	v10 =	vadd.s32 v0, v43  }
0x1f4: {  	v2 =	vadd.s32 v0, v2;
	v45 =	vand.u32 $0xFFFF, v8  }
0x1f5: {  	[tilespmem:s5+$0x360] =	vst v4;
	v46 =	vadd.s32 v0, v45;
	v48 =	vand.u32 $0xFFFF, v41  }
0x1f6: {  	v7 =	vld.idx.msk [tilespmem:v7+s4+$0x0], $0xffff;
	v15 =	vadd.s32 v0, v48;
	v49 =	vand.u32 $0xFFFF, v44  }
0x1f7: {  	v1 =	vld.idx.msk [tilespmem:v42+s4+$0x0], $0xffff;
	v47 =	vand.u32 $0xFFFF, v39;
	v51 =	vadd.s32 v0, v49  }
0x1f8: {  	v50 =	vshrl.u32 v34, $0x10;
	[tilespmem:s5+$0xFFFFFD60] =	vst v5;
	v10 =	vld.idx.msk [tilespmem:v10+s4+$0x0], $0xffff;
	v14 =	vadd.s32 v0, v47  }
0x1f9: {  	v9 =	vshrl.u32 v38, $0x10;
	v5 =	vadd.s32 v0, v50;
	v2 =	vld.idx.msk [tilespmem:v2+s4+$0x0], $0xffff  }
0x1fa: {  	[tilespmem:s0+$0x170] =	vst v3;
	v52 =	vadd.s32 v0, v9;
	v8 =	vshrl.u32 v8, $0x10;
	v4 =	vld.idx.msk [tilespmem:v46+s4+$0x0], $0xffff  }
0x1fb: {  	[tilespmem:s5+$0x370] =	vst v7;
	v53 =	vadd.s32 v0, v8;
	v56 =	vshrl.u32 v41, $0x10;
	v6 =	vshrl.u32 v39, $0x10;
	v57 =	vld.idx.msk [tilespmem:v15+s4+$0x0], $0xffff  }
0x1fc: {  	[tilespmem:s5+$0xFFFFFF60] =	vst v1;
	v58 =	vshrl.u32 v44, $0x10;
	v55 =	vadd.s32 v0, v6;
	v6 =	vadd.s32 v0, v56;
	v59 =	vld.idx.msk [tilespmem:v51+s4+$0x0], $0xffff  }
0x1fd: {  	v60 =	vadd.s32 v0, v58;
	[tilespmem:s5+$0x160] =	vst v10;
	v54 =	vld.idx.msk [tilespmem:v14+s4+$0x0], $0xffff  }
0x1fe: {  	v5 =	vld.idx.msk [tilespmem:v5+s4+$0x0], $0xffff;
	[tilespmem:s5+$0xFFFFFD70] =	vst v2  }
0x1ff: {  	v61 =	vld.idx.msk [tilespmem:v52+s4+$0x0], $0xffff;
	[tilespmem:s9+$0x360] =	vst v4  }
0x200: {  	v62 =	vld.idx.msk [tilespmem:v53+s4+$0x0], $0xffff;
	[tilespmem:s9+$0xFFFFFF60] =	vst v57  }
0x201: {  	v63 =	vld.idx.msk [tilespmem:v6+s4+$0x0], $0xffff;
	[tilespmem:s9+$0x160] =	vst v59  }
0x202: {  	[tilespmem:s9+$0xFFFFFD60] =	vst v54;
	v0 =	vld.idx.msk [tilespmem:v60+s4+$0x0], $0xffff  }
0x203: {  	[tilespmem:s5+$0xFFFFFF70] =	vst v5;
	v1 =	vld.idx.msk [tilespmem:v55+s4+$0x0], $0xffff  }
0x204: {  	p1 =	seq.s32 s31, $0xC;
	[tilespmem:s5+$0x170] =	vst v61  }
0x205: {  	s0 =	sshll.u32 @!p1 s31, $0xC;
	[tilespmem:s9+$0x370] =	vst v62  }
0x206: {  	s0 =	sand.u32 @!p1 $0x3FFFF000, s0;
	[tilespmem:s9+$0xFFFFFF70] =	vst v63  }
0x207: {  	s0 =	sadd.s32 @!p1 s0, s3;
	[tilespmem:s9+$0x170] =	vst v0  }
0x208: {  	s25 =	sshll.u32 s31, $0x11;
	s7 =	simm.s32 @!p1 $0x19680;
	s5 =	sadd.s32 @!p1 $0x1000, s0;
	[tilespmem:s9+$0xFFFFFD70] =	vst v1  }
0x209: {  	[tilespmem:s7], [sflag:$0x2] =	stream.linear.gather @!p1 [spmem:s5], $0x800, $0x38;
	[tilespmem:$0x1D380] =	vst v63  }
0x20a: {  	s5 =	sadd.s32 s30, s25  }
0x20b: {  	s5 =	sshrl.u32 s5, $0x3  }
0x20c: {  	s14 =	simm.s32 $0x1A780;
	s5 =	sadd.s32 s2, s5  }
0x20d: {  	s9 =	simm.s32 $0x80;
	s7 =	simm.s32 $0x1A680;
	s16 =	sadd.s32 $0x0, s5  }
.LBB2_6:
0x20e: {  	[hbm4b:s16+s4] =	stream.linear.scatter [tilespmem:s7], [sflag:$0x4], $0x80, $0x38;
	[tilespmem:$0x1D380] =	vst v63  }
0x20f: {  	s16 =	smov.u32 s9;
	s7 =	smov.u32 s14;
	p3 =	sne.s32 s9, $0xF80  }
.Ltmp1:
0x210: {  	s9 =	sadd.s32 $0x80, s9;
	(pc) =	sbr.rel @p3 .LBB2_6-.Ltmp1, $2  }
0x211: {  	_ =	sdelay $0x2  }
0x212: {  	s14 =	sadd.s32 $0x100, s14;
	s16 =	sadd.s32 s16, s5  }
0x213: {  	[hbm4b:s16+s4] =	stream.linear.scatter [tilespmem:s7], [sflag:$0x4], $0x80, $0x38;
	[tilespmem:$0x1D380] =	vst v63  }
0x214: {  	_ =	swait.ge [sflag:s24], $0x800  }
0x215: {  	[sflag:s24] =	ssyncset.done $0x0  }
0x216: {  	s5 =	simm.s32 @!p2 $0x5;
	[sflag:s24] =	ssyncadd.s32 $0xFFFFF800  }
0x217: {  	_ =	swait.ge @!p2 [sflag:s5], $0x1000  }
0x218: {  	[sflag:s5] =	ssyncset.done @!p2 $0x0  }
0x219: {  	s16 =	simm.s32 $0x19F80;
	[sflag:s5] =	ssyncadd.s32 @!p2 $0xFFFFF000  }
0x21a: {  	v1 =	vld [tilespmem:s16+$0x80];
	_ =	sdelay $0x1  }
0x21b: {  	s5 =	sor.u32 $0x1, s15;
	v2 =	vld [tilespmem:s16+$0xFFFFFF80]  }
0x21c: {  	s25 =	smul.u32 $0xFA0, s5;
	_ =	sdelay $0x1  }
0x21d: {  	v0 =	vmov s25;
	v4 =	vand.u32 $0xFFFF, v1  }
0x21e: {  	v4 =	vadd.s32 v0, v4  }
0x21f: {  	v5 =	vld [tilespmem:s16+$0xFFFFFF00];
	v6 =	vand.u32 $0xFFFF, v2  }
0x220: {  	v6 =	vadd.s32 v0, v6;
	_ =	sdelay $0x1  }
0x221: {  	v3 =	vld [tilespmem:s16+$0x0]  }
0x222: {  	v1 =	vshrl.u32 v1, $0x10;
	v4 =	vld.idx.msk [tilespmem:v4+s4+$0x0], $0xffff  }
0x223: {  	v8 =	vand.u32 $0xFFFF, v5;
	v1 =	vadd.s32 v0, v1  }
0x224: {  	v2 =	vshrl.u32 v2, $0x10;
	v8 =	vadd.s32 v0, v8;
	v6 =	vld.idx.msk [tilespmem:v6+s4+$0x0], $0xffff  }
0x225: {  	v2 =	vadd.s32 v0, v2  }
0x226: {  	s7 =	simm.s32 $0x1AB00;
	v7 =	vand.u32 $0xFFFF, v3  }
0x227: {  	v7 =	vadd.s32 v0, v7;
	[tilespmem:s7+$0x200] =	vst v4  }
0x228: {  	v1 =	vld.idx.msk [tilespmem:v1+s4+$0x0], $0xffff  }
0x229: {  	v4 =	vshrl.u32 v5, $0x10;
	v5 =	vld.idx.msk [tilespmem:v8+s4+$0x0], $0xffff;
	[tilespmem:s7+$0xFFFFFE00] =	vst v6  }
0x22a: {  	v4 =	vadd.s32 v0, v4;
	v2 =	vld.idx.msk [tilespmem:v2+s4+$0x0], $0xffff;
	_ =	sdelay $0x1  }
0x22b: {  	v3 =	vshrl.u32 v3, $0x10;
	v7 =	vld.idx.msk [tilespmem:v7+s4+$0x0], $0xffff  }
0x22c: {  	v3 =	vadd.s32 v0, v3;
	[tilespmem:s7+$0x210] =	vst v1  }
0x22d: {  	[tilespmem:s7+$0xFFFFFC00] =	vst v5;
	v1 =	vld [tilespmem:s16+$0x90]  }
0x22e: {  	v4 =	vld.idx.msk [tilespmem:v4+s4+$0x0], $0xffff;
	[tilespmem:s7+$0xFFFFFE10] =	vst v2  }
0x22f: {  	v2 =	vld [tilespmem:s16+$0xFFFFFF90]  }
0x230: {  	[tilespmem:s7+$0x0] =	vst v7  }
0x231: {  	v3 =	vld.idx.msk [tilespmem:v3+s4+$0x0], $0xffff  }
0x232: {  	v5 =	vand.u32 $0xFFFF, v1  }
0x233: {  	[tilespmem:s7+$0xFFFFFC10] =	vst v4;
	v4 =	vadd.s32 v0, v5  }
0x234: {  	v6 =	vand.u32 $0xFFFF, v2;
	v5 =	vld [tilespmem:s16+$0xFFFFFF10]  }
0x235: {  	v6 =	vadd.s32 v0, v6  }
0x236: {  	[tilespmem:s7+$0x10] =	vst v3  }
0x237: {  	v3 =	vld [tilespmem:s16+$0x10]  }
0x238: {  	v1 =	vshrl.u32 v1, $0x10;
	v4 =	vld.idx.msk [tilespmem:v4+s4+$0x0], $0xffff  }
0x239: {  	v1 =	vadd.s32 v0, v1;
	v8 =	vand.u32 $0xFFFF, v5  }
0x23a: {  	v2 =	vshrl.u32 v2, $0x10;
	v6 =	vld.idx.msk [tilespmem:v6+s4+$0x0], $0xffff;
	v8 =	vadd.s32 v0, v8  }
0x23b: {  	v2 =	vadd.s32 v0, v2  }
0x23c: {  	v7 =	vand.u32 $0xFFFF, v3  }
0x23d: {  	v7 =	vadd.s32 v0, v7;
	[tilespmem:s7+$0x220] =	vst v4  }
0x23e: {  	v1 =	vld.idx.msk [tilespmem:v1+s4+$0x0], $0xffff  }
0x23f: {  	v4 =	vshrl.u32 v5, $0x10;
	[tilespmem:s7+$0xFFFFFE20] =	vst v6;
	v5 =	vld.idx.msk [tilespmem:v8+s4+$0x0], $0xffff  }
0x240: {  	v4 =	vadd.s32 v0, v4;
	v2 =	vld.idx.msk [tilespmem:v2+s4+$0x0], $0xffff;
	_ =	sdelay $0x1  }
0x241: {  	v3 =	vshrl.u32 v3, $0x10;
	v7 =	vld.idx.msk [tilespmem:v7+s4+$0x0], $0xffff  }
0x242: {  	v3 =	vadd.s32 v0, v3;
	[tilespmem:s7+$0x230] =	vst v1  }
0x243: {  	[tilespmem:s7+$0xFFFFFC20] =	vst v5;
	v1 =	vld [tilespmem:s16+$0xA0]  }
0x244: {  	[tilespmem:s7+$0xFFFFFE30] =	vst v2;
	v4 =	vld.idx.msk [tilespmem:v4+s4+$0x0], $0xffff  }
0x245: {  	v2 =	vld [tilespmem:s16+$0xFFFFFFA0]  }
0x246: {  	[tilespmem:s7+$0x20] =	vst v7  }
0x247: {  	v3 =	vld.idx.msk [tilespmem:v3+s4+$0x0], $0xffff  }
0x248: {  	v5 =	vand.u32 $0xFFFF, v1  }
0x249: {  	[tilespmem:s7+$0xFFFFFC30] =	vst v4;
	v4 =	vadd.s32 v0, v5  }
0x24a: {  	v6 =	vand.u32 $0xFFFF, v2;
	v5 =	vld [tilespmem:s16+$0xFFFFFF20]  }
0x24b: {  	v6 =	vadd.s32 v0, v6  }
0x24c: {  	[tilespmem:s7+$0x30] =	vst v3  }
0x24d: {  	v3 =	vld [tilespmem:s16+$0x20]  }
0x24e: {  	v1 =	vshrl.u32 v1, $0x10;
	v4 =	vld.idx.msk [tilespmem:v4+s4+$0x0], $0xffff  }
0x24f: {  	v1 =	vadd.s32 v0, v1;
	v8 =	vand.u32 $0xFFFF, v5  }
0x250: {  	v2 =	vshrl.u32 v2, $0x10;
	v6 =	vld.idx.msk [tilespmem:v6+s4+$0x0], $0xffff;
	v8 =	vadd.s32 v0, v8  }
0x251: {  	v2 =	vadd.s32 v0, v2  }
0x252: {  	v7 =	vand.u32 $0xFFFF, v3  }
0x253: {  	v7 =	vadd.s32 v0, v7;
	[tilespmem:s7+$0x240] =	vst v4  }
0x254: {  	v1 =	vld.idx.msk [tilespmem:v1+s4+$0x0], $0xffff  }
0x255: {  	v4 =	vshrl.u32 v5, $0x10;
	[tilespmem:s7+$0xFFFFFE40] =	vst v6;
	v5 =	vld.idx.msk [tilespmem:v8+s4+$0x0], $0xffff  }
0x256: {  	v4 =	vadd.s32 v0, v4;
	v2 =	vld.idx.msk [tilespmem:v2+s4+$0x0], $0xffff;
	_ =	sdelay $0x1  }
0x257: {  	v3 =	vshrl.u32 v3, $0x10;
	v7 =	vld.idx.msk [tilespmem:v7+s4+$0x0], $0xffff  }
0x258: {  	v3 =	vadd.s32 v0, v3;
	[tilespmem:s7+$0x250] =	vst v1  }
0x259: {  	[tilespmem:s7+$0xFFFFFC40] =	vst v5;
	v1 =	vld [tilespmem:s16+$0xB0]  }
0x25a: {  	[tilespmem:s7+$0xFFFFFE50] =	vst v2;
	v4 =	vld.idx.msk [tilespmem:v4+s4+$0x0], $0xffff  }
0x25b: {  	v2 =	vld [tilespmem:s16+$0xFFFFFFB0]  }
0x25c: {  	[tilespmem:s7+$0x40] =	vst v7  }
0x25d: {  	v3 =	vld.idx.msk [tilespmem:v3+s4+$0x0], $0xffff  }
0x25e: {  	v5 =	vand.u32 $0xFFFF, v1  }
0x25f: {  	[tilespmem:s7+$0xFFFFFC50] =	vst v4;
	v4 =	vadd.s32 v0, v5  }
0x260: {  	v6 =	vand.u32 $0xFFFF, v2  }
0x261: {  	v5 =	vld [tilespmem:s16+$0xFFFFFF30];
	v6 =	vadd.s32 v0, v6  }
0x262: {  	[tilespmem:s7+$0x50] =	vst v3  }
0x263: {  	v3 =	vld [tilespmem:s16+$0x30]  }
0x264: {  	v1 =	vshrl.u32 v1, $0x10;
	v4 =	vld.idx.msk [tilespmem:v4+s4+$0x0], $0xffff  }
0x265: {  	v1 =	vadd.s32 v0, v1  }
0x266: {  	v8 =	vand.u32 $0xFFFF, v5;
	v6 =	vld.idx.msk [tilespmem:v6+s4+$0x0], $0xffff  }
0x267: {  	s14 =	simm.s32 $0x1A180;
	v8 =	vadd.s32 v0, v8  }
0x268: {  	v9 =	vld [tilespmem:s14+$0x0];
	v2 =	vshrl.u32 v2, $0x10  }
0x269: {  	v10 =	vld [tilespmem:s14+$0xFFFFFF00];
	v7 =	vand.u32 $0xFFFF, v3;
	v2 =	vadd.s32 v0, v2;
	[tilespmem:s7+$0x260] =	vst v4  }
0x26a: {  	v7 =	vadd.s32 v0, v7;
	v1 =	vld.idx.msk [tilespmem:v1+s4+$0x0], $0xffff  }
0x26b: {  	[tilespmem:s7+$0xFFFFFE60] =	vst v6;
	v6 =	vld [tilespmem:s14+$0x80]  }
0x26c: {  	v4 =	vld.idx.msk [tilespmem:v8+s4+$0x0], $0xffff  }
0x26d: {  	v8 =	vld [tilespmem:s14+$0xFFFFFF80]  }
0x26e: {  	v2 =	vld.idx.msk [tilespmem:v2+s4+$0x0], $0xffff  }
0x26f: {  	v7 =	vld.idx.msk [tilespmem:v7+s4+$0x0], $0xffff;
	v5 =	vshrl.u32 v5, $0x10;
	[tilespmem:s7+$0x270] =	vst v1  }
0x270: {  	v11 =	vand.u32 $0xFFFF, v6;
	v1 =	vshrl.u32 v3, $0x10;
	v3 =	vadd.s32 v0, v5;
	v5 =	vld [tilespmem:s16+$0xC0]  }
0x271: {  	v11 =	vadd.s32 v0, v11  }
0x272: {  	v12 =	vand.u32 $0xFFFF, v8;
	[tilespmem:s7+$0xFFFFFC60] =	vst v4;
	v1 =	vadd.s32 v0, v1  }
0x273: {  	[tilespmem:s7+$0xFFFFFE70] =	vst v2;
	v2 =	vand.u32 $0xFFFF, v10;
	v4 =	vadd.s32 v0, v12  }
0x274: {  	v12 =	vand.u32 $0xFFFF, v9;
	v13 =	vld [tilespmem:s16+$0xFFFFFFC0];
	v2 =	vadd.s32 v0, v2  }
0x275: {  	[tilespmem:s7+$0x60] =	vst v7;
	v7 =	vadd.s32 v0, v12;
	v3 =	vld.idx.msk [tilespmem:v3+s4+$0x0], $0xffff;
	v12 =	vand.u32 $0xFFFF, v5  }
0x276: {  	v11 =	vld.idx.msk [tilespmem:v11+s4+$0x0], $0xffff;
	v12 =	vadd.s32 v0, v12  }
0x277: {  	v6 =	vshrl.u32 v6, $0x10;
	v1 =	vld.idx.msk [tilespmem:v1+s4+$0x0], $0xffff  }
0x278: {  	v6 =	vadd.s32 v0, v6;
	v4 =	vld.idx.msk [tilespmem:v4+s4+$0x0], $0xffff  }
0x279: {  	v8 =	vshrl.u32 v8, $0x10;
	v2 =	vld.idx.msk [tilespmem:v2+s4+$0x0], $0xffff  }
0x27a: {  	v9 =	vshrl.u32 v9, $0x10;
	v8 =	vadd.s32 v0, v8;
	v7 =	vld.idx.msk [tilespmem:v7+s4+$0x0], $0xffff  }
0x27b: {  	s9 =	simm.s32 $0x1B300;
	v9 =	vadd.s32 v0, v9;
	[tilespmem:s7+$0xFFFFFC70] =	vst v3;
	v3 =	vshrl.u32 v5, $0x10;
	v12 =	vld.idx.msk [tilespmem:v12+s4+$0x0], $0xffff  }
0x27c: {  	v5 =	vshrl.u32 v10, $0x10;
	[tilespmem:s9+$0x200] =	vst v11;
	v10 =	vld [tilespmem:s16+$0xFFFFFF40];
	v3 =	vadd.s32 v0, v3  }
0x27d: {  	v5 =	vadd.s32 v0, v5;
	[tilespmem:s7+$0x70] =	vst v1;
	v1 =	vld.idx.msk [tilespmem:v6+s4+$0x0], $0xffff  }
0x27e: {  	v11 =	vand.u32 $0xFFFF, v13;
	[tilespmem:s9+$0xFFFFFE00] =	vst v4;
	v4 =	vld [tilespmem:s16+$0x40]  }
0x27f: {  	v6 =	vadd.s32 v0, v11;
	v8 =	vld.idx.msk [tilespmem:v8+s4+$0x0], $0xffff;
	[tilespmem:s9+$0x0] =	vst v7  }
0x280: {  	v7 =	vld.idx.msk [tilespmem:v9+s4+$0x0], $0xffff;
	[tilespmem:s7+$0x300] =	vst v12  }
0x281: {  	[tilespmem:s9+$0xFFFFFC00] =	vst v2;
	v2 =	vld.idx.msk [tilespmem:v3+s4+$0x0], $0xffff  }
0x282: {  	[tilespmem:s9+$0x210] =	vst v1;
	v3 =	vld.idx.msk [tilespmem:v5+s4+$0x0], $0xffff  }
0x283: {  	v5 =	vld [tilespmem:s14+$0x90]  }
0x284: {  	v1 =	vld.idx.msk [tilespmem:v6+s4+$0x0], $0xffff;
	[tilespmem:s9+$0xFFFFFE10] =	vst v8  }
0x285: {  	v6 =	vld [tilespmem:s14+$0xFFFFFF90];
	_ =	sdelay $0x1  }
0x286: {  	[tilespmem:s9+$0x10] =	vst v7  }
0x287: {  	v7 =	vand.u32 $0xFFFF, v10;
	v8 =	vld [tilespmem:s14+$0x10];
	[tilespmem:s7+$0x310] =	vst v2;
	v12 =	vand.u32 $0xFFFF, v5  }
0x288: {  	v2 =	vadd.s32 v0, v7;
	v7 =	vand.u32 $0xFFFF, v4;
	[tilespmem:s9+$0xFFFFFC10] =	vst v3;
	v3 =	vld [tilespmem:s16+$0xD0];
	v12 =	vadd.s32 v0, v12  }
0x289: {  	v9 =	vshrl.u32 v13, $0x10;
	v13 =	vand.u32 $0xFFFF, v6;
	v7 =	vadd.s32 v0, v7  }
0x28a: {  	v13 =	vadd.s32 v0, v13  }
0x28b: {  	v9 =	vadd.s32 v0, v9;
	v11 =	vld [tilespmem:s14+$0xFFFFFF10]  }
0x28c: {  	v14 =	vand.u32 $0xFFFF, v8  }
0x28d: {  	v14 =	vadd.s32 v0, v14;
	v15 =	vand.u32 $0xFFFF, v3;
	v12 =	vld.idx.msk [tilespmem:v12+s4+$0x0], $0xffff  }
0x28e: {  	[tilespmem:s7+$0xFFFFFF00] =	vst v1;
	v5 =	vshrl.u32 v5, $0x10;
	v1 =	vld.idx.msk [tilespmem:v7+s4+$0x0], $0xffff;
	v15 =	vadd.s32 v0, v15  }
0x28f: {  	v6 =	vshrl.u32 v6, $0x10;
	v5 =	vadd.s32 v0, v5;
	v13 =	vld.idx.msk [tilespmem:v13+s4+$0x0], $0xffff  }
0x290: {  	v9 =	vld.idx.msk [tilespmem:v9+s4+$0x0], $0xffff;
	v6 =	vadd.s32 v0, v6;
	v7 =	vand.u32 $0xFFFF, v11  }
0x291: {  	v10 =	vshrl.u32 v10, $0x10;
	v2 =	vld.idx.msk [tilespmem:v2+s4+$0x0], $0xffff;
	v7 =	vadd.s32 v0, v7  }
0x292: {  	v10 =	vadd.s32 v0, v10;
	v4 =	vshrl.u32 v4, $0x10;
	v14 =	vld.idx.msk [tilespmem:v14+s4+$0x0], $0xffff;
	[tilespmem:s9+$0x220] =	vst v12  }
0x293: {  	v4 =	vadd.s32 v0, v4;
	v8 =	vshrl.u32 v8, $0x10;
	[tilespmem:s7+$0x100] =	vst v1;
	v15 =	vld.idx.msk [tilespmem:v15+s4+$0x0], $0xffff  }
0x294: {  	v8 =	vadd.s32 v0, v8;
	[tilespmem:s9+$0xFFFFFE20] =	vst v13;
	v1 =	vld.idx.msk [tilespmem:v5+s4+$0x0], $0xffff  }
0x295: {  	v3 =	vshrl.u32 v3, $0x10;
	v5 =	vld.idx.msk [tilespmem:v6+s4+$0x0], $0xffff  }
0x296: {  	v3 =	vadd.s32 v0, v3;
	[tilespmem:s7+$0xFFFFFD00] =	vst v2;
	v2 =	vld.idx.msk [tilespmem:v7+s4+$0x0], $0xffff;
	v7 =	vshrl.u32 v11, $0x10  }
0x297: {  	[tilespmem:s7+$0xFFFFFF10] =	vst v9;
	v10 =	vld.idx.msk [tilespmem:v10+s4+$0x0], $0xffff;
	v7 =	vadd.s32 v0, v7  }
0x298: {  	v4 =	vld.idx.msk [tilespmem:v4+s4+$0x0], $0xffff;
	[tilespmem:s9+$0x20] =	vst v14  }
0x299: {  	v6 =	vld.idx.msk [tilespmem:v8+s4+$0x0], $0xffff;
	[tilespmem:s7+$0x320] =	vst v15  }
0x29a: {  	[tilespmem:s9+$0xFFFFFE30] =	vst v5;
	v5 =	vld [tilespmem:s16+$0xFFFFFFD0]  }
0x29b: {  	[tilespmem:s9+$0xFFFFFC20] =	vst v2;
	v2 =	vld.idx.msk [tilespmem:v3+s4+$0x0], $0xffff  }
0x29c: {  	v3 =	vld.idx.msk [tilespmem:v7+s4+$0x0], $0xffff  }
0x29d: {  	[tilespmem:s9+$0x230] =	vst v1;
	v8 =	vld [tilespmem:s14+$0xFFFFFFA0]  }
0x29e: {  	[tilespmem:s7+$0xFFFFFD10] =	vst v10;
	v7 =	vld [tilespmem:s14+$0xA0]  }
0x29f: {  	v1 =	vld [tilespmem:s16+$0xFFFFFF50]  }
0x2a0: {  	[tilespmem:s9+$0x30] =	vst v6  }
0x2a1: {  	[tilespmem:s7+$0x110] =	vst v4;
	v6 =	vld [tilespmem:s14+$0x20];
	v11 =	vand.u32 $0xFFFF, v5  }
0x2a2: {  	v12 =	vld [tilespmem:s16+$0x50];
	[tilespmem:s7+$0x330] =	vst v2;
	v4 =	vand.u32 $0xFFFF, v8;
	v11 =	vadd.s32 v0, v11  }
0x2a3: {  	[tilespmem:s9+$0xFFFFFC30] =	vst v3;
	v10 =	vand.u32 $0xFFFF, v7;
	v3 =	vld [tilespmem:s16+$0xE0];
	v4 =	vadd.s32 v0, v4  }
0x2a4: {  	v2 =	vand.u32 $0xFFFF, v1;
	v10 =	vadd.s32 v0, v10  }
0x2a5: {  	v2 =	vadd.s32 v0, v2  }
0x2a6: {  	v9 =	vld [tilespmem:s14+$0xFFFFFF20];
	v13 =	vand.u32 $0xFFFF, v6  }
0x2a7: {  	v16 =	vand.u32 $0xFFFF, v12;
	v13 =	vadd.s32 v0, v13;
	v11 =	vld.idx.msk [tilespmem:v11+s4+$0x0], $0xffff  }
0x2a8: {  	v16 =	vadd.s32 v0, v16;
	v14 =	vand.u32 $0xFFFF, v3;
	v4 =	vld.idx.msk [tilespmem:v4+s4+$0x0], $0xffff  }
0x2a9: {  	v7 =	vshrl.u32 v7, $0x10;
	v10 =	vld.idx.msk [tilespmem:v10+s4+$0x0], $0xffff;
	v14 =	vadd.s32 v0, v14  }
0x2aa: {  	v5 =	vshrl.u32 v5, $0x10;
	v7 =	vadd.s32 v0, v7;
	v2 =	vld.idx.msk [tilespmem:v2+s4+$0x0], $0xffff  }
0x2ab: {  	v5 =	vadd.s32 v0, v5;
	v15 =	vand.u32 $0xFFFF, v9  }
0x2ac: {  	v8 =	vshrl.u32 v8, $0x10;
	v15 =	vadd.s32 v0, v15;
	v13 =	vld.idx.msk [tilespmem:v13+s4+$0x0], $0xffff;
	[tilespmem:s7+$0xFFFFFF20] =	vst v11  }
0x2ad: {  	v6 =	vshrl.u32 v6, $0x10;
	v8 =	vadd.s32 v0, v8;
	[tilespmem:s9+$0xFFFFFE40] =	vst v4;
	v4 =	vld.idx.msk [tilespmem:v16+s4+$0x0], $0xffff  }
0x2ae: {  	v1 =	vshrl.u32 v1, $0x10;
	v6 =	vadd.s32 v0, v6;
	[tilespmem:s9+$0x240] =	vst v10;
	v14 =	vld.idx.msk [tilespmem:v14+s4+$0x0], $0xffff  }
0x2af: {  	v1 =	vadd.s32 v0, v1;
	[tilespmem:s7+$0xFFFFFD20] =	vst v2;
	v2 =	vshrl.u32 v3, $0x10;
	v7 =	vld.idx.msk [tilespmem:v7+s4+$0x0], $0xffff  }
0x2b0: {  	v5 =	vld.idx.msk [tilespmem:v5+s4+$0x0], $0xffff;
	v2 =	vadd.s32 v0, v2  }
0x2b1: {  	v3 =	vshrl.u32 v9, $0x10;
	v15 =	vld.idx.msk [tilespmem:v15+s4+$0x0], $0xffff  }
0x2b2: {  	v3 =	vadd.s32 v0, v3;
	v8 =	vld.idx.msk [tilespmem:v8+s4+$0x0], $0xffff;
	[tilespmem:s9+$0x40] =	vst v13  }
0x2b3: {  	v6 =	vld.idx.msk [tilespmem:v6+s4+$0x0], $0xffff;
	[tilespmem:s7+$0x340] =	vst v14  }
0x2b4: {  	v1 =	vld.idx.msk [tilespmem:v1+s4+$0x0], $0xffff;
	[tilespmem:s9+$0x250] =	vst v7;
	v7 =	vshrl.u32 v12, $0x10  }
0x2b5: {  	v2 =	vld.idx.msk [tilespmem:v2+s4+$0x0], $0xffff;
	v7 =	vadd.s32 v0, v7  }
0x2b6: {  	[tilespmem:s9+$0xFFFFFC40] =	vst v15;
	v9 =	vld [tilespmem:s14+$0xB0]  }
0x2b7: {  	[tilespmem:s9+$0xFFFFFE50] =	vst v8;
	v3 =	vld.idx.msk [tilespmem:v3+s4+$0x0], $0xffff  }
0x2b8: {  	v8 =	vld [tilespmem:s14+$0xFFFFFFB0];
	[tilespmem:s9+$0x50] =	vst v6  }
0x2b9: {  	[tilespmem:s7+$0x120] =	vst v4;
	v6 =	vld [tilespmem:s14+$0x30]  }
0x2ba: {  	[tilespmem:s7+$0xFFFFFD30] =	vst v1;
	v1 =	vld.idx.msk [tilespmem:v7+s4+$0x0], $0xffff  }
0x2bb: {  	[tilespmem:s7+$0x350] =	vst v2;
	v4 =	vand.u32 $0xFFFF, v9;
	v7 =	vld [tilespmem:s16+$0xFFFFFF60]  }
0x2bc: {  	[tilespmem:s9+$0xFFFFFC50] =	vst v3;
	v2 =	vld [tilespmem:s16+$0xF0];
	v4 =	vadd.s32 v0, v4  }
0x2bd: {  	v10 =	vand.u32 $0xFFFF, v8;
	v3 =	vld [tilespmem:s14+$0xFFFFFF30]  }
0x2be: {  	v10 =	vadd.s32 v0, v10  }
0x2bf: {  	v11 =	vand.u32 $0xFFFF, v6  }
0x2c0: {  	[tilespmem:s7+$0xFFFFFF30] =	vst v5;
	v5 =	vadd.s32 v0, v11;
	v14 =	vand.u32 $0xFFFF, v7  }
0x2c1: {  	v11 =	vand.u32 $0xFFFF, v2;
	v4 =	vld.idx.msk [tilespmem:v4+s4+$0x0], $0xffff;
	v14 =	vadd.s32 v0, v14  }
0x2c2: {  	v12 =	vld [tilespmem:s16+$0xFFFFFFE0];
	v13 =	vand.u32 $0xFFFF, v3;
	v11 =	vadd.s32 v0, v11  }
0x2c3: {  	v9 =	vshrl.u32 v9, $0x10;
	[tilespmem:s7+$0x130] =	vst v1;
	v10 =	vld.idx.msk [tilespmem:v10+s4+$0x0], $0xffff;
	v1 =	vadd.s32 v0, v13  }
0x2c4: {  	v9 =	vadd.s32 v0, v9;
	v13 =	vld [tilespmem:s16+$0x60]  }
0x2c5: {  	v5 =	vld.idx.msk [tilespmem:v5+s4+$0x0], $0xffff  }
0x2c6: {  	v8 =	vshrl.u32 v8, $0x10;
	[tilespmem:s9+$0x260] =	vst v4;
	v4 =	vld.idx.msk [tilespmem:v14+s4+$0x0], $0xffff  }
0x2c7: {  	v8 =	vadd.s32 v0, v8;
	v11 =	vld.idx.msk [tilespmem:v11+s4+$0x0], $0xffff  }
0x2c8: {  	v6 =	vshrl.u32 v6, $0x10;
	v2 =	vshrl.u32 v2, $0x10;
	v15 =	vld.idx.msk [tilespmem:v1+s4+$0x0], $0xffff  }
0x2c9: {  	s17 =	simm.s32 $0x1A380;
	v6 =	vadd.s32 v0, v6;
	v1 =	vadd.s32 v0, v2;
	v2 =	vld.idx.msk [tilespmem:v9+s4+$0x0], $0xffff  }
0x2ca: {  	[tilespmem:s9+$0xFFFFFE60] =	vst v10;
	v10 =	vld [tilespmem:s17+$0xFFFFFF80]  }
0x2cb: {  	v7 =	vshrl.u32 v7, $0x10;
	v9 =	vld [tilespmem:s17+$0x80]  }
0x2cc: {  	v7 =	vadd.s32 v0, v7;
	v8 =	vld.idx.msk [tilespmem:v8+s4+$0x0], $0xffff;
	[tilespmem:s9+$0x60] =	vst v5  }
0x2cd: {  	v3 =	vshrl.u32 v3, $0x10;
	v14 =	vld [tilespmem:s17+$0x0];
	[tilespmem:s7+$0x360] =	vst v11  }
0x2ce: {  	v3 =	vadd.s32 v0, v3;
	v6 =	vld.idx.msk [tilespmem:v6+s4+$0x0], $0xffff;
	[tilespmem:s9+$0x270] =	vst v2  }
0x2cf: {  	v11 =	vand.u32 $0xFFFF, v12;
	[tilespmem:s9+$0xFFFFFC60] =	vst v15;
	v15 =	vld [tilespmem:s17+$0xFFFFFF00]  }
0x2d0: {  	[tilespmem:s7+$0xFFFFFD40] =	vst v4;
	v17 =	vand.u32 $0xFFFF, v9;
	v11 =	vadd.s32 v0, v11;
	v47 =	vld [tilespmem:s14+$0xC0]  }
0x2d1: {  	[tilespmem:s9+$0xFFFFFE70] =	vst v8;
	v8 =	vand.u32 $0xFFFF, v10;
	v7 =	vld.idx.msk [tilespmem:v7+s4+$0x0], $0xffff;
	v5 =	vadd.s32 v0, v17  }
0x2d2: {  	v2 =	vand.u32 $0xFFFF, v13;
	v1 =	vld.idx.msk [tilespmem:v1+s4+$0x0], $0xffff;
	v8 =	vadd.s32 v0, v8  }
0x2d3: {  	v48 =	vand.u32 $0xFFFF, v14;
	v2 =	vadd.s32 v0, v2;
	v3 =	vld.idx.msk [tilespmem:v3+s4+$0x0], $0xffff  }
0x2d4: {  	v18 =	vld [tilespmem:s14+$0xFFFFFFC0];
	v17 =	vadd.s32 v0, v48;
	v20 =	vand.u32 $0xFFFF, v15  }
0x2d5: {  	v19 =	vand.u32 $0xFFFF, v47;
	v11 =	vld.idx.msk [tilespmem:v11+s4+$0x0], $0xffff;
	v4 =	vadd.s32 v0, v20  }
0x2d6: {  	v9 =	vshrl.u32 v9, $0x10;
	v5 =	vld.idx.msk [tilespmem:v5+s4+$0x0], $0xffff;
	v19 =	vadd.s32 v0, v19  }
0x2d7: {  	v10 =	vshrl.u32 v10, $0x10;
	v9 =	vadd.s32 v0, v9;
	v8 =	vld.idx.msk [tilespmem:v8+s4+$0x0], $0xffff  }
0x2d8: {  	v10 =	vadd.s32 v0, v10;
	v2 =	vld.idx.msk [tilespmem:v2+s4+$0x0], $0xffff  }
0x2d9: {  	[tilespmem:s9+$0x70] =	vst v6;
	v17 =	vld.idx.msk [tilespmem:v17+s4+$0x0], $0xffff  }
0x2da: {  	s15 =	simm.s32 $0x1BB00;
	v14 =	vshrl.u32 v14, $0x10;
	[tilespmem:s9+$0xFFFFFC70] =	vst v3;
	v3 =	vld.idx.msk [tilespmem:v4+s4+$0x0], $0xffff  }
0x2db: {  	v14 =	vadd.s32 v0, v14;
	v49 =	vand.u32 $0xFFFF, v18;
	[tilespmem:s15+$0x200] =	vst v5;
	v19 =	vld.idx.msk [tilespmem:v19+s4+$0x0], $0xffff  }
0x2dc: {  	v12 =	vshrl.u32 v12, $0x10;
	[tilespmem:s15+$0xFFFFFE00] =	vst v8;
	v6 =	vld.idx.msk [tilespmem:v9+s4+$0x0], $0xffff;
	v9 =	vadd.s32 v0, v49  }
0x2dd: {  	v12 =	vadd.s32 v0, v12;
	v4 =	vshrl.u32 v47, $0x10;
	v10 =	vld.idx.msk [tilespmem:v10+s4+$0x0], $0xffff  }
0x2de: {  	v5 =	vld [tilespmem:s14+$0xFFFFFF40];
	[tilespmem:s15+$0x0] =	vst v17;
	v4 =	vadd.s32 v0, v4  }
0x2df: {  	v15 =	vshrl.u32 v15, $0x10;
	v8 =	vld [tilespmem:s14+$0x40];
	[tilespmem:s7+$0xFFFFFF40] =	vst v11  }
0x2e0: {  	v15 =	vadd.s32 v0, v15;
	v14 =	vld.idx.msk [tilespmem:v14+s4+$0x0], $0xffff;
	[tilespmem:s9+$0x300] =	vst v19  }
0x2e1: {  	[tilespmem:s15+$0x210] =	vst v6;
	v6 =	vld.idx.msk [tilespmem:v9+s4+$0x0], $0xffff  }
0x2e2: {  	[tilespmem:s15+$0xFFFFFE10] =	vst v10;
	v10 =	vld.idx.msk [tilespmem:v12+s4+$0x0], $0xffff  }
0x2e3: {  	[tilespmem:s15+$0xFFFFFC00] =	vst v3;
	v9 =	vand.u32 $0xFFFF, v5;
	v3 =	vld.idx.msk [tilespmem:v4+s4+$0x0], $0xffff  }
0x2e4: {  	v9 =	vadd.s32 v0, v9;
	v50 =	vld [tilespmem:s17+$0xFFFFFF90]  }
0x2e5: {  	[tilespmem:s7+$0xFFFFFD50] =	vst v7;
	v4 =	vld.idx.msk [tilespmem:v15+s4+$0x0], $0xffff  }
0x2e6: {  	[tilespmem:s7+$0x140] =	vst v2;
	v12 =	vshrl.u32 v18, $0x10;
	v11 =	vld [tilespmem:s17+$0x90]  }
0x2e7: {  	v53 =	vld [tilespmem:s16+$0xFFFFFF70];
	[tilespmem:s15+$0x10] =	vst v14;
	v12 =	vadd.s32 v0, v12  }
0x2e8: {  	v15 =	vand.u32 $0xFFFF, v8;
	v14 =	vld [tilespmem:s17+$0x10];
	[tilespmem:s9+$0xFFFFFF00] =	vst v6  }
0x2e9: {  	v15 =	vadd.s32 v0, v15;
	[tilespmem:s9+$0x310] =	vst v3;
	v9 =	vld.idx.msk [tilespmem:v9+s4+$0x0], $0xffff;
	v6 =	vand.u32 $0xFFFF, v50  }
0x2ea: {  	v13 =	vshrl.u32 v13, $0x10;
	[tilespmem:s15+$0xFFFFFC10] =	vst v4;
	v4 =	vld [tilespmem:s14+$0xD0];
	v2 =	vadd.s32 v0, v6  }
0x2eb: {  	v3 =	vadd.s32 v0, v13;
	v51 =	vand.u32 $0xFFFF, v11;
	v13 =	vld [tilespmem:s17+$0xFFFFFF10]  }
0x2ec: {  	v5 =	vshrl.u32 v5, $0x10;
	[tilespmem:s7+$0xFFFFFF50] =	vst v10;
	v12 =	vld.idx.msk [tilespmem:v12+s4+$0x0], $0xffff;
	v17 =	vadd.s32 v0, v51  }
0x2ed: {  	v5 =	vadd.s32 v0, v5;
	v54 =	vld [tilespmem:s16+$0xFFFFFFF0];
	v6 =	vand.u32 $0xFFFF, v14  }
0x2ee: {  	v8 =	vshrl.u32 v8, $0x10;
	v15 =	vld.idx.msk [tilespmem:v15+s4+$0x0], $0xffff;
	v6 =	vadd.s32 v0, v6  }
0x2ef: {  	v8 =	vadd.s32 v0, v8;
	v7 =	vand.u32 $0xFFFF, v4;
	v2 =	vld.idx.msk [tilespmem:v2+s4+$0x0], $0xffff  }
0x2f0: {  	v3 =	vld.idx.msk [tilespmem:v3+s4+$0x0], $0xffff;
	v52 =	vand.u32 $0xFFFF, v13;
	v7 =	vadd.s32 v0, v7  }
0x2f1: {  	v11 =	vshrl.u32 v11, $0x10;
	[tilespmem:s9+$0xFFFFFD00] =	vst v9;
	v17 =	vld.idx.msk [tilespmem:v17+s4+$0x0], $0xffff;
	v10 =	vadd.s32 v0, v52  }
0x2f2: {  	v16 =	vshrl.u32 v50, $0x10;
	v11 =	vadd.s32 v0, v11;
	v5 =	vld.idx.msk [tilespmem:v5+s4+$0x0], $0xffff  }
0x2f3: {  	v16 =	vadd.s32 v0, v16;
	[tilespmem:s9+$0x100] =	vst v15;
	v6 =	vld.idx.msk [tilespmem:v6+s4+$0x0], $0xffff  }
0x2f4: {  	v14 =	vshrl.u32 v14, $0x10;
	[tilespmem:s15+$0xFFFFFE20] =	vst v2;
	v2 =	vld.idx.msk [tilespmem:v8+s4+$0x0], $0xffff  }
0x2f5: {  	v14 =	vadd.s32 v0, v14;
	v4 =	vshrl.u32 v4, $0x10;
	v7 =	vld.idx.msk [tilespmem:v7+s4+$0x0], $0xffff  }
0x2f6: {  	v4 =	vadd.s32 v0, v4;
	[tilespmem:s15+$0x220] =	vst v17;
	v9 =	vld.idx.msk [tilespmem:v10+s4+$0x0], $0xffff;
	v10 =	vshrl.u32 v13, $0x10  }
0x2f7: {  	[tilespmem:s9+$0xFFFFFF10] =	vst v12;
	v11 =	vld.idx.msk [tilespmem:v11+s4+$0x0], $0xffff;
	v10 =	vadd.s32 v0, v10  }
0x2f8: {  	[tilespmem:s9+$0xFFFFFD10] =	vst v5;
	v8 =	vld.idx.msk [tilespmem:v16+s4+$0x0], $0xffff  }
0x2f9: {  	[tilespmem:s15+$0x20] =	vst v6;
	v5 =	vld [tilespmem:s14+$0xFFFFFF50]  }
0x2fa: {  	v6 =	vld.idx.msk [tilespmem:v14+s4+$0x0], $0xffff;
	[tilespmem:s9+$0x320] =	vst v7  }
0x2fb: {  	[tilespmem:s15+$0xFFFFFC20] =	vst v9;
	v4 =	vld.idx.msk [tilespmem:v4+s4+$0x0], $0xffff  }
0x2fc: {  	[tilespmem:s15+$0x230] =	vst v11;
	v7 =	vld.idx.msk [tilespmem:v10+s4+$0x0], $0xffff  }
0x2fd: {  	[tilespmem:s15+$0xFFFFFE30] =	vst v8;
	v9 =	vld [tilespmem:s17+$0xA0]  }
0x2fe: {  	[tilespmem:s7+$0x150] =	vst v3;
	v11 =	vld [tilespmem:s17+$0xFFFFFFA0]  }
0x2ff: {  	v8 =	vld [tilespmem:s14+$0xFFFFFFD0];
	v10 =	vand.u32 $0xFFFF, v53;
	[tilespmem:s15+$0x30] =	vst v6  }
0x300: {  	v6 =	vadd.s32 v0, v10;
	v10 =	vand.u32 $0xFFFF, v54;
	v12 =	vld [tilespmem:s17+$0x20];
	[tilespmem:s9+$0x330] =	vst v4  }
0x301: {  	v4 =	vadd.s32 v0, v10;
	[tilespmem:s15+$0xFFFFFC30] =	vst v7;
	v7 =	vand.u32 $0xFFFF, v5;
	v10 =	vld [tilespmem:s14+$0xE0]  }
0x302: {  	[tilespmem:s9+$0x110] =	vst v2;
	v13 =	vand.u32 $0xFFFF, v9;
	v2 =	vld [tilespmem:s17+$0xFFFFFF20];
	v7 =	vadd.s32 v0, v7  }
0x303: {  	v55 =	vld [tilespmem:s16+$0x70];
	v15 =	vand.u32 $0xFFFF, v11;
	v3 =	vadd.s32 v0, v13  }
0x304: {  	v14 =	vld [tilespmem:s14+$0x50];
	v13 =	vand.u32 $0xFFFF, v8;
	v15 =	vadd.s32 v0, v15  }
0x305: {  	v56 =	vand.u32 $0xFFFF, v12;
	v6 =	vld.idx.msk [tilespmem:v6+s4+$0x0], $0xffff;
	v13 =	vadd.s32 v0, v13  }
0x306: {  	v17 =	vadd.s32 v0, v56;
	v4 =	vld.idx.msk [tilespmem:v4+s4+$0x0], $0xffff;
	v57 =	vand.u32 $0xFFFF, v10  }
0x307: {  	v21 =	vand.u32 $0xFFFF, v2;
	v7 =	vld.idx.msk [tilespmem:v7+s4+$0x0], $0xffff;
	v20 =	vadd.s32 v0, v57  }
0x308: {  	v5 =	vshrl.u32 v5, $0x10;
	v3 =	vld.idx.msk [tilespmem:v3+s4+$0x0], $0xffff;
	v21 =	vadd.s32 v0, v21  }
0x309: {  	v9 =	vshrl.u32 v9, $0x10;
	v5 =	vadd.s32 v0, v5;
	v15 =	vld.idx.msk [tilespmem:v15+s4+$0x0], $0xffff  }
0x30a: {  	v22 =	vand.u32 $0xFFFF, v14;
	v9 =	vadd.s32 v0, v9;
	v13 =	vld.idx.msk [tilespmem:v13+s4+$0x0], $0xffff  }
0x30b: {  	v11 =	vshrl.u32 v11, $0x10;
	v22 =	vadd.s32 v0, v22;
	v17 =	vld.idx.msk [tilespmem:v17+s4+$0x0], $0xffff  }
0x30c: {  	v12 =	vshrl.u32 v12, $0x10;
	v11 =	vadd.s32 v0, v11;
	v8 =	vshrl.u32 v8, $0x10;
	v20 =	vld.idx.msk [tilespmem:v20+s4+$0x0], $0xffff  }
0x30d: {  	v8 =	vadd.s32 v0, v8;
	[tilespmem:s9+$0xFFFFFD20] =	vst v7;
	v7 =	vadd.s32 v0, v12;
	v12 =	vld.idx.msk [tilespmem:v21+s4+$0x0], $0xffff  }
0x30e: {  	v10 =	vshrl.u32 v10, $0x10;
	[tilespmem:s15+$0x240] =	vst v3;
	v3 =	vld.idx.msk [tilespmem:v5+s4+$0x0], $0xffff  }
0x30f: {  	v2 =	vshrl.u32 v2, $0x10;
	[tilespmem:s15+$0xFFFFFE40] =	vst v15;
	v5 =	vadd.s32 v0, v10;
	v9 =	vld.idx.msk [tilespmem:v9+s4+$0x0], $0xffff  }
0x310: {  	v2 =	vadd.s32 v0, v2;
	v10 =	vld.idx.msk [tilespmem:v22+s4+$0x0], $0xffff;
	[tilespmem:s15+$0x40] =	vst v17  }
0x311: {  	v14 =	vshrl.u32 v14, $0x10;
	v11 =	vld.idx.msk [tilespmem:v11+s4+$0x0], $0xffff;
	[tilespmem:s9+$0xFFFFFF20] =	vst v13  }
0x312: {  	v14 =	vadd.s32 v0, v14;
	v8 =	vld.idx.msk [tilespmem:v8+s4+$0x0], $0xffff;
	[tilespmem:s9+$0x340] =	vst v20  }
0x313: {  	v7 =	vld.idx.msk [tilespmem:v7+s4+$0x0], $0xffff;
	[tilespmem:s15+$0xFFFFFC40] =	vst v12  }
0x314: {  	[tilespmem:s15+$0x250] =	vst v9;
	v5 =	vld.idx.msk [tilespmem:v5+s4+$0x0], $0xffff  }
0x315: {  	[tilespmem:s9+$0x120] =	vst v10;
	v2 =	vld.idx.msk [tilespmem:v2+s4+$0x0], $0xffff  }
0x316: {  	[tilespmem:s15+$0xFFFFFE50] =	vst v11;
	v9 =	vld [tilespmem:s17+$0xB0]  }
0x317: {  	[tilespmem:s9+$0xFFFFFD30] =	vst v3;
	v10 =	vld.idx.msk [tilespmem:v14+s4+$0x0], $0xffff  }
0x318: {  	v11 =	vld [tilespmem:s17+$0xFFFFFFB0];
	[tilespmem:s9+$0xFFFFFF30] =	vst v8  }
0x319: {  	v13 =	vshrl.u32 v54, $0x10;
	v8 =	vld [tilespmem:s14+$0xFFFFFF60];
	[tilespmem:s15+$0x50] =	vst v7  }
0x31a: {  	v13 =	vadd.s32 v0, v13;
	v7 =	vand.u32 $0xFFFF, v55;
	v12 =	vld [tilespmem:s17+$0x30]  }
0x31b: {  	v58 =	vld [tilespmem:s14+$0xFFFFFFE0];
	v7 =	vadd.s32 v0, v7;
	[tilespmem:s9+$0x350] =	vst v5;
	v5 =	vshrl.u32 v53, $0x10  }
0x31c: {  	[tilespmem:s15+$0xFFFFFC50] =	vst v2;
	v14 =	vld [tilespmem:s14+$0xF0];
	v2 =	vadd.s32 v0, v5;
	v5 =	vand.u32 $0xFFFF, v9  }
0x31d: {  	[tilespmem:s9+$0x130] =	vst v10;
	v3 =	vld [tilespmem:s17+$0xFFFFFF30];
	v5 =	vadd.s32 v0, v5  }
0x31e: {  	v16 =	vshrl.u32 v55, $0x10;
	[tilespmem:s7+$0xFFFFFF60] =	vst v4;
	v15 =	vand.u32 $0xFFFF, v11;
	v59 =	vld [tilespmem:s14+$0x60]  }
0x31f: {  	v4 =	vshrl.u32 v9, $0x10;
	v10 =	vadd.s32 v0, v15;
	v9 =	vld.idx.msk [tilespmem:v13+s4+$0x0], $0xffff;
	v15 =	vand.u32 $0xFFFF, v12  }
0x320: {  	v16 =	vadd.s32 v0, v16;
	[tilespmem:s7+$0xFFFFFD60] =	vst v6;
	v13 =	vand.u32 $0xFFFF, v8;
	v7 =	vld.idx.msk [tilespmem:v7+s4+$0x0], $0xffff;
	v6 =	vadd.s32 v0, v15  }
0x321: {  	[tilespmem:s7+$0x370] =	vst v1;
	v1 =	vshrl.u32 v11, $0x10;
	v63 =	vadd.s32 v0, v13;
	v15 =	vand.u32 $0xFFFF, v14;
	v2 =	vld.idx.msk [tilespmem:v2+s4+$0x0], $0xffff  }
0x322: {  	v62 =	vadd.s32 v0, v4;
	v60 =	vand.u32 $0xFFFF, v3;
	v15 =	vadd.s32 v0, v15;
	v5 =	vld.idx.msk [tilespmem:v5+s4+$0x0], $0xffff  }
0x323: {  	v24 =	vadd.s32 v0, v1;
	v1 =	vshrl.u32 v3, $0x10;
	v19 =	vadd.s32 v0, v60  }
0x324: {  	v61 =	vld.idx.msk [tilespmem:v10+s4+$0x0], $0xffff;
	[tilespmem:s7+$0xFFFFFF70] =	vst v9;
	v14 =	vshrl.u32 v14, $0x10;
	v11 =	vadd.s32 v0, v1;
	v1 =	vand.u32 $0xFFFF, v58  }
0x325: {  	[tilespmem:s7+$0x160] =	vst v7;
	v7 =	vshrl.u32 v8, $0x10;
	v8 =	vadd.s32 v0, v1;
	v23 =	vld.idx.msk [tilespmem:v6+s4+$0x0], $0xffff;
	v6 =	vshrl.u32 v12, $0x10  }
0x326: {  	v9 =	vld.idx.msk [tilespmem:v63+s4+$0x0], $0xffff;
	v1 =	vshrl.u32 v58, $0x10;
	v10 =	vadd.s32 v0, v6;
	[tilespmem:s7+$0xFFFFFD70] =	vst v2;
	v2 =	vand.u32 $0xFFFF, v59  }
0x327: {  	v4 =	vld.idx.msk [tilespmem:v15+s4+$0x0], $0xffff;
	[tilespmem:s15+$0x260] =	vst v5;
	v6 =	vadd.s32 v0, v2;
	v5 =	vadd.s32 v0, v7;
	v7 =	vshrl.u32 v59, $0x10  }
0x328: {  	v12 =	vld.idx.msk [tilespmem:v19+s4+$0x0], $0xffff;
	v2 =	vadd.s32 v0, v1;
	v1 =	vadd.s32 v0, v7;
	v7 =	vadd.s32 v0, v14  }
0x329: {  	v3 =	vld.idx.msk [tilespmem:v16+s4+$0x0], $0xffff  }
0x32a: {  	[tilespmem:s15+$0xFFFFFE60] =	vst v61;
	v13 =	vld.idx.msk [tilespmem:v62+s4+$0x0], $0xffff  }
0x32b: {  	s25 =	simm.s32 $0x1A580;
	s16 =	simm.s32 $0x8;
	v14 =	vld.idx.msk [tilespmem:v24+s4+$0x0], $0xffff;
	[tilespmem:s15+$0x60] =	vst v23  }
.LBB2_8:
0x32c: {  	v15 =	vld [tilespmem:s25+$0x80];
	s16 =	sadd.s32 $0x4, s16;
	[tilespmem:s9+$0x360] =	vst v4  }
0x32d: {  	p2 =	slt.u32 s16, $0xC;
	[tilespmem:s15+$0xFFFFFC60] =	vst v12;
	v4 =	vld.idx.msk [tilespmem:v7+s4+$0x0], $0xffff  }
0x32e: {  	v7 =	vld [tilespmem:s25+$0xFFFFFF80];
	[tilespmem:s7+$0x170] =	vst v3;
	s7 =	smov.u32 s9;
	s9 =	smov.u32 s15  }
0x32f: {  	v3 =	vld [tilespmem:s25+$0x0];
	[tilespmem:s15+$0x270] =	vst v13  }
0x330: {  	v12 =	vld [tilespmem:s17+$0xC0];
	[tilespmem:s7+$0xFFFFFD40] =	vst v9  }
0x331: {  	v9 =	vld [tilespmem:s25+$0xFFFFFF00];
	v13 =	vand.u32 $0xFFFF, v15;
	[tilespmem:s15+$0xFFFFFE70] =	vst v14  }
0x332: {  	v13 =	vadd.s32 v0, v13;
	v11 =	vld.idx.msk [tilespmem:v11+s4+$0x0], $0xffff  }
0x333: {  	v14 =	vand.u32 $0xFFFF, v7;
	v7 =	vshrl.u32 v7, $0x10;
	v10 =	vld.idx.msk [tilespmem:v10+s4+$0x0], $0xffff;
	[tilespmem:s7+$0x370] =	vst v4  }
0x334: {  	v4 =	vadd.s32 v0, v14;
	v14 =	vand.u32 $0xFFFF, v3;
	v3 =	vshrl.u32 v3, $0x10;
	v16 =	vld [tilespmem:s17+$0xFFFFFFC0]  }
0x335: {  	v7 =	vadd.s32 v0, v7;
	v14 =	vadd.s32 v0, v14;
	v17 =	vand.u32 $0xFFFF, v12;
	v8 =	vld.idx.msk [tilespmem:v8+s4+$0x0], $0xffff  }
0x336: {  	v18 =	vand.u32 $0xFFFF, v9;
	v9 =	vshrl.u32 v9, $0x10;
	v17 =	vadd.s32 v0, v17;
	v6 =	vld.idx.msk [tilespmem:v6+s4+$0x0], $0xffff  }
0x337: {  	v3 =	vadd.s32 v0, v3;
	v18 =	vadd.s32 v0, v18;
	v9 =	vadd.s32 v0, v9;
	v13 =	vld.idx.msk [tilespmem:v13+s4+$0x0], $0xffff  }
0x338: {  	v15 =	vshrl.u32 v15, $0x10;
	[tilespmem:s15+$0xFFFFFC70] =	vst v11;
	v5 =	vld.idx.msk [tilespmem:v5+s4+$0x0], $0xffff  }
0x339: {  	v11 =	vadd.s32 v0, v15;
	v4 =	vld.idx.msk [tilespmem:v4+s4+$0x0], $0xffff;
	v15 =	vand.u32 $0xFFFF, v16;
	v16 =	vshrl.u32 v16, $0x10;
	[tilespmem:s15+$0x70] =	vst v10  }
0x33a: {  	v10 =	vld.idx.msk [tilespmem:v14+s4+$0x0], $0xffff;
	v14 =	vadd.s32 v0, v15;
	v15 =	vadd.s32 v0, v16  }
0x33b: {  	v16 =	vld.idx.msk [tilespmem:v17+s4+$0x0], $0xffff;
	[tilespmem:s7+$0xFFFFFF40] =	vst v8  }
0x33c: {  	v12 =	vshrl.u32 v12, $0x10;
	s15 =	sadd.s32 $0x800, s15;
	v8 =	vld.idx.msk [tilespmem:v18+s4+$0x0], $0xffff;
	[tilespmem:s7+$0x140] =	vst v6  }
0x33d: {  	v12 =	vadd.s32 v0, v12;
	[tilespmem:s15+$0x200] =	vst v13;
	v6 =	vld [tilespmem:s17+$0xFFFFFF40]  }
0x33e: {  	v11 =	vld.idx.msk [tilespmem:v11+s4+$0x0], $0xffff;
	[tilespmem:s7+$0xFFFFFD50] =	vst v5  }
0x33f: {  	[tilespmem:s15+$0xFFFFFE00] =	vst v4;
	v4 =	vld [tilespmem:s17+$0x40]  }
0x340: {  	v5 =	vld.idx.msk [tilespmem:v7+s4+$0x0], $0xffff;
	[tilespmem:s15+$0x0] =	vst v10  }
0x341: {  	v3 =	vld.idx.msk [tilespmem:v3+s4+$0x0], $0xffff;
	[tilespmem:s9+$0x300] =	vst v16  }
0x342: {  	[tilespmem:s15+$0xFFFFFC00] =	vst v8;
	v7 =	vand.u32 $0xFFFF, v6;
	v6 =	vshrl.u32 v6, $0x10;
	v8 =	vld.idx.msk [tilespmem:v12+s4+$0x0], $0xffff  }
0x343: {  	v9 =	vld.idx.msk [tilespmem:v9+s4+$0x0], $0xffff;
	v7 =	vadd.s32 v0, v7;
	v6 =	vadd.s32 v0, v6  }
0x344: {  	[tilespmem:s15+$0x210] =	vst v11;
	v10 =	vld.idx.msk [tilespmem:v14+s4+$0x0], $0xffff;
	v11 =	vand.u32 $0xFFFF, v4;
	v4 =	vshrl.u32 v4, $0x10  }
0x345: {  	v12 =	vld [tilespmem:s25+$0x90];
	v11 =	vadd.s32 v0, v11;
	v4 =	vadd.s32 v0, v4  }
0x346: {  	[tilespmem:s15+$0xFFFFFE10] =	vst v5;
	v2 =	vld.idx.msk [tilespmem:v2+s4+$0x0], $0xffff  }
0x347: {  	v5 =	vld [tilespmem:s25+$0xFFFFFF90];
	[tilespmem:s15+$0x10] =	vst v3  }
0x348: {  	v3 =	vld [tilespmem:s25+$0x10];
	[tilespmem:s9+$0x310] =	vst v8  }
0x349: {  	[tilespmem:s15+$0xFFFFFC10] =	vst v9;
	v8 =	vld [tilespmem:s17+$0xD0]  }
0x34a: {  	v9 =	vld [tilespmem:s25+$0xFFFFFF10];
	v13 =	vand.u32 $0xFFFF, v12;
	[tilespmem:s9+$0xFFFFFF00] =	vst v10  }
0x34b: {  	v10 =	vadd.s32 v0, v13;
	v7 =	vld.idx.msk [tilespmem:v7+s4+$0x0], $0xffff  }
0x34c: {  	v13 =	vand.u32 $0xFFFF, v5;
	v5 =	vshrl.u32 v5, $0x10;
	v11 =	vld.idx.msk [tilespmem:v11+s4+$0x0], $0xffff;
	[tilespmem:s7+$0xFFFFFF50] =	vst v2  }
0x34d: {  	v2 =	vadd.s32 v0, v13;
	v13 =	vand.u32 $0xFFFF, v3;
	v3 =	vshrl.u32 v3, $0x10;
	v14 =	vld.idx.msk [tilespmem:v15+s4+$0x0], $0xffff  }
0x34e: {  	v5 =	vadd.s32 v0, v5;
	v13 =	vadd.s32 v0, v13;
	v15 =	vand.u32 $0xFFFF, v8;
	v1 =	vld.idx.msk [tilespmem:v1+s4+$0x0], $0xffff  }
0x34f: {  	v16 =	vand.u32 $0xFFFF, v9;
	v9 =	vshrl.u32 v9, $0x10;
	v15 =	vadd.s32 v0, v15;
	v17 =	vld [tilespmem:s14+$0xFFFFFF70]  }
0x350: {  	v3 =	vadd.s32 v0, v3;
	v16 =	vadd.s32 v0, v16;
	v9 =	vadd.s32 v0, v9;
	v10 =	vld.idx.msk [tilespmem:v10+s4+$0x0], $0xffff  }
0x351: {  	v12 =	vshrl.u32 v12, $0x10;
	[tilespmem:s9+$0xFFFFFD00] =	vst v7;
	v7 =	vld [tilespmem:s14+$0xFFFFFFF0]  }
0x352: {  	v18 =	vld.idx.msk [tilespmem:v2+s4+$0x0], $0xffff;
	v2 =	vadd.s32 v0, v12;
	[tilespmem:s9+$0x100] =	vst v11  }
0x353: {  	v11 =	vld.idx.msk [tilespmem:v13+s4+$0x0], $0xffff;
	[tilespmem:s9+$0xFFFFFF10] =	vst v14  }
0x354: {  	v12 =	vld.idx.msk [tilespmem:v15+s4+$0x0], $0xffff;
	v13 =	vand.u32 $0xFFFF, v17;
	v14 =	vshrl.u32 v17, $0x10;
	[tilespmem:s7+$0x150] =	vst v1  }
0x355: {  	v8 =	vshrl.u32 v8, $0x10;
	v15 =	vld.idx.msk [tilespmem:v16+s4+$0x0], $0xffff;
	v13 =	vadd.s32 v0, v13;
	v1 =	vadd.s32 v0, v14  }
0x356: {  	v8 =	vadd.s32 v0, v8;
	[tilespmem:s15+$0x220] =	vst v10;
	v6 =	vld.idx.msk [tilespmem:v6+s4+$0x0], $0xffff;
	v10 =	vand.u32 $0xFFFF, v7;
	v7 =	vshrl.u32 v7, $0x10  }
0x357: {  	v14 =	vld.idx.msk [tilespmem:v2+s4+$0x0], $0xffff;
	v10 =	vadd.s32 v0, v10;
	v2 =	vadd.s32 v0, v7  }
0x358: {  	[tilespmem:s15+$0xFFFFFE20] =	vst v18;
	v4 =	vld.idx.msk [tilespmem:v4+s4+$0x0], $0xffff  }
0x359: {  	v5 =	vld.idx.msk [tilespmem:v5+s4+$0x0], $0xffff;
	[tilespmem:s15+$0x20] =	vst v11  }
0x35a: {  	v3 =	vld.idx.msk [tilespmem:v3+s4+$0x0], $0xffff;
	[tilespmem:s9+$0x320] =	vst v12  }
0x35b: {  	[tilespmem:s15+$0xFFFFFC20] =	vst v15;
	v7 =	vld.idx.msk [tilespmem:v8+s4+$0x0], $0xffff  }
0x35c: {  	v8 =	vld.idx.msk [tilespmem:v9+s4+$0x0], $0xffff;
	[tilespmem:s9+$0xFFFFFD10] =	vst v6  }
0x35d: {  	[tilespmem:s15+$0x230] =	vst v14;
	v6 =	vld [tilespmem:s17+$0xFFFFFF50]  }
0x35e: {  	v9 =	vld [tilespmem:s25+$0xA0];
	[tilespmem:s9+$0x110] =	vst v4  }
0x35f: {  	[tilespmem:s15+$0xFFFFFE30] =	vst v5;
	v4 =	vld [tilespmem:s17+$0xFFFFFFD0]  }
0x360: {  	v5 =	vld [tilespmem:s25+$0xFFFFFFA0];
	[tilespmem:s15+$0x30] =	vst v3  }
0x361: {  	v3 =	vld [tilespmem:s25+$0x20];
	[tilespmem:s9+$0x330] =	vst v7  }
0x362: {  	[tilespmem:s15+$0xFFFFFC30] =	vst v8;
	v7 =	vand.u32 $0xFFFF, v6;
	v6 =	vshrl.u32 v6, $0x10;
	v8 =	vld [tilespmem:s17+$0xE0]  }
0x363: {  	v11 =	vld [tilespmem:s25+$0xFFFFFF20];
	v12 =	vand.u32 $0xFFFF, v9;
	v7 =	vadd.s32 v0, v7;
	v6 =	vadd.s32 v0, v6  }
0x364: {  	v12 =	vadd.s32 v0, v12;
	v14 =	vand.u32 $0xFFFF, v4;
	v4 =	vshrl.u32 v4, $0x10;
	v15 =	vld [tilespmem:s17+$0x50]  }
0x365: {  	v16 =	vand.u32 $0xFFFF, v5;
	v5 =	vshrl.u32 v5, $0x10;
	v14 =	vadd.s32 v0, v14;
	v17 =	vld [tilespmem:s14+$0x70];
	s14 =	smov.u32 s17;
	s17 =	smov.u32 s25  }
0x366: {  	v16 =	vadd.s32 v0, v16;
	v18 =	vand.u32 $0xFFFF, v3;
	v3 =	vshrl.u32 v3, $0x10;
	v13 =	vld.idx.msk [tilespmem:v13+s4+$0x0], $0xffff  }
0x367: {  	v5 =	vadd.s32 v0, v5;
	v18 =	vadd.s32 v0, v18;
	v19 =	vand.u32 $0xFFFF, v8;
	v10 =	vld.idx.msk [tilespmem:v10+s4+$0x0], $0xffff  }
0x368: {  	v20 =	vand.u32 $0xFFFF, v11;
	v11 =	vshrl.u32 v11, $0x10;
	v7 =	vld.idx.msk [tilespmem:v7+s4+$0x0], $0xffff;
	v19 =	vadd.s32 v0, v19  }
0x369: {  	v3 =	vadd.s32 v0, v3;
	v20 =	vadd.s32 v0, v20;
	v11 =	vadd.s32 v0, v11;
	v12 =	vld.idx.msk [tilespmem:v12+s4+$0x0], $0xffff  }
0x36a: {  	v9 =	vshrl.u32 v9, $0x10;
	v21 =	vand.u32 $0xFFFF, v15;
	v15 =	vshrl.u32 v15, $0x10;
	v14 =	vld.idx.msk [tilespmem:v14+s4+$0x0], $0xffff  }
0x36b: {  	v9 =	vadd.s32 v0, v9;
	v4 =	vadd.s32 v0, v4;
	v21 =	vadd.s32 v0, v21;
	v16 =	vld.idx.msk [tilespmem:v16+s4+$0x0], $0xffff  }
0x36c: {  	v15 =	vadd.s32 v0, v15;
	v18 =	vld.idx.msk [tilespmem:v18+s4+$0x0], $0xffff;
	[tilespmem:s7+$0xFFFFFD60] =	vst v13;
	v13 =	vand.u32 $0xFFFF, v17;
	v17 =	vshrl.u32 v17, $0x10  }
0x36d: {  	v19 =	vld.idx.msk [tilespmem:v19+s4+$0x0], $0xffff;
	[tilespmem:s7+$0xFFFFFF60] =	vst v10;
	v10 =	vadd.s32 v0, v13;
	v13 =	vadd.s32 v0, v17  }
0x36e: {  	v17 =	vld.idx.msk [tilespmem:v20+s4+$0x0], $0xffff;
	[tilespmem:s9+$0xFFFFFD20] =	vst v7;
	v7 =	vshrl.u32 v8, $0x10  }
0x36f: {  	[tilespmem:s15+$0x240] =	vst v12;
	v6 =	vld.idx.msk [tilespmem:v6+s4+$0x0], $0xffff;
	v7 =	vadd.s32 v0, v7  }
0x370: {  	v8 =	vld.idx.msk [tilespmem:v9+s4+$0x0], $0xffff;
	[tilespmem:s9+$0xFFFFFF20] =	vst v14  }
0x371: {  	[tilespmem:s15+$0xFFFFFE40] =	vst v16;
	v9 =	vld.idx.msk [tilespmem:v21+s4+$0x0], $0xffff  }
0x372: {  	v5 =	vld.idx.msk [tilespmem:v5+s4+$0x0], $0xffff;
	[tilespmem:s15+$0x40] =	vst v18  }
0x373: {  	v3 =	vld.idx.msk [tilespmem:v3+s4+$0x0], $0xffff;
	[tilespmem:s9+$0x340] =	vst v19  }
0x374: {  	[tilespmem:s15+$0xFFFFFC40] =	vst v17;
	v7 =	vld.idx.msk [tilespmem:v7+s4+$0x0], $0xffff  }
0x375: {  	v11 =	vld.idx.msk [tilespmem:v11+s4+$0x0], $0xffff;
	[tilespmem:s9+$0xFFFFFD30] =	vst v6  }
0x376: {  	[tilespmem:s15+$0x250] =	vst v8;
	v4 =	vld.idx.msk [tilespmem:v4+s4+$0x0], $0xffff  }
0x377: {  	v6 =	vld [tilespmem:s25+$0xB0];
	[tilespmem:s9+$0x120] =	vst v9  }
0x378: {  	[tilespmem:s15+$0xFFFFFE50] =	vst v5;
	v5 =	vld.idx.msk [tilespmem:v15+s4+$0x0], $0xffff  }
0x379: {  	v8 =	vld [tilespmem:s25+$0xFFFFFFB0];
	[tilespmem:s15+$0x50] =	vst v3  }
0x37a: {  	v3 =	vld [tilespmem:s25+$0x30];
	[tilespmem:s9+$0x350] =	vst v7  }
0x37b: {  	[tilespmem:s15+$0xFFFFFC50] =	vst v11;
	v7 =	vld [tilespmem:s14+$0xF0]  }
0x37c: {  	v9 =	vld [tilespmem:s25+$0xFFFFFF30];
	v11 =	vand.u32 $0xFFFF, v6;
	[tilespmem:s9+$0xFFFFFF30] =	vst v4  }
0x37d: {  	v4 =	vadd.s32 v0, v11;
	v12 =	vld [tilespmem:s14+$0xFFFFFF60]  }
0x37e: {  	v11 =	vand.u32 $0xFFFF, v8;
	v8 =	vshrl.u32 v8, $0x10;
	v14 =	vld [tilespmem:s14+$0xFFFFFFE0];
	[tilespmem:s9+$0x130] =	vst v5  }
0x37f: {  	v5 =	vadd.s32 v0, v11;
	v11 =	vand.u32 $0xFFFF, v3;
	v3 =	vshrl.u32 v3, $0x10;
	v15 =	vld [tilespmem:s14+$0x60]  }
0x380: {  	v16 =	vadd.s32 v0, v8;
	v8 =	vadd.s32 v0, v11;
	v11 =	vand.u32 $0xFFFF, v7;
	v17 =	vld.idx.msk [tilespmem:v10+s4+$0x0], $0xffff  }
0x381: {  	v10 =	vand.u32 $0xFFFF, v9;
	v9 =	vshrl.u32 v9, $0x10;
	v18 =	vadd.s32 v0, v11;
	v19 =	vld.idx.msk [tilespmem:v1+s4+$0x0], $0xffff  }
0x382: {  	v1 =	vadd.s32 v0, v10;
	v11 =	vadd.s32 v0, v9;
	v10 =	vadd.s32 v0, v3;
	v3 =	vld.idx.msk [tilespmem:v4+s4+$0x0], $0xffff  }
0x383: {  	v4 =	vshrl.u32 v6, $0x10;
	v6 =	vand.u32 $0xFFFF, v12;
	v9 =	vand.u32 $0xFFFF, v14;
	v20 =	vld.idx.msk [tilespmem:v2+s4+$0x0], $0xffff  }
0x384: {  	v22 =	vadd.s32 v0, v4;
	v23 =	vadd.s32 v0, v6;
	v21 =	vld.idx.msk [tilespmem:v5+s4+$0x0], $0xffff;
	v2 =	vand.u32 $0xFFFF, v15  }
0x385: {  	v4 =	vshrl.u32 v12, $0x10;
	v24 =	vld.idx.msk [tilespmem:v8+s4+$0x0], $0xffff;
	v8 =	vadd.s32 v0, v9;
	v6 =	vadd.s32 v0, v2  }
0x386: {  	v5 =	vadd.s32 v0, v4;
	v2 =	vshrl.u32 v14, $0x10;
	v9 =	vshrl.u32 v15, $0x10;
	v4 =	vld.idx.msk [tilespmem:v18+s4+$0x0], $0xffff;
	[tilespmem:s7+$0x160] =	vst v17  }
.Ltmp2:
0x387: {  	v7 =	vshrl.u32 v7, $0x10;
	v2 =	vadd.s32 v0, v2;
	v12 =	vld.idx.msk [tilespmem:v1+s4+$0x0], $0xffff;
	v1 =	vadd.s32 v0, v9;
	[tilespmem:s7+$0xFFFFFD70] =	vst v19;
	(pc) =	sbr.rel @p2 .LBB2_8-.Ltmp2, $4  }
0x388: {  	v7 =	vadd.s32 v0, v7;
	[tilespmem:s15+$0x260] =	vst v3;
	v3 =	vld.idx.msk [tilespmem:v13+s4+$0x0], $0xffff  }
0x389: {  	v13 =	vld.idx.msk [tilespmem:v22+s4+$0x0], $0xffff;
	[tilespmem:s7+$0xFFFFFF70] =	vst v20  }
0x38a: {  	[tilespmem:s15+$0xFFFFFE60] =	vst v21;
	v9 =	vld.idx.msk [tilespmem:v23+s4+$0x0], $0xffff  }
0x38b: {  	s25 =	sadd.s32 $0x200, s25;
	v14 =	vld.idx.msk [tilespmem:v16+s4+$0x0], $0xffff;
	[tilespmem:s15+$0x60] =	vst v24  }
0x38c: {  	_ =	sdelay $0x3  }
0x38d: {  	[tilespmem:s15+$0xFFFFFC60] =	vst v12;
	v10 =	vld.idx.msk [tilespmem:v10+s4+$0x0], $0xffff  }
0x38e: {  	v11 =	vld.idx.msk [tilespmem:v11+s4+$0x0], $0xffff;
	_ =	sdelay $0x1  }
0x38f: {  	[tilespmem:s15+$0x270] =	vst v13  }
0x390: {  	v59 =	vld [tilespmem:s17+$0xC0];
	[tilespmem:s15+$0xFFFFFE70] =	vst v14  }
0x391: {  	v60 =	vld [tilespmem:s17+$0xFFFFFFC0];
	[tilespmem:s15+$0x70] =	vst v10  }
0x392: {  	[tilespmem:s15+$0xFFFFFC70] =	vst v11;
	v10 =	vld [tilespmem:s17+$0x40]  }
0x393: {  	v11 =	vld [tilespmem:s17+$0xFFFFFF40];
	_ =	sdelay $0x1  }
0x394: {  	v61 =	vand.u32 $0xFFFF, v59  }
0x395: {  	v14 =	vadd.s32 v0, v61;
	v16 =	vand.u32 $0xFFFF, v60  }
0x396: {  	v16 =	vadd.s32 v0, v16;
	v17 =	vand.u32 $0xFFFF, v10  }
0x397: {  	v15 =	vand.u32 $0xFFFF, v11;
	v17 =	vadd.s32 v0, v17  }
0x398: {  	v15 =	vadd.s32 v0, v15;
	_ =	sdelay $0x1  }
0x399: {  	v12 =	vshrl.u32 v59, $0x10;
	v14 =	vld.idx.msk [tilespmem:v14+s4+$0x0], $0xffff  }
0x39a: {  	v12 =	vadd.s32 v0, v12;
	v13 =	vshrl.u32 v60, $0x10;
	v16 =	vld.idx.msk [tilespmem:v16+s4+$0x0], $0xffff  }
0x39b: {  	v13 =	vadd.s32 v0, v13;
	v10 =	vshrl.u32 v10, $0x10;
	v17 =	vld.idx.msk [tilespmem:v17+s4+$0x0], $0xffff  }
0x39c: {  	v11 =	vshrl.u32 v11, $0x10;
	v10 =	vadd.s32 v0, v10;
	v15 =	vld.idx.msk [tilespmem:v15+s4+$0x0], $0xffff  }
0x39d: {  	v11 =	vadd.s32 v0, v11  }
0x39e: {  	[tilespmem:s15+$0x300] =	vst v14  }
0x39f: {  	v12 =	vld.idx.msk [tilespmem:v12+s4+$0x0], $0xffff;
	[tilespmem:s15+$0xFFFFFF00] =	vst v16  }
0x3a0: {  	v13 =	vld.idx.msk [tilespmem:v13+s4+$0x0], $0xffff;
	[tilespmem:s15+$0x100] =	vst v17  }
0x3a1: {  	[tilespmem:s15+$0xFFFFFD00] =	vst v15;
	v10 =	vld.idx.msk [tilespmem:v10+s4+$0x0], $0xffff  }
0x3a2: {  	v11 =	vld.idx.msk [tilespmem:v11+s4+$0x0], $0xffff;
	_ =	sdelay $0x1  }
0x3a3: {  	[tilespmem:s15+$0x310] =	vst v12  }
0x3a4: {  	v12 =	vld [tilespmem:s17+$0xD0];
	[tilespmem:s15+$0xFFFFFF10] =	vst v13  }
0x3a5: {  	[tilespmem:s15+$0x110] =	vst v10;
	v62 =	vld [tilespmem:s17+$0xFFFFFFD0]  }
0x3a6: {  	[tilespmem:s15+$0xFFFFFD10] =	vst v11;
	v63 =	vld [tilespmem:s17+$0x50]  }
0x3a7: {  	v11 =	vld [tilespmem:s17+$0xFFFFFF50];
	_ =	sdelay $0x1  }
0x3a8: {  	v19 =	vand.u32 $0xFFFF, v12  }
0x3a9: {  	v14 =	vadd.s32 v0, v19;
	v21 =	vand.u32 $0xFFFF, v62  }
0x3aa: {  	v16 =	vadd.s32 v0, v21;
	v22 =	vand.u32 $0xFFFF, v63  }
0x3ab: {  	v20 =	vand.u32 $0xFFFF, v11;
	v17 =	vadd.s32 v0, v22  }
0x3ac: {  	v15 =	vadd.s32 v0, v20;
	_ =	sdelay $0x1  }
0x3ad: {  	v12 =	vshrl.u32 v12, $0x10;
	v14 =	vld.idx.msk [tilespmem:v14+s4+$0x0], $0xffff  }
0x3ae: {  	v12 =	vadd.s32 v0, v12;
	v10 =	vshrl.u32 v62, $0x10;
	v16 =	vld.idx.msk [tilespmem:v16+s4+$0x0], $0xffff  }
0x3af: {  	v13 =	vshrl.u32 v63, $0x10;
	v10 =	vadd.s32 v0, v10;
	v17 =	vld.idx.msk [tilespmem:v17+s4+$0x0], $0xffff  }
0x3b0: {  	v11 =	vshrl.u32 v11, $0x10;
	v13 =	vadd.s32 v0, v13;
	v15 =	vld.idx.msk [tilespmem:v15+s4+$0x0], $0xffff  }
0x3b1: {  	v11 =	vadd.s32 v0, v11  }
0x3b2: {  	[tilespmem:s15+$0x320] =	vst v14  }
0x3b3: {  	v12 =	vld.idx.msk [tilespmem:v12+s4+$0x0], $0xffff;
	[tilespmem:s15+$0xFFFFFF20] =	vst v16  }
0x3b4: {  	v10 =	vld.idx.msk [tilespmem:v10+s4+$0x0], $0xffff;
	[tilespmem:s15+$0x120] =	vst v17  }
0x3b5: {  	[tilespmem:s15+$0xFFFFFD20] =	vst v15;
	v13 =	vld.idx.msk [tilespmem:v13+s4+$0x0], $0xffff  }
0x3b6: {  	v11 =	vld.idx.msk [tilespmem:v11+s4+$0x0], $0xffff;
	_ =	sdelay $0x1  }
0x3b7: {  	v8 =	vld.idx.msk [tilespmem:v8+s4+$0x0], $0xffff;
	[tilespmem:s15+$0x330] =	vst v12  }
0x3b8: {  	v12 =	vld [tilespmem:s17+$0xE0];
	[tilespmem:s15+$0xFFFFFF30] =	vst v10  }
0x3b9: {  	v24 =	vld [tilespmem:s17+$0xFFFFFFE0];
	[tilespmem:s15+$0x130] =	vst v13  }
0x3ba: {  	[tilespmem:s15+$0xFFFFFD30] =	vst v11;
	v13 =	vld [tilespmem:s17+$0x60]  }
0x3bb: {  	v23 =	vld [tilespmem:s17+$0xFFFFFF60]  }
0x3bc: {  	v6 =	vld.idx.msk [tilespmem:v6+s4+$0x0], $0xffff  }
0x3bd: {  	v25 =	vand.u32 $0xFFFF, v12  }
0x3be: {  	v14 =	vadd.s32 v0, v25;
	v27 =	vand.u32 $0xFFFF, v24  }
0x3bf: {  	[tilespmem:s9+$0xFFFFFD40] =	vst v9;
	v28 =	vand.u32 $0xFFFF, v13;
	v9 =	vadd.s32 v0, v27  }
0x3c0: {  	v5 =	vld.idx.msk [tilespmem:v5+s4+$0x0], $0xffff;
	[tilespmem:s9+$0xFFFFFF40] =	vst v8;
	v26 =	vand.u32 $0xFFFF, v23;
	v29 =	vadd.s32 v0, v28  }
0x3c1: {  	[tilespmem:s9+$0x140] =	vst v6;
	v2 =	vld.idx.msk [tilespmem:v2+s4+$0x0], $0xffff;
	v15 =	vadd.s32 v0, v26  }
0x3c2: {  	v1 =	vld.idx.msk [tilespmem:v1+s4+$0x0], $0xffff  }
0x3c3: {  	v12 =	vshrl.u32 v12, $0x10;
	v30 =	vld.idx.msk [tilespmem:v14+s4+$0x0], $0xffff  }
0x3c4: {  	v12 =	vadd.s32 v0, v12;
	v11 =	vshrl.u32 v24, $0x10;
	v9 =	vld.idx.msk [tilespmem:v9+s4+$0x0], $0xffff  }
0x3c5: {  	v32 =	vshrl.u32 v13, $0x10;
	v11 =	vadd.s32 v0, v11;
	v6 =	vld.idx.msk [tilespmem:v29+s4+$0x0], $0xffff  }
0x3c6: {  	[tilespmem:s9+$0xFFFFFD50] =	vst v5;
	v10 =	vshrl.u32 v23, $0x10;
	v5 =	vadd.s32 v0, v32;
	v31 =	vld.idx.msk [tilespmem:v15+s4+$0x0], $0xffff  }
0x3c7: {  	v33 =	vld [tilespmem:s14+$0xFFFFFF70];
	[tilespmem:s9+$0xFFFFFF50] =	vst v2;
	v10 =	vadd.s32 v0, v10  }
0x3c8: {  	v34 =	vld [tilespmem:s14+$0xFFFFFFF0];
	[tilespmem:s15+$0x340] =	vst v30  }
0x3c9: {  	v8 =	vld.idx.msk [tilespmem:v12+s4+$0x0], $0xffff;
	[tilespmem:s15+$0xFFFFFF40] =	vst v9  }
0x3ca: {  	[tilespmem:s15+$0x140] =	vst v6;
	v35 =	vld.idx.msk [tilespmem:v11+s4+$0x0], $0xffff  }
0x3cb: {  	[tilespmem:s15+$0xFFFFFD40] =	vst v31;
	v36 =	vld.idx.msk [tilespmem:v5+s4+$0x0], $0xffff  }
0x3cc: {  	[tilespmem:s9+$0x150] =	vst v1;
	v10 =	vld.idx.msk [tilespmem:v10+s4+$0x0], $0xffff  }
0x3cd: {  	v38 =	vld [tilespmem:s14+$0x70];
	v37 =	vand.u32 $0xFFFF, v33  }
0x3ce: {  	v5 =	vadd.s32 v0, v37;
	[tilespmem:s15+$0x350] =	vst v8  }
0x3cf: {  	v8 =	vld [tilespmem:s17+$0xF0];
	[tilespmem:s15+$0xFFFFFF50] =	vst v35  }
0x3d0: {  	v41 =	vld [tilespmem:s17+$0xFFFFFFF0];
	[tilespmem:s15+$0x150] =	vst v36  }
0x3d1: {  	v40 =	vand.u32 $0xFFFF, v34;
	[tilespmem:s15+$0xFFFFFD50] =	vst v10;
	v44 =	vld [tilespmem:s17+$0x70]  }
0x3d2: {  	v43 =	vand.u32 $0xFFFF, v38;
	v42 =	vadd.s32 v0, v40;
	v39 =	vld [tilespmem:s17+$0xFFFFFF70]  }
0x3d3: {  	v2 =	vshrl.u32 v33, $0x10;
	v5 =	vld.idx.msk [tilespmem:v5+s4+$0x0], $0xffff;
	v10 =	vadd.s32 v0, v43  }
0x3d4: {  	v2 =	vadd.s32 v0, v2;
	v45 =	vand.u32 $0xFFFF, v8  }
0x3d5: {  	[tilespmem:s9+$0x360] =	vst v4;
	v46 =	vadd.s32 v0, v45;
	v48 =	vand.u32 $0xFFFF, v41  }
0x3d6: {  	v7 =	vld.idx.msk [tilespmem:v7+s4+$0x0], $0xffff;
	v15 =	vadd.s32 v0, v48;
	v49 =	vand.u32 $0xFFFF, v44  }
0x3d7: {  	v1 =	vld.idx.msk [tilespmem:v42+s4+$0x0], $0xffff;
	v47 =	vand.u32 $0xFFFF, v39;
	v51 =	vadd.s32 v0, v49  }
0x3d8: {  	v50 =	vshrl.u32 v34, $0x10;
	[tilespmem:s9+$0xFFFFFD60] =	vst v5;
	v10 =	vld.idx.msk [tilespmem:v10+s4+$0x0], $0xffff;
	v14 =	vadd.s32 v0, v47  }
0x3d9: {  	v9 =	vshrl.u32 v38, $0x10;
	v5 =	vadd.s32 v0, v50;
	v2 =	vld.idx.msk [tilespmem:v2+s4+$0x0], $0xffff  }
0x3da: {  	[tilespmem:s7+$0x170] =	vst v3;
	v52 =	vadd.s32 v0, v9;
	v8 =	vshrl.u32 v8, $0x10;
	v4 =	vld.idx.msk [tilespmem:v46+s4+$0x0], $0xffff  }
0x3db: {  	[tilespmem:s9+$0x370] =	vst v7;
	v53 =	vadd.s32 v0, v8;
	v56 =	vshrl.u32 v41, $0x10;
	v6 =	vshrl.u32 v39, $0x10;
	v57 =	vld.idx.msk [tilespmem:v15+s4+$0x0], $0xffff  }
0x3dc: {  	[tilespmem:s9+$0xFFFFFF60] =	vst v1;
	v58 =	vshrl.u32 v44, $0x10;
	v55 =	vadd.s32 v0, v6;
	v6 =	vadd.s32 v0, v56;
	v59 =	vld.idx.msk [tilespmem:v51+s4+$0x0], $0xffff  }
0x3dd: {  	v60 =	vadd.s32 v0, v58;
	[tilespmem:s9+$0x160] =	vst v10;
	v54 =	vld.idx.msk [tilespmem:v14+s4+$0x0], $0xffff  }
0x3de: {  	v5 =	vld.idx.msk [tilespmem:v5+s4+$0x0], $0xffff;
	[tilespmem:s9+$0xFFFFFD70] =	vst v2  }
0x3df: {  	v61 =	vld.idx.msk [tilespmem:v52+s4+$0x0], $0xffff;
	[tilespmem:s15+$0x360] =	vst v4  }
0x3e0: {  	v62 =	vld.idx.msk [tilespmem:v53+s4+$0x0], $0xffff;
	[tilespmem:s15+$0xFFFFFF60] =	vst v57  }
0x3e1: {  	v63 =	vld.idx.msk [tilespmem:v6+s4+$0x0], $0xffff;
	[tilespmem:s15+$0x160] =	vst v59  }
0x3e2: {  	[tilespmem:s15+$0xFFFFFD60] =	vst v54;
	v0 =	vld.idx.msk [tilespmem:v60+s4+$0x0], $0xffff  }
0x3e3: {  	[tilespmem:s9+$0xFFFFFF70] =	vst v5;
	v1 =	vld.idx.msk [tilespmem:v55+s4+$0x0], $0xffff  }
0x3e4: {  	[tilespmem:s9+$0x170] =	vst v61  }
0x3e5: {  	[tilespmem:s15+$0x370] =	vst v62  }
0x3e6: {  	[tilespmem:s15+$0xFFFFFF70] =	vst v63  }
0x3e7: {  	[tilespmem:s15+$0x170] =	vst v0  }
0x3e8: {  	s0 =	sadd.s32 @!p1 $0x1800, s0;
	s25 =	sshll.u32 s5, $0x10;
	s7 =	simm.s32 @!p1 $0x19E80;
	[tilespmem:s15+$0xFFFFFD70] =	vst v1  }
0x3e9: {  	[tilespmem:s7], [sflag:$0x3] =	stream.linear.gather @!p1 [spmem:s0], $0x800, $0x38;
	[tilespmem:$0x1D380] =	vst v63  }
0x3ea: {  	s0 =	sadd.s32 s30, s25  }
0x3eb: {  	s0 =	sshrl.u32 s0, $0x3  }
0x3ec: {  	s5 =	simm.s32 $0x1A700;
	s0 =	sadd.s32 s2, s0  }
0x3ed: {  	s9 =	simm.s32 $0x1A800;
	s7 =	simm.s32 $0x80;
	s14 =	sadd.s32 $0x0, s0  }
.LBB2_10:
0x3ee: {  	[hbm4b:s14+s4] =	stream.linear.scatter [tilespmem:s5], [sflag:$0x5], $0x80, $0x38;
	[tilespmem:$0x1D380] =	vst v63  }
0x3ef: {  	s14 =	smov.u32 s7;
	s5 =	smov.u32 s9;
	p1 =	sne.s32 s7, $0xF80  }
.Ltmp3:
0x3f0: {  	s7 =	sadd.s32 $0x80, s7;
	(pc) =	sbr.rel @p1 .LBB2_10-.Ltmp3, $2  }
0x3f1: {  	_ =	sdelay $0x2  }
0x3f2: {  	s9 =	sadd.s32 $0x100, s9;
	s14 =	sadd.s32 s14, s0  }
0x3f3: {  	s31 =	sadd.s32 $0x1, s31  }
0x3f4: {  	p1 =	sne.s32 s31, $0xD  }
.Ltmp4:
0x3f5: {  	_ = 	snop;
	(pc) =	sbr.rel @p1 .LBB2_3-.Ltmp4, $2  }
0x3f6: {  	_ =	sdelay $0x2  }
0x3f7: {  	[hbm4b:s14+s4] =	stream.linear.scatter [tilespmem:s5], [sflag:$0x5], $0x80, $0x38;
	[tilespmem:$0x1D380] =	vst v63  }
0x3f8: {  	s29 =	sadd.s32 $0x1, s29  }
0x3f9: {  	p1 =	sne.s32 s29, $0xD  }
.Ltmp5:
0x3fa: {  	_ = 	snop;
	(pc) =	sbr.rel @p1 .LBB2_2-.Ltmp5, $1  }
0x3fb: {  	_ =	sdelay $0x3  }
0x3fc: {  	s0 =	simm.s32 $0x4  }
0x3fd: {  	_ =	swait.ge [sflag:s0], $0x1000  }
0x3fe: {  	[sflag:s0] =	ssyncset.done $0x0  }
0x3ff: {  	[sflag:s0] =	ssyncadd.s32 $0xFFFFF000  }
0x400: {  	_ =	swait.ge [sflag:s26], $0x1000  }
0x401: {  	s28 =	sadd.s32 $0x1, s28;
	s31 =	rddreg [dreg:$0x7]  }
0x402: {  	p1 =	sne.s32 s28, s31  }
.Ltmp6:
0x403: {  	_ = 	snop;
	(pc) =	sbr.rel @p1 .LBB2_1-.Ltmp6, $3  }
0x404: {  	_ =	sdelay $0x1  }
0x405: {  	[sflag:s26] =	ssyncset.done $0x0  }
0x406: {  	[sflag:s26] =	ssyncadd.s32 $0xFFFFF000  }
0x407: {  	_ =	sfence.sel $0x180000  }
0x408: {  	[bflag:$0x0] =	sbarrier.arrive $0xFFFF  }
0x409: {  	_ =	strace $0x90000047  }
0x40a: {  	s0 =	stileid.u32;
	[bflag:$0x2] =	sbarrier.arrive $0xFFFF  }
0x40b: {  	p0 =	sne.s32 s0, $0x0;
	s0 =	rddreg [dreg:$0x4]  }
0x40c: {  	s0 =	sadd.s32 @!p0 $0x100000, s0  }
0x40d: {  	[sflag:s0] =	ssyncadd.tile.s32 @!p0 $0x1;
	_ =	shalt  }
.Lfunc_end2:
_tile_overlayer_lowered:
.L_overlay_start_2:
0x40e: {  	(tag) =	ssettag $0x2  }
0x40f: {  	s0 =	rddreg [dreg:$0x0];
	s2 =	stileid.u32  }
0x410: {  	s1 =	rddreg [dreg:$0x1];
	p0 =	sne.s32 s2, $0x0  }
0x411: {  	s3 =	rddreg [dreg:$0x2];
	[bflag:$0x3] =	sbarrier.arrive $0xFFFF;
	s2 =	simm.s32 @!p0 $0x1C06  }
0x412: {  	[timem:s3], [sflag:s2] =	dma.local @!p0 [hbm:s0], s1  }
0x413: {  	s0 =	simm.s32 @!p0 $0x6  }
0x414: {  	_ =	swait.ge @!p0 [sflag:s0], s1  }
0x415: {  	s1 =	ssub.s32 @!p0 $0x0, s1;
	[sflag:s0] =	ssyncset.done @!p0 $0x0  }
0x416: {  	[sflag:s0] =	ssyncadd.s32 @!p0 s1  }
0x417: {  	[bflag:$0x3] =	sbarrier.arrive $0xFFFF  }
0x418: {  	_ =	shalt  }

</sc_bundles>
